<compile_context>
chip_gen: v7x
topology: tpu7x:2x2x1
jax: 0.10.2.dev20260603
libtpu: 0.0.44.dev20260713+nightly
codegen_flags: <defaults>
</compile_context>

<pallas_src>
import dataclasses
import functools

import jax
import jax.numpy as jnp
from jax import lax
from jax.experimental import pallas as pl
from jax.experimental.pallas import tpu as pltpu
from jax.experimental.pallas import tpu_sc as plsc

N_NODES = 10000
N_EDGES = 320000
N_GRAPHS = 64
NODE_DIM = 128
EDGE_DIM = 16
ACC_ROWS = 64
LANES = 16

NW = 32
N_CT = N_EDGES // 128
CT_BASE_PER_TILE = N_CT // NW
CT_EXTRA = N_CT - CT_BASE_PER_TILE * NW
CT_CHUNK = 16
E_NCHUNK = (CT_BASE_PER_TILE + 1 + CT_CHUNK - 1) // CT_CHUNK

N_PAD_BLOCKS = 80


def _sc_edge_pool(e3, a4, batch):
    mesh = plsc.VectorSubcoreMesh(core_axis_name="c", subcore_axis_name="s")
    cp = pltpu.CompilerParams()
    if "needs_layout_passes" in pltpu.CompilerParams.__dataclass_fields__:
        cp = dataclasses.replace(cp, needs_layout_passes=False)
    if "use_tc_tiling_on_sc" in pltpu.CompilerParams.__dataclass_fields__:
        cp = dataclasses.replace(cp, use_tc_tiling_on_sc=False)

    @functools.partial(
        pl.kernel,
        out_type=jax.ShapeDtypeStruct((NW, ACC_ROWS, NODE_DIM), jnp.float32),
        mesh=mesh,
        compiler_params=cp,
        scratch_types=[
            pltpu.VMEM((N_NODES,), jnp.int32),
            pltpu.VMEM((ACC_ROWS, NODE_DIM), jnp.float32),
            pltpu.VMEM((2, CT_CHUNK, 8, NODE_DIM), jnp.float32),
            pltpu.VMEM((2, CT_CHUNK, 8, NODE_DIM), jnp.float32),
            pltpu.VMEM((CT_CHUNK, NODE_DIM), jnp.int32),
            pltpu.VMEM((CT_CHUNK, NODE_DIM), jnp.int32),
            pltpu.SemaphoreType.DMA,
            pltpu.SemaphoreType.DMA,
            pltpu.SemaphoreType.DMA,
        ],
    )
    def k(e3_hbm, a4_hbm, batch_hbm, out_hbm,
          batch_v, acc, ab0, ab1, sb0, sb1,
          sem_batch, sem_e0, sem_e1):
        wid = lax.axis_index("c") * 16 + lax.axis_index("s")

        iota = lax.iota(jnp.int32, LANES)
        ones = jnp.ones((LANES,), jnp.float32)
        zeros = jnp.zeros((LANES,), jnp.float32)
        zz = jnp.zeros((LANES,), jnp.int32)
        rots = [(iota + d) & (LANES - 1) for d in range(LANES)]
        fconsts = [((r >> 3) << 14) + ((r & 7) << 7) for r in rots]

        abufs = (ab0, ab1)
        sbufs = (sb0, sb1)
        esems = (sem_e0, sem_e1)

        h_batch = pltpu.async_copy(batch_hbm, batch_v, sem_batch)

        ct_base = wid * CT_BASE_PER_TILE + jnp.minimum(wid, CT_EXTRA)
        n_ct = CT_BASE_PER_TILE + jnp.where(wid < CT_EXTRA, 1, 0)
        n_echunks = (n_ct + CT_CHUNK - 1) // CT_CHUNK

        def echunk_start_ct(c):
            return ct_base + jnp.minimum(c * CT_CHUNK, n_ct - CT_CHUNK)

        def start_echunk(c, buf):
            ct0 = echunk_start_ct(c)
            ha = pltpu.async_copy(
                a4_hbm.at[:, pl.ds(ct0, CT_CHUNK)], abufs[buf], esems[buf])
            hs = pltpu.async_copy(
                e3_hbm.at[pl.ds(ct0, CT_CHUNK), 0], sbufs[buf], esems[buf])
            return ha, hs

        he0 = start_echunk(0, 0)

        @pl.loop(0, ACC_ROWS)
        def _(r):
            for cg in range(NODE_DIM // LANES):
                acc[r, pl.ds(cg * LANES, LANES)] = zeros

        h_batch.wait()

        def e_process(c, buf):
            glo = (c * CT_CHUNK - (echunk_start_ct(c) - ct_base)) * 8

            @pl.loop(glo, CT_CHUNK * 8)
            def _(g):
                ct_l = g >> 3
                lb = (g & 7) << 4
                cbase = (ct_l << 10) + lb + iota
                s_vec = sbufs[buf][ct_l, pl.ds(lb, LANES)]
                b_vec = plsc.load_gather(batch_v, [s_vec])
                plsc.addupdate_scatter(acc, [b_vec, iota + 32], ones)
                for dd in range(0, LANES, 8):
                    vals = [
                        plsc.load_gather(
                            abufs[buf], [zz, zz, zz, fconsts[d] + cbase])
                        for d in range(dd, dd + 8)
                    ]
                    for i, d in enumerate(range(dd, dd + 8)):
                        plsc.addupdate_scatter(acc, [b_vec, rots[d]], vals[i])

        he_prev = he0
        for c in range(E_NCHUNK):
            nxt = None
            if c + 1 < E_NCHUNK:
                @pl.when(c + 1 < n_echunks)
                def _():
                    start_echunk(c + 1, (c + 1) % 2)
                nxt = (
                    pltpu.make_async_copy(
                        a4_hbm.at[:, pl.ds(0, CT_CHUNK)],
                        abufs[(c + 1) % 2], esems[(c + 1) % 2]),
                    pltpu.make_async_copy(
                        e3_hbm.at[pl.ds(0, CT_CHUNK), 0],
                        sbufs[(c + 1) % 2], esems[(c + 1) % 2]),
                )

            @pl.when(c < n_echunks)
            def _():
                he_prev[0].wait()
                he_prev[1].wait()
                e_process(c, c % 2)

            he_prev = nxt

        pltpu.sync_copy(acc, out_hbm.at[wid])

    return k(e3, a4, batch)


def _tc_node_pool(x, batch_pad):

    def body(x_ref, b_ref, xs_ref, nc_ref):
        gi = lax.broadcasted_iota(jnp.int32, (N_GRAPHS, NODE_DIM), 0)

        def step(bk, carry):
            xs, nc = carry
            bb = b_ref[bk, :].reshape(1, NODE_DIM)
            oh = (bb == gi).astype(jnp.float32)
            xblk = x_ref[pl.ds(bk * NODE_DIM, NODE_DIM), :]
            xs = xs + jnp.dot(oh, xblk, preferred_element_type=jnp.float32,
                              precision=lax.Precision.HIGHEST)
            return xs, nc + oh

        xs0 = jnp.zeros((N_GRAPHS, NODE_DIM), jnp.float32)
        xs, nc = lax.fori_loop(0, N_PAD_BLOCKS, step, (xs0, xs0))
        xs_ref[...] = xs
        nc_ref[...] = nc

    return pl.pallas_call(
        body,
        out_shape=(
            jax.ShapeDtypeStruct((N_GRAPHS, NODE_DIM), jnp.float32),
            jax.ShapeDtypeStruct((N_GRAPHS, NODE_DIM), jnp.float32),
        ),
    )(x, batch_pad)


def _tc_head(partials, xs, nc, u, W1, b1, W2, b2):
    def body(p_ref, xs_ref, nc_ref, u_ref, w1_ref, b1_ref, w2_ref, b2_ref,
             o_ref):
        p = jnp.sum(p_ref[...], axis=0)
        e_sum = p[:, 0:16]
        e_cnt = jnp.sum(p[:, 32:48], axis=1, keepdims=True)
        n_cnt = jnp.sum(nc_ref[...], axis=1, keepdims=True)
        x_mean = xs_ref[...] / jnp.maximum(n_cnt, 1.0)
        e_mean = e_sum / jnp.maximum(e_cnt, 1.0)
        uu = u_ref[...]
        w1 = w1_ref[...]
        h = (
            jnp.dot(uu, w1[0:64], preferred_element_type=jnp.float32)
            + jnp.dot(x_mean, w1[64:192], preferred_element_type=jnp.float32)
            + jnp.dot(e_mean, w1[192:208], preferred_element_type=jnp.float32)
            + b1_ref[...]
        )
        h = jnp.maximum(h, 0.0)
        o_ref[...] = (
            jnp.dot(h, w2_ref[...], preferred_element_type=jnp.float32)
            + b2_ref[...]
        )

    return pl.pallas_call(
        body,
        out_shape=jax.ShapeDtypeStruct((N_GRAPHS, W2.shape[1]), jnp.float32),
    )(partials, xs, nc, u, W1, b1.reshape(1, -1), W2, b2.reshape(1, -1))


def kernel(x, edge_index, edge_attr, u, batch, W1, b1, W2, b2):
    batch32 = batch.astype(jnp.int32)
    e3 = edge_index.astype(jnp.int32).reshape(2, N_CT, 128).transpose(1, 0, 2)
    a4 = (edge_attr.T.reshape(EDGE_DIM // 8, 8, N_CT, 128)
          .transpose(0, 2, 1, 3))
    batch_pad = jnp.pad(
        batch32, (0, N_PAD_BLOCKS * NODE_DIM - N_NODES),
        constant_values=N_GRAPHS).reshape(N_PAD_BLOCKS, NODE_DIM)
    partials = _sc_edge_pool(e3, a4, batch32)
    xs, nc = _tc_node_pool(x, batch_pad)
    return _tc_head(partials, xs, nc, u, W1, b1, W2, b2)

# --- scband reference (transcript-rebuilt; emitter-appended) ---
"""Pipeline reference for scband-global-model-146028888380 (READ-ONLY COPY).

The authoritative reference and input builder live on the scoring server;
editing this copy changes nothing except your own understanding.
"""

import jax, jax.numpy as jnp
import numpy as np

NODE_DIM = 128
EDGE_DIM = 16
GLOBAL_DIM = 64
HIDDEN_DIM = 256
N_NODES = 10000
N_EDGES = 320000
N_GRAPHS = 64


def setup_inputs(seed: int = 0) -> dict:
    key = jax.random.key(seed)
    ks = jax.random.split(key, 9)
    x = jax.random.normal(ks[0], (N_NODES, NODE_DIM), dtype=jnp.float32)
    edge_index = jax.random.randint(ks[1], (2, N_EDGES), 0, N_NODES, dtype=jnp.int64)
    edge_attr = jax.random.normal(ks[2], (N_EDGES, EDGE_DIM), dtype=jnp.float32)
    u = jax.random.normal(ks[3], (N_GRAPHS, GLOBAL_DIM), dtype=jnp.float32)
    batch = jnp.sort(jax.random.randint(ks[4], (N_NODES,), 0, N_GRAPHS, dtype=jnp.int64))
    in_dim = GLOBAL_DIM + NODE_DIM + EDGE_DIM
    W1 = jax.random.normal(ks[5], (in_dim, HIDDEN_DIM), dtype=jnp.float32) * (1.0 / np.sqrt(in_dim))
    b1 = jnp.zeros((HIDDEN_DIM,), dtype=jnp.float32)
    W2 = jax.random.normal(ks[6], (HIDDEN_DIM, GLOBAL_DIM), dtype=jnp.float32) * (1.0 / np.sqrt(HIDDEN_DIM))
    b2 = jnp.zeros((GLOBAL_DIM,), dtype=jnp.float32)
    return {"x": x, "edge_index": edge_index, "edge_attr": edge_attr, "u": u, "batch": batch, "W1": W1, "b1": b1, "W2": W2, "b2": b2}


def _global_mean_pool(data, seg_ids, num_segments):
    s = jax.ops.segment_sum(data, seg_ids, num_segments=num_segments)
    cnt = jax.ops.segment_sum(jnp.ones((data.shape[0],), dtype=data.dtype), seg_ids, num_segments=num_segments)
    cnt = jnp.clip(cnt, 1.0, None)
    return s / cnt[:, None]


def reference(x, edge_index, edge_attr, u, batch, W1, b1, W2, b2):
    B = u.shape[0]
    edge_batch = batch[edge_index[0]]
    x_mean = _global_mean_pool(x, batch, B)
    edge_mean = _global_mean_pool(edge_attr, edge_batch, B)
    h = jnp.concatenate([u, x_mean, edge_mean], axis=-1)
    h = jnp.maximum(h @ W1 + b1, 0.0)
    out = h @ W2 + b2
    return out

if __name__ == "__main__":
    import jax
    _d = setup_inputs()
    print(jax.jit(kernel)(*tuple(_d.values())))

</pallas_src>

<mosaic_0001>
#map = affine_map<(d0, d1) -> (0, 0, 0)>
#map1 = affine_map<(d0, d1) -> (0, 0, 0, 0)>
#map2 = affine_map<(d0, d1) -> (0)>
module attributes {stable_mosaic.version = 14 : i64} {
  func.func @k(%arg0: i32, %arg1: i32, %arg2: memref<2500x2x128xi32, #tpu.memory_space<hbm>>, %arg3: memref<2x2500x8x128xf32, #tpu.memory_space<hbm>>, %arg4: memref<10000xi32, #tpu.memory_space<hbm>>, %arg5: memref<32x64x128xf32, #tpu.memory_space<hbm>>, %arg6: memref<10000xi32, #tpu.memory_space<vmem>>, %arg7: memref<64x128xf32, #tpu.memory_space<vmem>>, %arg8: memref<2x16x8x128xf32, #tpu.memory_space<vmem>>, %arg9: memref<2x16x8x128xf32, #tpu.memory_space<vmem>>, %arg10: memref<16x128xi32, #tpu.memory_space<vmem>>, %arg11: memref<16x128xi32, #tpu.memory_space<vmem>>, %arg12: memref<!tpu.dma_semaphore, #tpu.memory_space<semaphore_mem>>, %arg13: memref<!tpu.dma_semaphore, #tpu.memory_space<semaphore_mem>>, %arg14: memref<!tpu.dma_semaphore, #tpu.memory_space<semaphore_mem>>) attributes {dimension_semantics = [#tpu.dimension_semantics<core_parallel>, #tpu.dimension_semantics<subcore_parallel>], iteration_bounds = array<i64: 2, 16>, scalar_prefetch = 0 : i64, scratch_operands = 9 : i64, tpu.core_type = #tpu.core_type<sc_vector_subcore>, window_params = [{transform_indices = #map}, {transform_indices = #map1}, {transform_indices = #map2}, {transform_indices = #map}]} {
    %mul3A = arith.constant 16 : i32
    %mul3A_0 = arith.muli %arg0, %mul3A : i32
    %add3A = arith.addi %mul3A_0, %arg1 : i32
    %iota3A = tpu.iota {dimensions = array<i32: 0>} : vector<16xi32>
    %broadcast_in_dim3A = arith.constant 1.000000e+00 : f32
    %broadcast_in_dim3A_1 = vector.broadcast %broadcast_in_dim3A : f32 to vector<16xf32>
    %broadcast_in_dim3A_2 = arith.constant 0.000000e+00 : f32
    %broadcast_in_dim3A_3 = vector.broadcast %broadcast_in_dim3A_2 : f32 to vector<16xf32>
    %broadcast_in_dim3A_4 = arith.constant 0 : i32
    %broadcast_in_dim3A_5 = vector.broadcast %broadcast_in_dim3A_4 : i32 to vector<16xi32>
    %add3A_6 = arith.constant 0 : i32
    %add3A_7 = vector.broadcast %add3A_6 : i32 to vector<16xi32>
    %add3A_8 = arith.addi %iota3A, %add3A_7 : vector<16xi32>
    %and3A = arith.constant 15 : i32
    %and3A_9 = vector.broadcast %and3A : i32 to vector<16xi32>
    %and3A_10 = arith.andi %add3A_8, %and3A_9 : vector<16xi32>
    %add3A_11 = arith.constant 1 : i32
    %add3A_12 = vector.broadcast %add3A_11 : i32 to vector<16xi32>
    %add3A_13 = arith.addi %iota3A, %add3A_12 : vector<16xi32>
    %and3A_14 = arith.constant 15 : i32
    %and3A_15 = vector.broadcast %and3A_14 : i32 to vector<16xi32>
    %and3A_16 = arith.andi %add3A_13, %and3A_15 : vector<16xi32>
    %add3A_17 = arith.constant 2 : i32
    %add3A_18 = vector.broadcast %add3A_17 : i32 to vector<16xi32>
    %add3A_19 = arith.addi %iota3A, %add3A_18 : vector<16xi32>
    %and3A_20 = arith.constant 15 : i32
    %and3A_21 = vector.broadcast %and3A_20 : i32 to vector<16xi32>
    %and3A_22 = arith.andi %add3A_19, %and3A_21 : vector<16xi32>
    %add3A_23 = arith.constant 3 : i32
    %add3A_24 = vector.broadcast %add3A_23 : i32 to vector<16xi32>
    %add3A_25 = arith.addi %iota3A, %add3A_24 : vector<16xi32>
    %and3A_26 = arith.constant 15 : i32
    %and3A_27 = vector.broadcast %and3A_26 : i32 to vector<16xi32>
    %and3A_28 = arith.andi %add3A_25, %and3A_27 : vector<16xi32>
    %add3A_29 = arith.constant 4 : i32
    %add3A_30 = vector.broadcast %add3A_29 : i32 to vector<16xi32>
    %add3A_31 = arith.addi %iota3A, %add3A_30 : vector<16xi32>
    %and3A_32 = arith.constant 15 : i32
    %and3A_33 = vector.broadcast %and3A_32 : i32 to vector<16xi32>
    %and3A_34 = arith.andi %add3A_31, %and3A_33 : vector<16xi32>
    %add3A_35 = arith.constant 5 : i32
    %add3A_36 = vector.broadcast %add3A_35 : i32 to vector<16xi32>
    %add3A_37 = arith.addi %iota3A, %add3A_36 : vector<16xi32>
    %and3A_38 = arith.constant 15 : i32
    %and3A_39 = vector.broadcast %and3A_38 : i32 to vector<16xi32>
    %and3A_40 = arith.andi %add3A_37, %and3A_39 : vector<16xi32>
    %add3A_41 = arith.constant 6 : i32
    %add3A_42 = vector.broadcast %add3A_41 : i32 to vector<16xi32>
    %add3A_43 = arith.addi %iota3A, %add3A_42 : vector<16xi32>
    %and3A_44 = arith.constant 15 : i32
    %and3A_45 = vector.broadcast %and3A_44 : i32 to vector<16xi32>
    %and3A_46 = arith.andi %add3A_43, %and3A_45 : vector<16xi32>
    %add3A_47 = arith.constant 7 : i32
    %add3A_48 = vector.broadcast %add3A_47 : i32 to vector<16xi32>
    %add3A_49 = arith.addi %iota3A, %add3A_48 : vector<16xi32>
    %and3A_50 = arith.constant 15 : i32
    %and3A_51 = vector.broadcast %and3A_50 : i32 to vector<16xi32>
    %and3A_52 = arith.andi %add3A_49, %and3A_51 : vector<16xi32>
    %add3A_53 = arith.constant 8 : i32
    %add3A_54 = vector.broadcast %add3A_53 : i32 to vector<16xi32>
    %add3A_55 = arith.addi %iota3A, %add3A_54 : vector<16xi32>
    %and3A_56 = arith.constant 15 : i32
    %and3A_57 = vector.broadcast %and3A_56 : i32 to vector<16xi32>
    %and3A_58 = arith.andi %add3A_55, %and3A_57 : vector<16xi32>
    %add3A_59 = arith.constant 9 : i32
    %add3A_60 = vector.broadcast %add3A_59 : i32 to vector<16xi32>
    %add3A_61 = arith.addi %iota3A, %add3A_60 : vector<16xi32>
    %and3A_62 = arith.constant 15 : i32
    %and3A_63 = vector.broadcast %and3A_62 : i32 to vector<16xi32>
    %and3A_64 = arith.andi %add3A_61, %and3A_63 : vector<16xi32>
    %add3A_65 = arith.constant 10 : i32
    %add3A_66 = vector.broadcast %add3A_65 : i32 to vector<16xi32>
    %add3A_67 = arith.addi %iota3A, %add3A_66 : vector<16xi32>
    %and3A_68 = arith.constant 15 : i32
    %and3A_69 = vector.broadcast %and3A_68 : i32 to vector<16xi32>
    %and3A_70 = arith.andi %add3A_67, %and3A_69 : vector<16xi32>
    %add3A_71 = arith.constant 11 : i32
    %add3A_72 = vector.broadcast %add3A_71 : i32 to vector<16xi32>
    %add3A_73 = arith.addi %iota3A, %add3A_72 : vector<16xi32>
    %and3A_74 = arith.constant 15 : i32
    %and3A_75 = vector.broadcast %and3A_74 : i32 to vector<16xi32>
    %and3A_76 = arith.andi %add3A_73, %and3A_75 : vector<16xi32>
    %add3A_77 = arith.constant 12 : i32
    %add3A_78 = vector.broadcast %add3A_77 : i32 to vector<16xi32>
    %add3A_79 = arith.addi %iota3A, %add3A_78 : vector<16xi32>
    %and3A_80 = arith.constant 15 : i32
    %and3A_81 = vector.broadcast %and3A_80 : i32 to vector<16xi32>
    %and3A_82 = arith.andi %add3A_79, %and3A_81 : vector<16xi32>
    %add3A_83 = arith.constant 13 : i32
    %add3A_84 = vector.broadcast %add3A_83 : i32 to vector<16xi32>
    %add3A_85 = arith.addi %iota3A, %add3A_84 : vector<16xi32>
    %and3A_86 = arith.constant 15 : i32
    %and3A_87 = vector.broadcast %and3A_86 : i32 to vector<16xi32>
    %and3A_88 = arith.andi %add3A_85, %and3A_87 : vector<16xi32>
    %add3A_89 = arith.constant 14 : i32
    %add3A_90 = vector.broadcast %add3A_89 : i32 to vector<16xi32>
    %add3A_91 = arith.addi %iota3A, %add3A_90 : vector<16xi32>
    %and3A_92 = arith.constant 15 : i32
    %and3A_93 = vector.broadcast %and3A_92 : i32 to vector<16xi32>
    %and3A_94 = arith.andi %add3A_91, %and3A_93 : vector<16xi32>
    %add3A_95 = arith.constant 15 : i32
    %add3A_96 = vector.broadcast %add3A_95 : i32 to vector<16xi32>
    %add3A_97 = arith.addi %iota3A, %add3A_96 : vector<16xi32>
    %and3A_98 = arith.constant 15 : i32
    %and3A_99 = vector.broadcast %and3A_98 : i32 to vector<16xi32>
    %and3A_100 = arith.andi %add3A_97, %and3A_99 : vector<16xi32>
    %shift_right_arithmetic3A = arith.constant 3 : i32
    %shift_right_arithmetic3A_101 = vector.broadcast %shift_right_arithmetic3A : i32 to vector<16xi32>
    %shift_right_arithmetic3A_102 = arith.shrsi %and3A_10, %shift_right_arithmetic3A_101 : vector<16xi32>
    %shift_left3A = arith.constant 14 : i32
    %shift_left3A_103 = vector.broadcast %shift_left3A : i32 to vector<16xi32>
    %shift_left3A_104 = arith.shli %shift_right_arithmetic3A_102, %shift_left3A_103 : vector<16xi32>
    %and3A_105 = arith.constant 7 : i32
    %and3A_106 = vector.broadcast %and3A_105 : i32 to vector<16xi32>
    %and3A_107 = arith.andi %and3A_10, %and3A_106 : vector<16xi32>
    %shift_left3A_108 = arith.constant 7 : i32
    %shift_left3A_109 = vector.broadcast %shift_left3A_108 : i32 to vector<16xi32>
    %shift_left3A_110 = arith.shli %and3A_107, %shift_left3A_109 : vector<16xi32>
    %add3A_111 = arith.addi %shift_left3A_104, %shift_left3A_110 : vector<16xi32>
    %shift_right_arithmetic3A_112 = arith.constant 3 : i32
    %shift_right_arithmetic3A_113 = vector.broadcast %shift_right_arithmetic3A_112 : i32 to vector<16xi32>
    %shift_right_arithmetic3A_114 = arith.shrsi %and3A_16, %shift_right_arithmetic3A_113 : vector<16xi32>
    %shift_left3A_115 = arith.constant 14 : i32
    %shift_left3A_116 = vector.broadcast %shift_left3A_115 : i32 to vector<16xi32>
    %shift_left3A_117 = arith.shli %shift_right_arithmetic3A_114, %shift_left3A_116 : vector<16xi32>
    %and3A_118 = arith.constant 7 : i32
    %and3A_119 = vector.broadcast %and3A_118 : i32 to vector<16xi32>
    %and3A_120 = arith.andi %and3A_16, %and3A_119 : vector<16xi32>
    %shift_left3A_121 = arith.constant 7 : i32
    %shift_left3A_122 = vector.broadcast %shift_left3A_121 : i32 to vector<16xi32>
    %shift_left3A_123 = arith.shli %and3A_120, %shift_left3A_122 : vector<16xi32>
    %add3A_124 = arith.addi %shift_left3A_117, %shift_left3A_123 : vector<16xi32>
    %shift_right_arithmetic3A_125 = arith.constant 3 : i32
    %shift_right_arithmetic3A_126 = vector.broadcast %shift_right_arithmetic3A_125 : i32 to vector<16xi32>
    %shift_right_arithmetic3A_127 = arith.shrsi %and3A_22, %shift_right_arithmetic3A_126 : vector<16xi32>
    %shift_left3A_128 = arith.constant 14 : i32
    %shift_left3A_129 = vector.broadcast %shift_left3A_128 : i32 to vector<16xi32>
    %shift_left3A_130 = arith.shli %shift_right_arithmetic3A_127, %shift_left3A_129 : vector<16xi32>
    %and3A_131 = arith.constant 7 : i32
    %and3A_132 = vector.broadcast %and3A_131 : i32 to vector<16xi32>
    %and3A_133 = arith.andi %and3A_22, %and3A_132 : vector<16xi32>
    %shift_left3A_134 = arith.constant 7 : i32
    %shift_left3A_135 = vector.broadcast %shift_left3A_134 : i32 to vector<16xi32>
    %shift_left3A_136 = arith.shli %and3A_133, %shift_left3A_135 : vector<16xi32>
    %add3A_137 = arith.addi %shift_left3A_130, %shift_left3A_136 : vector<16xi32>
    %shift_right_arithmetic3A_138 = arith.constant 3 : i32
    %shift_right_arithmetic3A_139 = vector.broadcast %shift_right_arithmetic3A_138 : i32 to vector<16xi32>
    %shift_right_arithmetic3A_140 = arith.shrsi %and3A_28, %shift_right_arithmetic3A_139 : vector<16xi32>
    %shift_left3A_141 = arith.constant 14 : i32
    %shift_left3A_142 = vector.broadcast %shift_left3A_141 : i32 to vector<16xi32>
    %shift_left3A_143 = arith.shli %shift_right_arithmetic3A_140, %shift_left3A_142 : vector<16xi32>
    %and3A_144 = arith.constant 7 : i32
    %and3A_145 = vector.broadcast %and3A_144 : i32 to vector<16xi32>
    %and3A_146 = arith.andi %and3A_28, %and3A_145 : vector<16xi32>
    %shift_left3A_147 = arith.constant 7 : i32
    %shift_left3A_148 = vector.broadcast %shift_left3A_147 : i32 to vector<16xi32>
    %shift_left3A_149 = arith.shli %and3A_146, %shift_left3A_148 : vector<16xi32>
    %add3A_150 = arith.addi %shift_left3A_143, %shift_left3A_149 : vector<16xi32>
    %shift_right_arithmetic3A_151 = arith.constant 3 : i32
    %shift_right_arithmetic3A_152 = vector.broadcast %shift_right_arithmetic3A_151 : i32 to vector<16xi32>
    %shift_right_arithmetic3A_153 = arith.shrsi %and3A_34, %shift_right_arithmetic3A_152 : vector<16xi32>
    %shift_left3A_154 = arith.constant 14 : i32
    %shift_left3A_155 = vector.broadcast %shift_left3A_154 : i32 to vector<16xi32>
    %shift_left3A_156 = arith.shli %shift_right_arithmetic3A_153, %shift_left3A_155 : vector<16xi32>
    %and3A_157 = arith.constant 7 : i32
    %and3A_158 = vector.broadcast %and3A_157 : i32 to vector<16xi32>
    %and3A_159 = arith.andi %and3A_34, %and3A_158 : vector<16xi32>
    %shift_left3A_160 = arith.constant 7 : i32
    %shift_left3A_161 = vector.broadcast %shift_left3A_160 : i32 to vector<16xi32>
    %shift_left3A_162 = arith.shli %and3A_159, %shift_left3A_161 : vector<16xi32>
    %add3A_163 = arith.addi %shift_left3A_156, %shift_left3A_162 : vector<16xi32>
    %shift_right_arithmetic3A_164 = arith.constant 3 : i32
    %shift_right_arithmetic3A_165 = vector.broadcast %shift_right_arithmetic3A_164 : i32 to vector<16xi32>
    %shift_right_arithmetic3A_166 = arith.shrsi %and3A_40, %shift_right_arithmetic3A_165 : vector<16xi32>
    %shift_left3A_167 = arith.constant 14 : i32
    %shift_left3A_168 = vector.broadcast %shift_left3A_167 : i32 to vector<16xi32>
    %shift_left3A_169 = arith.shli %shift_right_arithmetic3A_166, %shift_left3A_168 : vector<16xi32>
    %and3A_170 = arith.constant 7 : i32
    %and3A_171 = vector.broadcast %and3A_170 : i32 to vector<16xi32>
    %and3A_172 = arith.andi %and3A_40, %and3A_171 : vector<16xi32>
    %shift_left3A_173 = arith.constant 7 : i32
    %shift_left3A_174 = vector.broadcast %shift_left3A_173 : i32 to vector<16xi32>
    %shift_left3A_175 = arith.shli %and3A_172, %shift_left3A_174 : vector<16xi32>
    %add3A_176 = arith.addi %shift_left3A_169, %shift_left3A_175 : vector<16xi32>
    %shift_right_arithmetic3A_177 = arith.constant 3 : i32
    %shift_right_arithmetic3A_178 = vector.broadcast %shift_right_arithmetic3A_177 : i32 to vector<16xi32>
    %shift_right_arithmetic3A_179 = arith.shrsi %and3A_46, %shift_right_arithmetic3A_178 : vector<16xi32>
    %shift_left3A_180 = arith.constant 14 : i32
    %shift_left3A_181 = vector.broadcast %shift_left3A_180 : i32 to vector<16xi32>
    %shift_left3A_182 = arith.shli %shift_right_arithmetic3A_179, %shift_left3A_181 : vector<16xi32>
    %and3A_183 = arith.constant 7 : i32
    %and3A_184 = vector.broadcast %and3A_183 : i32 to vector<16xi32>
    %and3A_185 = arith.andi %and3A_46, %and3A_184 : vector<16xi32>
    %shift_left3A_186 = arith.constant 7 : i32
    %shift_left3A_187 = vector.broadcast %shift_left3A_186 : i32 to vector<16xi32>
    %shift_left3A_188 = arith.shli %and3A_185, %shift_left3A_187 : vector<16xi32>
    %add3A_189 = arith.addi %shift_left3A_182, %shift_left3A_188 : vector<16xi32>
    %shift_right_arithmetic3A_190 = arith.constant 3 : i32
    %shift_right_arithmetic3A_191 = vector.broadcast %shift_right_arithmetic3A_190 : i32 to vector<16xi32>
    %shift_right_arithmetic3A_192 = arith.shrsi %and3A_52, %shift_right_arithmetic3A_191 : vector<16xi32>
    %shift_left3A_193 = arith.constant 14 : i32
    %shift_left3A_194 = vector.broadcast %shift_left3A_193 : i32 to vector<16xi32>
    %shift_left3A_195 = arith.shli %shift_right_arithmetic3A_192, %shift_left3A_194 : vector<16xi32>
    %and3A_196 = arith.constant 7 : i32
    %and3A_197 = vector.broadcast %and3A_196 : i32 to vector<16xi32>
    %and3A_198 = arith.andi %and3A_52, %and3A_197 : vector<16xi32>
    %shift_left3A_199 = arith.constant 7 : i32
    %shift_left3A_200 = vector.broadcast %shift_left3A_199 : i32 to vector<16xi32>
    %shift_left3A_201 = arith.shli %and3A_198, %shift_left3A_200 : vector<16xi32>
    %add3A_202 = arith.addi %shift_left3A_195, %shift_left3A_201 : vector<16xi32>
    %shift_right_arithmetic3A_203 = arith.constant 3 : i32
    %shift_right_arithmetic3A_204 = vector.broadcast %shift_right_arithmetic3A_203 : i32 to vector<16xi32>
    %shift_right_arithmetic3A_205 = arith.shrsi %and3A_58, %shift_right_arithmetic3A_204 : vector<16xi32>
    %shift_left3A_206 = arith.constant 14 : i32
    %shift_left3A_207 = vector.broadcast %shift_left3A_206 : i32 to vector<16xi32>
    %shift_left3A_208 = arith.shli %shift_right_arithmetic3A_205, %shift_left3A_207 : vector<16xi32>
    %and3A_209 = arith.constant 7 : i32
    %and3A_210 = vector.broadcast %and3A_209 : i32 to vector<16xi32>
    %and3A_211 = arith.andi %and3A_58, %and3A_210 : vector<16xi32>
    %shift_left3A_212 = arith.constant 7 : i32
    %shift_left3A_213 = vector.broadcast %shift_left3A_212 : i32 to vector<16xi32>
    %shift_left3A_214 = arith.shli %and3A_211, %shift_left3A_213 : vector<16xi32>
    %add3A_215 = arith.addi %shift_left3A_208, %shift_left3A_214 : vector<16xi32>
    %shift_right_arithmetic3A_216 = arith.constant 3 : i32
    %shift_right_arithmetic3A_217 = vector.broadcast %shift_right_arithmetic3A_216 : i32 to vector<16xi32>
    %shift_right_arithmetic3A_218 = arith.shrsi %and3A_64, %shift_right_arithmetic3A_217 : vector<16xi32>
    %shift_left3A_219 = arith.constant 14 : i32
    %shift_left3A_220 = vector.broadcast %shift_left3A_219 : i32 to vector<16xi32>
    %shift_left3A_221 = arith.shli %shift_right_arithmetic3A_218, %shift_left3A_220 : vector<16xi32>
    %and3A_222 = arith.constant 7 : i32
    %and3A_223 = vector.broadcast %and3A_222 : i32 to vector<16xi32>
    %and3A_224 = arith.andi %and3A_64, %and3A_223 : vector<16xi32>
    %shift_left3A_225 = arith.constant 7 : i32
    %shift_left3A_226 = vector.broadcast %shift_left3A_225 : i32 to vector<16xi32>
    %shift_left3A_227 = arith.shli %and3A_224, %shift_left3A_226 : vector<16xi32>
    %add3A_228 = arith.addi %shift_left3A_221, %shift_left3A_227 : vector<16xi32>
    %shift_right_arithmetic3A_229 = arith.constant 3 : i32
    %shift_right_arithmetic3A_230 = vector.broadcast %shift_right_arithmetic3A_229 : i32 to vector<16xi32>
    %shift_right_arithmetic3A_231 = arith.shrsi %and3A_70, %shift_right_arithmetic3A_230 : vector<16xi32>
    %shift_left3A_232 = arith.constant 14 : i32
    %shift_left3A_233 = vector.broadcast %shift_left3A_232 : i32 to vector<16xi32>
    %shift_left3A_234 = arith.shli %shift_right_arithmetic3A_231, %shift_left3A_233 : vector<16xi32>
    %and3A_235 = arith.constant 7 : i32
    %and3A_236 = vector.broadcast %and3A_235 : i32 to vector<16xi32>
    %and3A_237 = arith.andi %and3A_70, %and3A_236 : vector<16xi32>
    %shift_left3A_238 = arith.constant 7 : i32
    %shift_left3A_239 = vector.broadcast %shift_left3A_238 : i32 to vector<16xi32>
    %shift_left3A_240 = arith.shli %and3A_237, %shift_left3A_239 : vector<16xi32>
    %add3A_241 = arith.addi %shift_left3A_234, %shift_left3A_240 : vector<16xi32>
    %shift_right_arithmetic3A_242 = arith.constant 3 : i32
    %shift_right_arithmetic3A_243 = vector.broadcast %shift_right_arithmetic3A_242 : i32 to vector<16xi32>
    %shift_right_arithmetic3A_244 = arith.shrsi %and3A_76, %shift_right_arithmetic3A_243 : vector<16xi32>
    %shift_left3A_245 = arith.constant 14 : i32
    %shift_left3A_246 = vector.broadcast %shift_left3A_245 : i32 to vector<16xi32>
    %shift_left3A_247 = arith.shli %shift_right_arithmetic3A_244, %shift_left3A_246 : vector<16xi32>
    %and3A_248 = arith.constant 7 : i32
    %and3A_249 = vector.broadcast %and3A_248 : i32 to vector<16xi32>
    %and3A_250 = arith.andi %and3A_76, %and3A_249 : vector<16xi32>
    %shift_left3A_251 = arith.constant 7 : i32
    %shift_left3A_252 = vector.broadcast %shift_left3A_251 : i32 to vector<16xi32>
    %shift_left3A_253 = arith.shli %and3A_250, %shift_left3A_252 : vector<16xi32>
    %add3A_254 = arith.addi %shift_left3A_247, %shift_left3A_253 : vector<16xi32>
    %shift_right_arithmetic3A_255 = arith.constant 3 : i32
    %shift_right_arithmetic3A_256 = vector.broadcast %shift_right_arithmetic3A_255 : i32 to vector<16xi32>
    %shift_right_arithmetic3A_257 = arith.shrsi %and3A_82, %shift_right_arithmetic3A_256 : vector<16xi32>
    %shift_left3A_258 = arith.constant 14 : i32
    %shift_left3A_259 = vector.broadcast %shift_left3A_258 : i32 to vector<16xi32>
    %shift_left3A_260 = arith.shli %shift_right_arithmetic3A_257, %shift_left3A_259 : vector<16xi32>
    %and3A_261 = arith.constant 7 : i32
    %and3A_262 = vector.broadcast %and3A_261 : i32 to vector<16xi32>
    %and3A_263 = arith.andi %and3A_82, %and3A_262 : vector<16xi32>
    %shift_left3A_264 = arith.constant 7 : i32
    %shift_left3A_265 = vector.broadcast %shift_left3A_264 : i32 to vector<16xi32>
    %shift_left3A_266 = arith.shli %and3A_263, %shift_left3A_265 : vector<16xi32>
    %add3A_267 = arith.addi %shift_left3A_260, %shift_left3A_266 : vector<16xi32>
    %shift_right_arithmetic3A_268 = arith.constant 3 : i32
    %shift_right_arithmetic3A_269 = vector.broadcast %shift_right_arithmetic3A_268 : i32 to vector<16xi32>
    %shift_right_arithmetic3A_270 = arith.shrsi %and3A_88, %shift_right_arithmetic3A_269 : vector<16xi32>
    %shift_left3A_271 = arith.constant 14 : i32
    %shift_left3A_272 = vector.broadcast %shift_left3A_271 : i32 to vector<16xi32>
    %shift_left3A_273 = arith.shli %shift_right_arithmetic3A_270, %shift_left3A_272 : vector<16xi32>
    %and3A_274 = arith.constant 7 : i32
    %and3A_275 = vector.broadcast %and3A_274 : i32 to vector<16xi32>
    %and3A_276 = arith.andi %and3A_88, %and3A_275 : vector<16xi32>
    %shift_left3A_277 = arith.constant 7 : i32
    %shift_left3A_278 = vector.broadcast %shift_left3A_277 : i32 to vector<16xi32>
    %shift_left3A_279 = arith.shli %and3A_276, %shift_left3A_278 : vector<16xi32>
    %add3A_280 = arith.addi %shift_left3A_273, %shift_left3A_279 : vector<16xi32>
    %shift_right_arithmetic3A_281 = arith.constant 3 : i32
    %shift_right_arithmetic3A_282 = vector.broadcast %shift_right_arithmetic3A_281 : i32 to vector<16xi32>
    %shift_right_arithmetic3A_283 = arith.shrsi %and3A_94, %shift_right_arithmetic3A_282 : vector<16xi32>
    %shift_left3A_284 = arith.constant 14 : i32
    %shift_left3A_285 = vector.broadcast %shift_left3A_284 : i32 to vector<16xi32>
    %shift_left3A_286 = arith.shli %shift_right_arithmetic3A_283, %shift_left3A_285 : vector<16xi32>
    %and3A_287 = arith.constant 7 : i32
    %and3A_288 = vector.broadcast %and3A_287 : i32 to vector<16xi32>
    %and3A_289 = arith.andi %and3A_94, %and3A_288 : vector<16xi32>
    %shift_left3A_290 = arith.constant 7 : i32
    %shift_left3A_291 = vector.broadcast %shift_left3A_290 : i32 to vector<16xi32>
    %shift_left3A_292 = arith.shli %and3A_289, %shift_left3A_291 : vector<16xi32>
    %add3A_293 = arith.addi %shift_left3A_286, %shift_left3A_292 : vector<16xi32>
    %shift_right_arithmetic3A_294 = arith.constant 3 : i32
    %shift_right_arithmetic3A_295 = vector.broadcast %shift_right_arithmetic3A_294 : i32 to vector<16xi32>
    %shift_right_arithmetic3A_296 = arith.shrsi %and3A_100, %shift_right_arithmetic3A_295 : vector<16xi32>
    %shift_left3A_297 = arith.constant 14 : i32
    %shift_left3A_298 = vector.broadcast %shift_left3A_297 : i32 to vector<16xi32>
    %shift_left3A_299 = arith.shli %shift_right_arithmetic3A_296, %shift_left3A_298 : vector<16xi32>
    %and3A_300 = arith.constant 7 : i32
    %and3A_301 = vector.broadcast %and3A_300 : i32 to vector<16xi32>
    %and3A_302 = arith.andi %and3A_100, %and3A_301 : vector<16xi32>
    %shift_left3A_303 = arith.constant 7 : i32
    %shift_left3A_304 = vector.broadcast %shift_left3A_303 : i32 to vector<16xi32>
    %shift_left3A_305 = arith.shli %and3A_302, %shift_left3A_304 : vector<16xi32>
    %add3A_306 = arith.addi %shift_left3A_299, %shift_left3A_305 : vector<16xi32>
    tpu.enqueue_dma source(%arg4 : memref<10000xi32, #tpu.memory_space<hbm>>) target(%arg6 : memref<10000xi32, #tpu.memory_space<vmem>>) target_semaphore(%arg12 : memref<!tpu.dma_semaphore, #tpu.memory_space<semaphore_mem>>)
    %mul3A_307 = arith.constant 78 : i32
    %mul3A_308 = arith.muli %add3A, %mul3A_307 : i32
    %min3A = arith.constant 4 : i32
    %min3A_309 = arith.minsi %add3A, %min3A : i32
    %add3A_310 = arith.addi %mul3A_308, %min3A_309 : i32
    %lt3A = arith.constant 4 : i32
    %lt3A_311 = arith.cmpi slt, %add3A, %lt3A : i32
    %jit3A = arith.constant 1 : i32
    %jit3A_312 = arith.constant 0 : i32
    %select_n3A = arith.select %lt3A_311, %jit3A, %jit3A_312 : i32
    %add3A_313 = arith.constant 78 : i32
    %add3A_314 = arith.addi %add3A_313, %select_n3A : i32
    %add3A_315 = arith.constant 16 : i32
    %add3A_316 = arith.addi %add3A_314, %add3A_315 : i32
    %sub3A = arith.constant 1 : i32
    %sub3A_317 = arith.subi %add3A_316, %sub3A : i32
    %jit3A_318 = arith.constant 16 : i32
    %div3A = arith.divsi %sub3A_317, %jit3A_318 : i32
    %sign3A = arith.constant 0 : i32
    %sign3A_319 = arith.cmpi sgt, %sub3A_317, %sign3A : i32
    %sign3A_320 = arith.extui %sign3A_319 : i1 to i32
    %sign3A_321 = arith.constant 0 : i32
    %sign3A_322 = arith.cmpi slt, %sub3A_317, %sign3A_321 : i32
    %sign3A_323 = arith.extui %sign3A_322 : i1 to i32
    %sign3A_324 = arith.subi %sign3A_320, %sign3A_323 : i32
    %sign3A_325 = arith.constant 0 : i32
    %sign3A_326 = arith.cmpi sgt, %jit3A_318, %sign3A_325 : i32
    %sign3A_327 = arith.extui %sign3A_326 : i1 to i32
    %sign3A_328 = arith.constant 0 : i32
    %sign3A_329 = arith.cmpi slt, %jit3A_318, %sign3A_328 : i32
    %sign3A_330 = arith.extui %sign3A_329 : i1 to i32
    %sign3A_331 = arith.subi %sign3A_327, %sign3A_330 : i32
    %ne3A = arith.cmpi ne, %sign3A_324, %sign3A_331 : i32
    %rem3A = arith.remsi %sub3A_317, %jit3A_318 : i32
    %ne3A_332 = arith.constant 0 : i32
    %ne3A_333 = arith.cmpi ne, %rem3A, %ne3A_332 : i32
    %and3A_334 = arith.andi %ne3A, %ne3A_333 : i1
    %sub3A_335 = arith.constant 1 : i32
    %sub3A_336 = arith.subi %div3A, %sub3A_335 : i32
    %select_n3A_337 = arith.select %and3A_334, %sub3A_336, %div3A : i32
    %sub3A_338 = arith.constant 16 : i32
    %sub3A_339 = arith.subi %add3A_314, %sub3A_338 : i32
    %min3A_340 = arith.constant 0 : i32
    %min3A_341 = arith.minsi %min3A_340, %sub3A_339 : i32
    %add3A_342 = arith.addi %add3A_310, %min3A_341 : i32
    %dma_start3A = arith.constant 0 : i32
    %dma_start3A_343 = arith.constant 0 : i32
    %dma_start3A_344 = arith.constant 0 : i32
    %dma_start3A_345 = tpu.memref_slice %arg3[%dma_start3A, %add3A_342, %dma_start3A_343, %dma_start3A_344] : memref<2x2500x8x128xf32, #tpu.memory_space<hbm>> -> memref<2x16x8x128xf32, #tpu.memory_space<hbm>>
    %dma_start3A_346 = arith.constant 0 : i32
    %dma_start3A_347 = arith.constant 0 : i32
    %dma_start3A_348 = arith.constant 0 : i32
    %dma_start3A_349 = tpu.memref_slice %arg3[%dma_start3A_346, %add3A_342, %dma_start3A_347, %dma_start3A_348] : memref<2x2500x8x128xf32, #tpu.memory_space<hbm>> -> memref<2x16x8x128xf32, #tpu.memory_space<hbm>>
    tpu.enqueue_dma source(%dma_start3A_349 : memref<2x16x8x128xf32, #tpu.memory_space<hbm>>) target(%arg8 : memref<2x16x8x128xf32, #tpu.memory_space<vmem>>) target_semaphore(%arg13 : memref<!tpu.dma_semaphore, #tpu.memory_space<semaphore_mem>>)
    %dma_start3A_350 = arith.constant 0 : i32
    %dma_start3A_351 = arith.constant 0 : i32
    %dma_start3A_352 = tpu.memref_slice %arg2[%add3A_342, %dma_start3A_350, %dma_start3A_351] : memref<2500x2x128xi32, #tpu.memory_space<hbm>> -> memref<16x1x128xi32, #tpu.memory_space<hbm>>
    %dma_start3A_353 = tpu.memref_squeeze %dma_start3A_352 : memref<16x1x128xi32, #tpu.memory_space<hbm>> -> memref<16x128xi32, #tpu.memory_space<hbm>>
    %dma_start3A_354 = arith.constant 0 : i32
    %dma_start3A_355 = tpu.memref_slice %arg2[%add3A_342, %dma_start3A_350, %dma_start3A_354] : memref<2500x2x128xi32, #tpu.memory_space<hbm>> -> memref<16x1x128xi32, #tpu.memory_space<hbm>>
    %dma_start3A_356 = tpu.memref_squeeze %dma_start3A_355 : memref<16x1x128xi32, #tpu.memory_space<hbm>> -> memref<16x128xi32, #tpu.memory_space<hbm>>
    tpu.enqueue_dma source(%dma_start3A_356 : memref<16x128xi32, #tpu.memory_space<hbm>>) target(%arg10 : memref<16x128xi32, #tpu.memory_space<vmem>>) target_semaphore(%arg13 : memref<!tpu.dma_semaphore, #tpu.memory_space<semaphore_mem>>)
    %scan3A = arith.constant 0 : i32
    %scan3A_357 = arith.constant 64 : i32
    %scan3A_358 = arith.addi %scan3A, %scan3A_357 : i32
    %scan3A_359 = arith.constant 1 : i32
    scf.for %scan3A_408 = %scan3A to %scan3A_358 step %scan3A_359  : i32 {
      %mul3A_409 = arith.constant 1 : i32
      %mul3A_410 = arith.muli %scan3A_408, %mul3A_409 : i32
      %add3A_411 = arith.constant 0 : i32
      %add3A_412 = arith.addi %add3A_411, %mul3A_410 : i32
      %swap3A = arith.index_cast %add3A_412 : i32 to index
      %swap3A_413 = arith.constant 0 : index
      %swap3A_414 = tpu.vector_load %arg7[%swap3A, %swap3A_413] {strides = array<i32>} : memref<64x128xf32, #tpu.memory_space<vmem>>, vector<16xf32>,
      tpu.vector_store %arg7[%swap3A, %swap3A_413], %broadcast_in_dim3A_3 {strides = array<i32>} : memref<64x128xf32, #tpu.memory_space<vmem>>, vector<16xf32>,
      %swap3A_415 = arith.index_cast %add3A_412 : i32 to index
      %swap3A_416 = arith.constant 16 : index
      %swap3A_417 = tpu.vector_load %arg7[%swap3A_415, %swap3A_416] {strides = array<i32>} : memref<64x128xf32, #tpu.memory_space<vmem>>, vector<16xf32>,
      tpu.vector_store %arg7[%swap3A_415, %swap3A_416], %broadcast_in_dim3A_3 {strides = array<i32>} : memref<64x128xf32, #tpu.memory_space<vmem>>, vector<16xf32>,
      %swap3A_418 = arith.index_cast %add3A_412 : i32 to index
      %swap3A_419 = arith.constant 32 : index
      %swap3A_420 = tpu.vector_load %arg7[%swap3A_418, %swap3A_419] {strides = array<i32>} : memref<64x128xf32, #tpu.memory_space<vmem>>, vector<16xf32>,
      tpu.vector_store %arg7[%swap3A_418, %swap3A_419], %broadcast_in_dim3A_3 {strides = array<i32>} : memref<64x128xf32, #tpu.memory_space<vmem>>, vector<16xf32>,
      %swap3A_421 = arith.index_cast %add3A_412 : i32 to index
      %swap3A_422 = arith.constant 48 : index
      %swap3A_423 = tpu.vector_load %arg7[%swap3A_421, %swap3A_422] {strides = array<i32>} : memref<64x128xf32, #tpu.memory_space<vmem>>, vector<16xf32>,
      tpu.vector_store %arg7[%swap3A_421, %swap3A_422], %broadcast_in_dim3A_3 {strides = array<i32>} : memref<64x128xf32, #tpu.memory_space<vmem>>, vector<16xf32>,
      %swap3A_424 = arith.index_cast %add3A_412 : i32 to index
      %swap3A_425 = arith.constant 64 : index
      %swap3A_426 = tpu.vector_load %arg7[%swap3A_424, %swap3A_425] {strides = array<i32>} : memref<64x128xf32, #tpu.memory_space<vmem>>, vector<16xf32>,
      tpu.vector_store %arg7[%swap3A_424, %swap3A_425], %broadcast_in_dim3A_3 {strides = array<i32>} : memref<64x128xf32, #tpu.memory_space<vmem>>, vector<16xf32>,
      %swap3A_427 = arith.index_cast %add3A_412 : i32 to index
      %swap3A_428 = arith.constant 80 : index
      %swap3A_429 = tpu.vector_load %arg7[%swap3A_427, %swap3A_428] {strides = array<i32>} : memref<64x128xf32, #tpu.memory_space<vmem>>, vector<16xf32>,
      tpu.vector_store %arg7[%swap3A_427, %swap3A_428], %broadcast_in_dim3A_3 {strides = array<i32>} : memref<64x128xf32, #tpu.memory_space<vmem>>, vector<16xf32>,
      %swap3A_430 = arith.index_cast %add3A_412 : i32 to index
      %swap3A_431 = arith.constant 96 : index
      %swap3A_432 = tpu.vector_load %arg7[%swap3A_430, %swap3A_431] {strides = array<i32>} : memref<64x128xf32, #tpu.memory_space<vmem>>, vector<16xf32>,
      tpu.vector_store %arg7[%swap3A_430, %swap3A_431], %broadcast_in_dim3A_3 {strides = array<i32>} : memref<64x128xf32, #tpu.memory_space<vmem>>, vector<16xf32>,
      %swap3A_433 = arith.index_cast %add3A_412 : i32 to index
      %swap3A_434 = arith.constant 112 : index
      %swap3A_435 = tpu.vector_load %arg7[%swap3A_433, %swap3A_434] {strides = array<i32>} : memref<64x128xf32, #tpu.memory_space<vmem>>, vector<16xf32>,
      tpu.vector_store %arg7[%swap3A_433, %swap3A_434], %broadcast_in_dim3A_3 {strides = array<i32>} : memref<64x128xf32, #tpu.memory_space<vmem>>, vector<16xf32>,
    }
    %scan3A_360 = arith.constant 64 : i32
    tpu.wait_dma2 semaphore(%arg12 : memref<!tpu.dma_semaphore, #tpu.memory_space<semaphore_mem>>) src(%arg4 : memref<10000xi32, #tpu.memory_space<hbm>>) dst(%arg6 : memref<10000xi32, #tpu.memory_space<vmem>>)
    %gt3A = arith.constant 1 : i32
    %gt3A_361 = arith.cmpi sgt, %select_n3A_337, %gt3A : i32
    %convert_element_type3A = arith.extui %gt3A_361 : i1 to i32
    %cond3A = arith.constant 0 : i32
    %cond3A_362 = arith.cmpi ne, %convert_element_type3A, %cond3A : i32
    scf.if %cond3A_362 {
      %sub3A_408 = arith.constant 16 : i32
      %sub3A_409 = arith.subi %add3A_314, %sub3A_408 : i32
      %min3A_410 = arith.constant 16 : i32
      %min3A_411 = arith.minsi %min3A_410, %sub3A_409 : i32
      %add3A_412 = arith.addi %add3A_310, %min3A_411 : i32
      %dma_start3A_413 = arith.constant 0 : i32
      %dma_start3A_414 = arith.constant 0 : i32
      %dma_start3A_415 = arith.constant 0 : i32
      %dma_start3A_416 = tpu.memref_slice %arg3[%dma_start3A_413, %add3A_412, %dma_start3A_414, %dma_start3A_415] : memref<2x2500x8x128xf32, #tpu.memory_space<hbm>> -> memref<2x16x8x128xf32, #tpu.memory_space<hbm>>
      %dma_start3A_417 = arith.constant 0 : i32
      %dma_start3A_418 = arith.constant 0 : i32
      %dma_start3A_419 = arith.constant 0 : i32
      %dma_start3A_420 = tpu.memref_slice %arg3[%dma_start3A_417, %add3A_412, %dma_start3A_418, %dma_start3A_419] : memref<2x2500x8x128xf32, #tpu.memory_space<hbm>> -> memref<2x16x8x128xf32, #tpu.memory_space<hbm>>
      tpu.enqueue_dma source(%dma_start3A_420 : memref<2x16x8x128xf32, #tpu.memory_space<hbm>>) target(%arg9 : memref<2x16x8x128xf32, #tpu.memory_space<vmem>>) target_semaphore(%arg14 : memref<!tpu.dma_semaphore, #tpu.memory_space<semaphore_mem>>)
      %dma_start3A_421 = arith.constant 0 : i32
      %dma_start3A_422 = arith.constant 0 : i32
      %dma_start3A_423 = tpu.memref_slice %arg2[%add3A_412, %dma_start3A_421, %dma_start3A_422] : memref<2500x2x128xi32, #tpu.memory_space<hbm>> -> memref<16x1x128xi32, #tpu.memory_space<hbm>>
      %dma_start3A_424 = tpu.memref_squeeze %dma_start3A_423 : memref<16x1x128xi32, #tpu.memory_space<hbm>> -> memref<16x128xi32, #tpu.memory_space<hbm>>
      %dma_start3A_425 = arith.constant 0 : i32
      %dma_start3A_426 = tpu.memref_slice %arg2[%add3A_412, %dma_start3A_421, %dma_start3A_425] : memref<2500x2x128xi32, #tpu.memory_space<hbm>> -> memref<16x1x128xi32, #tpu.memory_space<hbm>>
      %dma_start3A_427 = tpu.memref_squeeze %dma_start3A_426 : memref<16x1x128xi32, #tpu.memory_space<hbm>> -> memref<16x128xi32, #tpu.memory_space<hbm>>
      tpu.enqueue_dma source(%dma_start3A_427 : memref<16x128xi32, #tpu.memory_space<hbm>>) target(%arg11 : memref<16x128xi32, #tpu.memory_space<vmem>>) target_semaphore(%arg14 : memref<!tpu.dma_semaphore, #tpu.memory_space<semaphore_mem>>)
    } else {
    }
    %gt3A_363 = arith.constant 0 : i32
    %gt3A_364 = arith.cmpi sgt, %select_n3A_337, %gt3A_363 : i32
    %convert_element_type3A_365 = arith.extui %gt3A_364 : i1 to i32
    %cond3A_366 = arith.constant 0 : i32
    %cond3A_367 = arith.constant 0 : i32
    %cond3A_368 = arith.cmpi ne, %convert_element_type3A_365, %cond3A_367 : i32
    scf.if %cond3A_368 {
      %dma_wait3A = arith.constant 0 : i32
      %dma_wait3A_408 = arith.constant 0 : i32
      %dma_wait3A_409 = arith.constant 0 : i32
      %dma_wait3A_410 = tpu.memref_slice %arg3[%dma_wait3A, %add3A_342, %dma_wait3A_408, %dma_wait3A_409] : memref<2x2500x8x128xf32, #tpu.memory_space<hbm>> -> memref<2x16x8x128xf32, #tpu.memory_space<hbm>>
      %dma_wait3A_411 = arith.constant 0 : i32
      %dma_wait3A_412 = arith.constant 0 : i32
      %dma_wait3A_413 = arith.constant 0 : i32
      %dma_wait3A_414 = tpu.memref_slice %arg3[%dma_wait3A_411, %add3A_342, %dma_wait3A_412, %dma_wait3A_413] : memref<2x2500x8x128xf32, #tpu.memory_space<hbm>> -> memref<2x16x8x128xf32, #tpu.memory_space<hbm>>
      tpu.wait_dma2 semaphore(%arg13 : memref<!tpu.dma_semaphore, #tpu.memory_space<semaphore_mem>>) src(%dma_wait3A_414 : memref<2x16x8x128xf32, #tpu.memory_space<hbm>>) dst(%arg8 : memref<2x16x8x128xf32, #tpu.memory_space<vmem>>)
      %dma_wait3A_415 = arith.constant 0 : i32
      %dma_wait3A_416 = tpu.memref_slice %arg2[%add3A_342, %cond3A_366, %dma_wait3A_415] : memref<2500x2x128xi32, #tpu.memory_space<hbm>> -> memref<16x1x128xi32, #tpu.memory_space<hbm>>
      %dma_wait3A_417 = tpu.memref_squeeze %dma_wait3A_416 : memref<16x1x128xi32, #tpu.memory_space<hbm>> -> memref<16x128xi32, #tpu.memory_space<hbm>>
      %dma_wait3A_418 = arith.constant 0 : i32
      %dma_wait3A_419 = tpu.memref_slice %arg2[%add3A_342, %cond3A_366, %dma_wait3A_418] : memref<2500x2x128xi32, #tpu.memory_space<hbm>> -> memref<16x1x128xi32, #tpu.memory_space<hbm>>
      %dma_wait3A_420 = tpu.memref_squeeze %dma_wait3A_419 : memref<16x1x128xi32, #tpu.memory_space<hbm>> -> memref<16x128xi32, #tpu.memory_space<hbm>>
      tpu.wait_dma2 semaphore(%arg13 : memref<!tpu.dma_semaphore, #tpu.memory_space<semaphore_mem>>) src(%dma_wait3A_420 : memref<16x128xi32, #tpu.memory_space<hbm>>) dst(%arg10 : memref<16x128xi32, #tpu.memory_space<vmem>>)
      %sub3A_421 = arith.constant 16 : i32
      %sub3A_422 = arith.subi %add3A_314, %sub3A_421 : i32
      %min3A_423 = arith.constant 0 : i32
      %min3A_424 = arith.minsi %min3A_423, %sub3A_422 : i32
      %add3A_425 = arith.addi %add3A_310, %min3A_424 : i32
      %sub3A_426 = arith.subi %add3A_425, %add3A_310 : i32
      %sub3A_427 = arith.constant 0 : i32
      %sub3A_428 = arith.subi %sub3A_427, %sub3A_426 : i32
      %mul3A_429 = arith.constant 8 : i32
      %mul3A_430 = arith.muli %sub3A_428, %mul3A_429 : i32
      %sub3A_431 = arith.constant 128 : i32
      %sub3A_432 = arith.subi %sub3A_431, %mul3A_430 : i32
      %sub3A_433 = arith.constant 1 : i32
      %sub3A_434 = arith.constant 1 : i32
      %sub3A_435 = arith.subi %sub3A_433, %sub3A_434 : i32
      %add3A_436 = arith.addi %sub3A_432, %sub3A_435 : i32
      %div3A_437 = arith.constant 1 : i32
      %div3A_438 = arith.divsi %add3A_436, %div3A_437 : i32
      %while3A = arith.constant 1 : i32
      %while3A_439 = arith.constant 0 : i32
      %while3A_440 = arith.subi %div3A_438, %while3A_439 : i32
      %while3A_441 = arith.addi %while3A_439, %while3A_440 : i32
      %while3A_442 = arith.constant 1 : i32
      %while3A_443 = arith.divsi %while3A_440, %while3A_442 : i32
      %while3A_444 = arith.muli %while3A_443, %while3A_442 : i32
      %while3A_445 = arith.addi %while3A_439, %while3A_444 : i32
      %while3A_446 = arith.constant 1 : i32
      scf.for %while3A_448 = %while3A_439 to %while3A_445 step %while3A_446  : i32 {
        %mul3A_449 = arith.muli %while3A_448, %while3A : i32
        %add3A_450 = arith.addi %mul3A_430, %mul3A_449 : i32
        %shift_right_arithmetic3A_451 = arith.constant 3 : i32
        %shift_right_arithmetic3A_452 = arith.shrsi %add3A_450, %shift_right_arithmetic3A_451 : i32
        %and3A_453 = arith.constant 7 : i32
        %and3A_454 = arith.andi %add3A_450, %and3A_453 : i32
        %shift_left3A_455 = arith.constant 4 : i32
        %shift_left3A_456 = arith.shli %and3A_454, %shift_left3A_455 : i32
        %shift_left3A_457 = arith.constant 10 : i32
        %shift_left3A_458 = arith.shli %shift_right_arithmetic3A_452, %shift_left3A_457 : i32
        %add3A_459 = arith.addi %shift_left3A_458, %shift_left3A_456 : i32
        %add3A_460 = vector.broadcast %add3A_459 : i32 to vector<16xi32>
        %add3A_461 = arith.addi %add3A_460, %iota3A : vector<16xi32>
        %get3A = arith.index_cast %shift_right_arithmetic3A_452 : i32 to index
        %get3A_462 = arith.index_cast %shift_left3A_456 : i32 to index
        %get3A_463 = tpu.vector_load %arg10[%get3A, %get3A_462] {strides = array<i32>} : memref<16x128xi32, #tpu.memory_space<vmem>>, vector<16xi32>,
        %gather3A = tpu.vector_load_idx %arg6[%get3A_463] : memref<10000xi32, #tpu.memory_space<vmem>>[vector<16xi32>], vector<16xi32>,
        %add3A_464 = arith.constant 32 : i32
        %add3A_465 = vector.broadcast %add3A_464 : i32 to vector<16xi32>
        %add3A_466 = arith.addi %iota3A, %add3A_465 : vector<16xi32>
        tpu.vector_store_idx %arg7[%gather3A, %add3A_466], %broadcast_in_dim3A_1 {add = true} : memref<64x128xf32, #tpu.memory_space<vmem>>[vector<16xi32>, vector<16xi32>], vector<16xf32>,
        %add3A_467 = arith.addi %add3A_111, %add3A_461 : vector<16xi32>
        %gather3A_468 = tpu.vector_load_idx %arg8[%broadcast_in_dim3A_5, %broadcast_in_dim3A_5, %broadcast_in_dim3A_5, %add3A_467] : memref<2x16x8x128xf32, #tpu.memory_space<vmem>>[vector<16xi32>, vector<16xi32>, vector<16xi32>, vector<16xi32>], vector<16xf32>,
        %add3A_469 = arith.addi %add3A_124, %add3A_461 : vector<16xi32>
        %gather3A_470 = tpu.vector_load_idx %arg8[%broadcast_in_dim3A_5, %broadcast_in_dim3A_5, %broadcast_in_dim3A_5, %add3A_469] : memref<2x16x8x128xf32, #tpu.memory_space<vmem>>[vector<16xi32>, vector<16xi32>, vector<16xi32>, vector<16xi32>], vector<16xf32>,
        %add3A_471 = arith.addi %add3A_137, %add3A_461 : vector<16xi32>
        %gather3A_472 = tpu.vector_load_idx %arg8[%broadcast_in_dim3A_5, %broadcast_in_dim3A_5, %broadcast_in_dim3A_5, %add3A_471] : memref<2x16x8x128xf32, #tpu.memory_space<vmem>>[vector<16xi32>, vector<16xi32>, vector<16xi32>, vector<16xi32>], vector<16xf32>,
        %add3A_473 = arith.addi %add3A_150, %add3A_461 : vector<16xi32>
        %gather3A_474 = tpu.vector_load_idx %arg8[%broadcast_in_dim3A_5, %broadcast_in_dim3A_5, %broadcast_in_dim3A_5, %add3A_473] : memref<2x16x8x128xf32, #tpu.memory_space<vmem>>[vector<16xi32>, vector<16xi32>, vector<16xi32>, vector<16xi32>], vector<16xf32>,
        %add3A_475 = arith.addi %add3A_163, %add3A_461 : vector<16xi32>
        %gather3A_476 = tpu.vector_load_idx %arg8[%broadcast_in_dim3A_5, %broadcast_in_dim3A_5, %broadcast_in_dim3A_5, %add3A_475] : memref<2x16x8x128xf32, #tpu.memory_space<vmem>>[vector<16xi32>, vector<16xi32>, vector<16xi32>, vector<16xi32>], vector<16xf32>,
        %add3A_477 = arith.addi %add3A_176, %add3A_461 : vector<16xi32>
        %gather3A_478 = tpu.vector_load_idx %arg8[%broadcast_in_dim3A_5, %broadcast_in_dim3A_5, %broadcast_in_dim3A_5, %add3A_477] : memref<2x16x8x128xf32, #tpu.memory_space<vmem>>[vector<16xi32>, vector<16xi32>, vector<16xi32>, vector<16xi32>], vector<16xf32>,
        %add3A_479 = arith.addi %add3A_189, %add3A_461 : vector<16xi32>
        %gather3A_480 = tpu.vector_load_idx %arg8[%broadcast_in_dim3A_5, %broadcast_in_dim3A_5, %broadcast_in_dim3A_5, %add3A_479] : memref<2x16x8x128xf32, #tpu.memory_space<vmem>>[vector<16xi32>, vector<16xi32>, vector<16xi32>, vector<16xi32>], vector<16xf32>,
        %add3A_481 = arith.addi %add3A_202, %add3A_461 : vector<16xi32>
        %gather3A_482 = tpu.vector_load_idx %arg8[%broadcast_in_dim3A_5, %broadcast_in_dim3A_5, %broadcast_in_dim3A_5, %add3A_481] : memref<2x16x8x128xf32, #tpu.memory_space<vmem>>[vector<16xi32>, vector<16xi32>, vector<16xi32>, vector<16xi32>], vector<16xf32>,
        tpu.vector_store_idx %arg7[%gather3A, %and3A_10], %gather3A_468 {add = true} : memref<64x128xf32, #tpu.memory_space<vmem>>[vector<16xi32>, vector<16xi32>], vector<16xf32>,
        tpu.vector_store_idx %arg7[%gather3A, %and3A_16], %gather3A_470 {add = true} : memref<64x128xf32, #tpu.memory_space<vmem>>[vector<16xi32>, vector<16xi32>], vector<16xf32>,
        tpu.vector_store_idx %arg7[%gather3A, %and3A_22], %gather3A_472 {add = true} : memref<64x128xf32, #tpu.memory_space<vmem>>[vector<16xi32>, vector<16xi32>], vector<16xf32>,
        tpu.vector_store_idx %arg7[%gather3A, %and3A_28], %gather3A_474 {add = true} : memref<64x128xf32, #tpu.memory_space<vmem>>[vector<16xi32>, vector<16xi32>], vector<16xf32>,
        tpu.vector_store_idx %arg7[%gather3A, %and3A_34], %gather3A_476 {add = true} : memref<64x128xf32, #tpu.memory_space<vmem>>[vector<16xi32>, vector<16xi32>], vector<16xf32>,
        tpu.vector_store_idx %arg7[%gather3A, %and3A_40], %gather3A_478 {add = true} : memref<64x128xf32, #tpu.memory_space<vmem>>[vector<16xi32>, vector<16xi32>], vector<16xf32>,
        tpu.vector_store_idx %arg7[%gather3A, %and3A_46], %gather3A_480 {add = true} : memref<64x128xf32, #tpu.memory_space<vmem>>[vector<16xi32>, vector<16xi32>], vector<16xf32>,
        tpu.vector_store_idx %arg7[%gather3A, %and3A_52], %gather3A_482 {add = true} : memref<64x128xf32, #tpu.memory_space<vmem>>[vector<16xi32>, vector<16xi32>], vector<16xf32>,
        %add3A_483 = arith.addi %add3A_215, %add3A_461 : vector<16xi32>
        %gather3A_484 = tpu.vector_load_idx %arg8[%broadcast_in_dim3A_5, %broadcast_in_dim3A_5, %broadcast_in_dim3A_5, %add3A_483] : memref<2x16x8x128xf32, #tpu.memory_space<vmem>>[vector<16xi32>, vector<16xi32>, vector<16xi32>, vector<16xi32>], vector<16xf32>,
        %add3A_485 = arith.addi %add3A_228, %add3A_461 : vector<16xi32>
        %gather3A_486 = tpu.vector_load_idx %arg8[%broadcast_in_dim3A_5, %broadcast_in_dim3A_5, %broadcast_in_dim3A_5, %add3A_485] : memref<2x16x8x128xf32, #tpu.memory_space<vmem>>[vector<16xi32>, vector<16xi32>, vector<16xi32>, vector<16xi32>], vector<16xf32>,
        %add3A_487 = arith.addi %add3A_241, %add3A_461 : vector<16xi32>
        %gather3A_488 = tpu.vector_load_idx %arg8[%broadcast_in_dim3A_5, %broadcast_in_dim3A_5, %broadcast_in_dim3A_5, %add3A_487] : memref<2x16x8x128xf32, #tpu.memory_space<vmem>>[vector<16xi32>, vector<16xi32>, vector<16xi32>, vector<16xi32>], vector<16xf32>,
        %add3A_489 = arith.addi %add3A_254, %add3A_461 : vector<16xi32>
        %gather3A_490 = tpu.vector_load_idx %arg8[%broadcast_in_dim3A_5, %broadcast_in_dim3A_5, %broadcast_in_dim3A_5, %add3A_489] : memref<2x16x8x128xf32, #tpu.memory_space<vmem>>[vector<16xi32>, vector<16xi32>, vector<16xi32>, vector<16xi32>], vector<16xf32>,
        %add3A_491 = arith.addi %add3A_267, %add3A_461 : vector<16xi32>
        %gather3A_492 = tpu.vector_load_idx %arg8[%broadcast_in_dim3A_5, %broadcast_in_dim3A_5, %broadcast_in_dim3A_5, %add3A_491] : memref<2x16x8x128xf32, #tpu.memory_space<vmem>>[vector<16xi32>, vector<16xi32>, vector<16xi32>, vector<16xi32>], vector<16xf32>,
        %add3A_493 = arith.addi %add3A_280, %add3A_461 : vector<16xi32>
        %gather3A_494 = tpu.vector_load_idx %arg8[%broadcast_in_dim3A_5, %broadcast_in_dim3A_5, %broadcast_in_dim3A_5, %add3A_493] : memref<2x16x8x128xf32, #tpu.memory_space<vmem>>[vector<16xi32>, vector<16xi32>, vector<16xi32>, vector<16xi32>], vector<16xf32>,
        %add3A_495 = arith.addi %add3A_293, %add3A_461 : vector<16xi32>
        %gather3A_496 = tpu.vector_load_idx %arg8[%broadcast_in_dim3A_5, %broadcast_in_dim3A_5, %broadcast_in_dim3A_5, %add3A_495] : memref<2x16x8x128xf32, #tpu.memory_space<vmem>>[vector<16xi32>, vector<16xi32>, vector<16xi32>, vector<16xi32>], vector<16xf32>,
        %add3A_497 = arith.addi %add3A_306, %add3A_461 : vector<16xi32>
        %gather3A_498 = tpu.vector_load_idx %arg8[%broadcast_in_dim3A_5, %broadcast_in_dim3A_5, %broadcast_in_dim3A_5, %add3A_497] : memref<2x16x8x128xf32, #tpu.memory_space<vmem>>[vector<16xi32>, vector<16xi32>, vector<16xi32>, vector<16xi32>], vector<16xf32>,
        tpu.vector_store_idx %arg7[%gather3A, %and3A_58], %gather3A_484 {add = true} : memref<64x128xf32, #tpu.memory_space<vmem>>[vector<16xi32>, vector<16xi32>], vector<16xf32>,
        tpu.vector_store_idx %arg7[%gather3A, %and3A_64], %gather3A_486 {add = true} : memref<64x128xf32, #tpu.memory_space<vmem>>[vector<16xi32>, vector<16xi32>], vector<16xf32>,
        tpu.vector_store_idx %arg7[%gather3A, %and3A_70], %gather3A_488 {add = true} : memref<64x128xf32, #tpu.memory_space<vmem>>[vector<16xi32>, vector<16xi32>], vector<16xf32>,
        tpu.vector_store_idx %arg7[%gather3A, %and3A_76], %gather3A_490 {add = true} : memref<64x128xf32, #tpu.memory_space<vmem>>[vector<16xi32>, vector<16xi32>], vector<16xf32>,
        tpu.vector_store_idx %arg7[%gather3A, %and3A_82], %gather3A_492 {add = true} : memref<64x128xf32, #tpu.memory_space<vmem>>[vector<16xi32>, vector<16xi32>], vector<16xf32>,
        tpu.vector_store_idx %arg7[%gather3A, %and3A_88], %gather3A_494 {add = true} : memref<64x128xf32, #tpu.memory_space<vmem>>[vector<16xi32>, vector<16xi32>], vector<16xf32>,
        tpu.vector_store_idx %arg7[%gather3A, %and3A_94], %gather3A_496 {add = true} : memref<64x128xf32, #tpu.memory_space<vmem>>[vector<16xi32>, vector<16xi32>], vector<16xf32>,
        tpu.vector_store_idx %arg7[%gather3A, %and3A_100], %gather3A_498 {add = true} : memref<64x128xf32, #tpu.memory_space<vmem>>[vector<16xi32>, vector<16xi32>], vector<16xf32>,
      }
      %while3A_447 = arith.constant 1 : i32
      scf.for %while3A_448 = %while3A_445 to %while3A_441 step %while3A_447  : i32 {
        %mul3A_449 = arith.muli %while3A_448, %while3A : i32
        %add3A_450 = arith.addi %mul3A_430, %mul3A_449 : i32
        %shift_right_arithmetic3A_451 = arith.constant 3 : i32
        %shift_right_arithmetic3A_452 = arith.shrsi %add3A_450, %shift_right_arithmetic3A_451 : i32
        %and3A_453 = arith.constant 7 : i32
        %and3A_454 = arith.andi %add3A_450, %and3A_453 : i32
        %shift_left3A_455 = arith.constant 4 : i32
        %shift_left3A_456 = arith.shli %and3A_454, %shift_left3A_455 : i32
        %shift_left3A_457 = arith.constant 10 : i32
        %shift_left3A_458 = arith.shli %shift_right_arithmetic3A_452, %shift_left3A_457 : i32
        %add3A_459 = arith.addi %shift_left3A_458, %shift_left3A_456 : i32
        %add3A_460 = vector.broadcast %add3A_459 : i32 to vector<16xi32>
        %add3A_461 = arith.addi %add3A_460, %iota3A : vector<16xi32>
        %get3A = arith.index_cast %shift_right_arithmetic3A_452 : i32 to index
        %get3A_462 = arith.index_cast %shift_left3A_456 : i32 to index
        %get3A_463 = tpu.vector_load %arg10[%get3A, %get3A_462] {strides = array<i32>} : memref<16x128xi32, #tpu.memory_space<vmem>>, vector<16xi32>,
        %gather3A = tpu.vector_load_idx %arg6[%get3A_463] : memref<10000xi32, #tpu.memory_space<vmem>>[vector<16xi32>], vector<16xi32>,
        %add3A_464 = arith.constant 32 : i32
        %add3A_465 = vector.broadcast %add3A_464 : i32 to vector<16xi32>
        %add3A_466 = arith.addi %iota3A, %add3A_465 : vector<16xi32>
        tpu.vector_store_idx %arg7[%gather3A, %add3A_466], %broadcast_in_dim3A_1 {add = true} : memref<64x128xf32, #tpu.memory_space<vmem>>[vector<16xi32>, vector<16xi32>], vector<16xf32>,
        %add3A_467 = arith.addi %add3A_111, %add3A_461 : vector<16xi32>
        %gather3A_468 = tpu.vector_load_idx %arg8[%broadcast_in_dim3A_5, %broadcast_in_dim3A_5, %broadcast_in_dim3A_5, %add3A_467] : memref<2x16x8x128xf32, #tpu.memory_space<vmem>>[vector<16xi32>, vector<16xi32>, vector<16xi32>, vector<16xi32>], vector<16xf32>,
        %add3A_469 = arith.addi %add3A_124, %add3A_461 : vector<16xi32>
        %gather3A_470 = tpu.vector_load_idx %arg8[%broadcast_in_dim3A_5, %broadcast_in_dim3A_5, %broadcast_in_dim3A_5, %add3A_469] : memref<2x16x8x128xf32, #tpu.memory_space<vmem>>[vector<16xi32>, vector<16xi32>, vector<16xi32>, vector<16xi32>], vector<16xf32>,
        %add3A_471 = arith.addi %add3A_137, %add3A_461 : vector<16xi32>
        %gather3A_472 = tpu.vector_load_idx %arg8[%broadcast_in_dim3A_5, %broadcast_in_dim3A_5, %broadcast_in_dim3A_5, %add3A_471] : memref<2x16x8x128xf32, #tpu.memory_space<vmem>>[vector<16xi32>, vector<16xi32>, vector<16xi32>, vector<16xi32>], vector<16xf32>,
        %add3A_473 = arith.addi %add3A_150, %add3A_461 : vector<16xi32>
        %gather3A_474 = tpu.vector_load_idx %arg8[%broadcast_in_dim3A_5, %broadcast_in_dim3A_5, %broadcast_in_dim3A_5, %add3A_473] : memref<2x16x8x128xf32, #tpu.memory_space<vmem>>[vector<16xi32>, vector<16xi32>, vector<16xi32>, vector<16xi32>], vector<16xf32>,
        %add3A_475 = arith.addi %add3A_163, %add3A_461 : vector<16xi32>
        %gather3A_476 = tpu.vector_load_idx %arg8[%broadcast_in_dim3A_5, %broadcast_in_dim3A_5, %broadcast_in_dim3A_5, %add3A_475] : memref<2x16x8x128xf32, #tpu.memory_space<vmem>>[vector<16xi32>, vector<16xi32>, vector<16xi32>, vector<16xi32>], vector<16xf32>,
        %add3A_477 = arith.addi %add3A_176, %add3A_461 : vector<16xi32>
        %gather3A_478 = tpu.vector_load_idx %arg8[%broadcast_in_dim3A_5, %broadcast_in_dim3A_5, %broadcast_in_dim3A_5, %add3A_477] : memref<2x16x8x128xf32, #tpu.memory_space<vmem>>[vector<16xi32>, vector<16xi32>, vector<16xi32>, vector<16xi32>], vector<16xf32>,
        %add3A_479 = arith.addi %add3A_189, %add3A_461 : vector<16xi32>
        %gather3A_480 = tpu.vector_load_idx %arg8[%broadcast_in_dim3A_5, %broadcast_in_dim3A_5, %broadcast_in_dim3A_5, %add3A_479] : memref<2x16x8x128xf32, #tpu.memory_space<vmem>>[vector<16xi32>, vector<16xi32>, vector<16xi32>, vector<16xi32>], vector<16xf32>,
        %add3A_481 = arith.addi %add3A_202, %add3A_461 : vector<16xi32>
        %gather3A_482 = tpu.vector_load_idx %arg8[%broadcast_in_dim3A_5, %broadcast_in_dim3A_5, %broadcast_in_dim3A_5, %add3A_481] : memref<2x16x8x128xf32, #tpu.memory_space<vmem>>[vector<16xi32>, vector<16xi32>, vector<16xi32>, vector<16xi32>], vector<16xf32>,
        tpu.vector_store_idx %arg7[%gather3A, %and3A_10], %gather3A_468 {add = true} : memref<64x128xf32, #tpu.memory_space<vmem>>[vector<16xi32>, vector<16xi32>], vector<16xf32>,
        tpu.vector_store_idx %arg7[%gather3A, %and3A_16], %gather3A_470 {add = true} : memref<64x128xf32, #tpu.memory_space<vmem>>[vector<16xi32>, vector<16xi32>], vector<16xf32>,
        tpu.vector_store_idx %arg7[%gather3A, %and3A_22], %gather3A_472 {add = true} : memref<64x128xf32, #tpu.memory_space<vmem>>[vector<16xi32>, vector<16xi32>], vector<16xf32>,
        tpu.vector_store_idx %arg7[%gather3A, %and3A_28], %gather3A_474 {add = true} : memref<64x128xf32, #tpu.memory_space<vmem>>[vector<16xi32>, vector<16xi32>], vector<16xf32>,
        tpu.vector_store_idx %arg7[%gather3A, %and3A_34], %gather3A_476 {add = true} : memref<64x128xf32, #tpu.memory_space<vmem>>[vector<16xi32>, vector<16xi32>], vector<16xf32>,
        tpu.vector_store_idx %arg7[%gather3A, %and3A_40], %gather3A_478 {add = true} : memref<64x128xf32, #tpu.memory_space<vmem>>[vector<16xi32>, vector<16xi32>], vector<16xf32>,
        tpu.vector_store_idx %arg7[%gather3A, %and3A_46], %gather3A_480 {add = true} : memref<64x128xf32, #tpu.memory_space<vmem>>[vector<16xi32>, vector<16xi32>], vector<16xf32>,
        tpu.vector_store_idx %arg7[%gather3A, %and3A_52], %gather3A_482 {add = true} : memref<64x128xf32, #tpu.memory_space<vmem>>[vector<16xi32>, vector<16xi32>], vector<16xf32>,
        %add3A_483 = arith.addi %add3A_215, %add3A_461 : vector<16xi32>
        %gather3A_484 = tpu.vector_load_idx %arg8[%broadcast_in_dim3A_5, %broadcast_in_dim3A_5, %broadcast_in_dim3A_5, %add3A_483] : memref<2x16x8x128xf32, #tpu.memory_space<vmem>>[vector<16xi32>, vector<16xi32>, vector<16xi32>, vector<16xi32>], vector<16xf32>,
        %add3A_485 = arith.addi %add3A_228, %add3A_461 : vector<16xi32>
        %gather3A_486 = tpu.vector_load_idx %arg8[%broadcast_in_dim3A_5, %broadcast_in_dim3A_5, %broadcast_in_dim3A_5, %add3A_485] : memref<2x16x8x128xf32, #tpu.memory_space<vmem>>[vector<16xi32>, vector<16xi32>, vector<16xi32>, vector<16xi32>], vector<16xf32>,
        %add3A_487 = arith.addi %add3A_241, %add3A_461 : vector<16xi32>
        %gather3A_488 = tpu.vector_load_idx %arg8[%broadcast_in_dim3A_5, %broadcast_in_dim3A_5, %broadcast_in_dim3A_5, %add3A_487] : memref<2x16x8x128xf32, #tpu.memory_space<vmem>>[vector<16xi32>, vector<16xi32>, vector<16xi32>, vector<16xi32>], vector<16xf32>,
        %add3A_489 = arith.addi %add3A_254, %add3A_461 : vector<16xi32>
        %gather3A_490 = tpu.vector_load_idx %arg8[%broadcast_in_dim3A_5, %broadcast_in_dim3A_5, %broadcast_in_dim3A_5, %add3A_489] : memref<2x16x8x128xf32, #tpu.memory_space<vmem>>[vector<16xi32>, vector<16xi32>, vector<16xi32>, vector<16xi32>], vector<16xf32>,
        %add3A_491 = arith.addi %add3A_267, %add3A_461 : vector<16xi32>
        %gather3A_492 = tpu.vector_load_idx %arg8[%broadcast_in_dim3A_5, %broadcast_in_dim3A_5, %broadcast_in_dim3A_5, %add3A_491] : memref<2x16x8x128xf32, #tpu.memory_space<vmem>>[vector<16xi32>, vector<16xi32>, vector<16xi32>, vector<16xi32>], vector<16xf32>,
        %add3A_493 = arith.addi %add3A_280, %add3A_461 : vector<16xi32>
        %gather3A_494 = tpu.vector_load_idx %arg8[%broadcast_in_dim3A_5, %broadcast_in_dim3A_5, %broadcast_in_dim3A_5, %add3A_493] : memref<2x16x8x128xf32, #tpu.memory_space<vmem>>[vector<16xi32>, vector<16xi32>, vector<16xi32>, vector<16xi32>], vector<16xf32>,
        %add3A_495 = arith.addi %add3A_293, %add3A_461 : vector<16xi32>
        %gather3A_496 = tpu.vector_load_idx %arg8[%broadcast_in_dim3A_5, %broadcast_in_dim3A_5, %broadcast_in_dim3A_5, %add3A_495] : memref<2x16x8x128xf32, #tpu.memory_space<vmem>>[vector<16xi32>, vector<16xi32>, vector<16xi32>, vector<16xi32>], vector<16xf32>,
        %add3A_497 = arith.addi %add3A_306, %add3A_461 : vector<16xi32>
        %gather3A_498 = tpu.vector_load_idx %arg8[%broadcast_in_dim3A_5, %broadcast_in_dim3A_5, %broadcast_in_dim3A_5, %add3A_497] : memref<2x16x8x128xf32, #tpu.memory_space<vmem>>[vector<16xi32>, vector<16xi32>, vector<16xi32>, vector<16xi32>], vector<16xf32>,
        tpu.vector_store_idx %arg7[%gather3A, %and3A_58], %gather3A_484 {add = true} : memref<64x128xf32, #tpu.memory_space<vmem>>[vector<16xi32>, vector<16xi32>], vector<16xf32>,
        tpu.vector_store_idx %arg7[%gather3A, %and3A_64], %gather3A_486 {add = true} : memref<64x128xf32, #tpu.memory_space<vmem>>[vector<16xi32>, vector<16xi32>], vector<16xf32>,
        tpu.vector_store_idx %arg7[%gather3A, %and3A_70], %gather3A_488 {add = true} : memref<64x128xf32, #tpu.memory_space<vmem>>[vector<16xi32>, vector<16xi32>], vector<16xf32>,
        tpu.vector_store_idx %arg7[%gather3A, %and3A_76], %gather3A_490 {add = true} : memref<64x128xf32, #tpu.memory_space<vmem>>[vector<16xi32>, vector<16xi32>], vector<16xf32>,
        tpu.vector_store_idx %arg7[%gather3A, %and3A_82], %gather3A_492 {add = true} : memref<64x128xf32, #tpu.memory_space<vmem>>[vector<16xi32>, vector<16xi32>], vector<16xf32>,
        tpu.vector_store_idx %arg7[%gather3A, %and3A_88], %gather3A_494 {add = true} : memref<64x128xf32, #tpu.memory_space<vmem>>[vector<16xi32>, vector<16xi32>], vector<16xf32>,
        tpu.vector_store_idx %arg7[%gather3A, %and3A_94], %gather3A_496 {add = true} : memref<64x128xf32, #tpu.memory_space<vmem>>[vector<16xi32>, vector<16xi32>], vector<16xf32>,
        tpu.vector_store_idx %arg7[%gather3A, %and3A_100], %gather3A_498 {add = true} : memref<64x128xf32, #tpu.memory_space<vmem>>[vector<16xi32>, vector<16xi32>], vector<16xf32>,
      }
    } else {
    }
    %gt3A_369 = arith.constant 2 : i32
    %gt3A_370 = arith.cmpi sgt, %select_n3A_337, %gt3A_369 : i32
    %convert_element_type3A_371 = arith.extui %gt3A_370 : i1 to i32
    %cond3A_372 = arith.constant 0 : i32
    %cond3A_373 = arith.cmpi ne, %convert_element_type3A_371, %cond3A_372 : i32
    scf.if %cond3A_373 {
      %sub3A_408 = arith.constant 16 : i32
      %sub3A_409 = arith.subi %add3A_314, %sub3A_408 : i32
      %min3A_410 = arith.constant 32 : i32
      %min3A_411 = arith.minsi %min3A_410, %sub3A_409 : i32
      %add3A_412 = arith.addi %add3A_310, %min3A_411 : i32
      %dma_start3A_413 = arith.constant 0 : i32
      %dma_start3A_414 = arith.constant 0 : i32
      %dma_start3A_415 = arith.constant 0 : i32
      %dma_start3A_416 = tpu.memref_slice %arg3[%dma_start3A_413, %add3A_412, %dma_start3A_414, %dma_start3A_415] : memref<2x2500x8x128xf32, #tpu.memory_space<hbm>> -> memref<2x16x8x128xf32, #tpu.memory_space<hbm>>
      %dma_start3A_417 = arith.constant 0 : i32
      %dma_start3A_418 = arith.constant 0 : i32
      %dma_start3A_419 = arith.constant 0 : i32
      %dma_start3A_420 = tpu.memref_slice %arg3[%dma_start3A_417, %add3A_412, %dma_start3A_418, %dma_start3A_419] : memref<2x2500x8x128xf32, #tpu.memory_space<hbm>> -> memref<2x16x8x128xf32, #tpu.memory_space<hbm>>
      tpu.enqueue_dma source(%dma_start3A_420 : memref<2x16x8x128xf32, #tpu.memory_space<hbm>>) target(%arg8 : memref<2x16x8x128xf32, #tpu.memory_space<vmem>>) target_semaphore(%arg13 : memref<!tpu.dma_semaphore, #tpu.memory_space<semaphore_mem>>)
      %dma_start3A_421 = arith.constant 0 : i32
      %dma_start3A_422 = arith.constant 0 : i32
      %dma_start3A_423 = tpu.memref_slice %arg2[%add3A_412, %dma_start3A_421, %dma_start3A_422] : memref<2500x2x128xi32, #tpu.memory_space<hbm>> -> memref<16x1x128xi32, #tpu.memory_space<hbm>>
      %dma_start3A_424 = tpu.memref_squeeze %dma_start3A_423 : memref<16x1x128xi32, #tpu.memory_space<hbm>> -> memref<16x128xi32, #tpu.memory_space<hbm>>
      %dma_start3A_425 = arith.constant 0 : i32
      %dma_start3A_426 = tpu.memref_slice %arg2[%add3A_412, %dma_start3A_421, %dma_start3A_425] : memref<2500x2x128xi32, #tpu.memory_space<hbm>> -> memref<16x1x128xi32, #tpu.memory_space<hbm>>
      %dma_start3A_427 = tpu.memref_squeeze %dma_start3A_426 : memref<16x1x128xi32, #tpu.memory_space<hbm>> -> memref<16x128xi32, #tpu.memory_space<hbm>>
      tpu.enqueue_dma source(%dma_start3A_427 : memref<16x128xi32, #tpu.memory_space<hbm>>) target(%arg10 : memref<16x128xi32, #tpu.memory_space<vmem>>) target_semaphore(%arg13 : memref<!tpu.dma_semaphore, #tpu.memory_space<semaphore_mem>>)
    } else {
    }
    %gt3A_374 = arith.constant 1 : i32
    %gt3A_375 = arith.cmpi sgt, %select_n3A_337, %gt3A_374 : i32
    %convert_element_type3A_376 = arith.extui %gt3A_375 : i1 to i32
    %cond3A_377 = arith.constant 0 : i32
    %cond3A_378 = arith.constant 0 : i32
    %cond3A_379 = arith.cmpi ne, %convert_element_type3A_376, %cond3A_378 : i32
    scf.if %cond3A_379 {
      %dma_wait3A = arith.constant 0 : i32
      %dma_wait3A_408 = arith.constant 0 : i32
      %dma_wait3A_409 = arith.constant 0 : i32
      %dma_wait3A_410 = arith.constant 0 : i32
      %dma_wait3A_411 = tpu.memref_slice %arg3[%dma_wait3A, %dma_wait3A_408, %dma_wait3A_409, %dma_wait3A_410] : memref<2x2500x8x128xf32, #tpu.memory_space<hbm>> -> memref<2x16x8x128xf32, #tpu.memory_space<hbm>>
      %dma_wait3A_412 = arith.constant 0 : i32
      %dma_wait3A_413 = arith.constant 0 : i32
      %dma_wait3A_414 = arith.constant 0 : i32
      %dma_wait3A_415 = arith.constant 0 : i32
      %dma_wait3A_416 = tpu.memref_slice %arg3[%dma_wait3A_412, %dma_wait3A_413, %dma_wait3A_414, %dma_wait3A_415] : memref<2x2500x8x128xf32, #tpu.memory_space<hbm>> -> memref<2x16x8x128xf32, #tpu.memory_space<hbm>>
      tpu.wait_dma2 semaphore(%arg14 : memref<!tpu.dma_semaphore, #tpu.memory_space<semaphore_mem>>) src(%dma_wait3A_416 : memref<2x16x8x128xf32, #tpu.memory_space<hbm>>) dst(%arg9 : memref<2x16x8x128xf32, #tpu.memory_space<vmem>>)
      %dma_wait3A_417 = arith.constant 0 : i32
      %dma_wait3A_418 = arith.constant 0 : i32
      %dma_wait3A_419 = tpu.memref_slice %arg2[%dma_wait3A_417, %cond3A_377, %dma_wait3A_418] : memref<2500x2x128xi32, #tpu.memory_space<hbm>> -> memref<16x1x128xi32, #tpu.memory_space<hbm>>
      %dma_wait3A_420 = tpu.memref_squeeze %dma_wait3A_419 : memref<16x1x128xi32, #tpu.memory_space<hbm>> -> memref<16x128xi32, #tpu.memory_space<hbm>>
      %dma_wait3A_421 = arith.constant 0 : i32
      %dma_wait3A_422 = arith.constant 0 : i32
      %dma_wait3A_423 = tpu.memref_slice %arg2[%dma_wait3A_421, %cond3A_377, %dma_wait3A_422] : memref<2500x2x128xi32, #tpu.memory_space<hbm>> -> memref<16x1x128xi32, #tpu.memory_space<hbm>>
      %dma_wait3A_424 = tpu.memref_squeeze %dma_wait3A_423 : memref<16x1x128xi32, #tpu.memory_space<hbm>> -> memref<16x128xi32, #tpu.memory_space<hbm>>
      tpu.wait_dma2 semaphore(%arg14 : memref<!tpu.dma_semaphore, #tpu.memory_space<semaphore_mem>>) src(%dma_wait3A_424 : memref<16x128xi32, #tpu.memory_space<hbm>>) dst(%arg11 : memref<16x128xi32, #tpu.memory_space<vmem>>)
      %sub3A_425 = arith.constant 16 : i32
      %sub3A_426 = arith.subi %add3A_314, %sub3A_425 : i32
      %min3A_427 = arith.constant 16 : i32
      %min3A_428 = arith.minsi %min3A_427, %sub3A_426 : i32
      %add3A_429 = arith.addi %add3A_310, %min3A_428 : i32
      %sub3A_430 = arith.subi %add3A_429, %add3A_310 : i32
      %sub3A_431 = arith.constant 16 : i32
      %sub3A_432 = arith.subi %sub3A_431, %sub3A_430 : i32
      %mul3A_433 = arith.constant 8 : i32
      %mul3A_434 = arith.muli %sub3A_432, %mul3A_433 : i32
      %sub3A_435 = arith.constant 128 : i32
      %sub3A_436 = arith.subi %sub3A_435, %mul3A_434 : i32
      %sub3A_437 = arith.constant 1 : i32
      %sub3A_438 = arith.constant 1 : i32
      %sub3A_439 = arith.subi %sub3A_437, %sub3A_438 : i32
      %add3A_440 = arith.addi %sub3A_436, %sub3A_439 : i32
      %div3A_441 = arith.constant 1 : i32
      %div3A_442 = arith.divsi %add3A_440, %div3A_441 : i32
      %while3A = arith.constant 1 : i32
      %while3A_443 = arith.constant 0 : i32
      %while3A_444 = arith.subi %div3A_442, %while3A_443 : i32
      %while3A_445 = arith.addi %while3A_443, %while3A_444 : i32
      %while3A_446 = arith.constant 1 : i32
      %while3A_447 = arith.divsi %while3A_444, %while3A_446 : i32
      %while3A_448 = arith.muli %while3A_447, %while3A_446 : i32
      %while3A_449 = arith.addi %while3A_443, %while3A_448 : i32
      %while3A_450 = arith.constant 1 : i32
      scf.for %while3A_452 = %while3A_443 to %while3A_449 step %while3A_450  : i32 {
        %mul3A_453 = arith.muli %while3A_452, %while3A : i32
        %add3A_454 = arith.addi %mul3A_434, %mul3A_453 : i32
        %shift_right_arithmetic3A_455 = arith.constant 3 : i32
        %shift_right_arithmetic3A_456 = arith.shrsi %add3A_454, %shift_right_arithmetic3A_455 : i32
        %and3A_457 = arith.constant 7 : i32
        %and3A_458 = arith.andi %add3A_454, %and3A_457 : i32
        %shift_left3A_459 = arith.constant 4 : i32
        %shift_left3A_460 = arith.shli %and3A_458, %shift_left3A_459 : i32
        %shift_left3A_461 = arith.constant 10 : i32
        %shift_left3A_462 = arith.shli %shift_right_arithmetic3A_456, %shift_left3A_461 : i32
        %add3A_463 = arith.addi %shift_left3A_462, %shift_left3A_460 : i32
        %add3A_464 = vector.broadcast %add3A_463 : i32 to vector<16xi32>
        %add3A_465 = arith.addi %add3A_464, %iota3A : vector<16xi32>
        %get3A = arith.index_cast %shift_right_arithmetic3A_456 : i32 to index
        %get3A_466 = arith.index_cast %shift_left3A_460 : i32 to index
        %get3A_467 = tpu.vector_load %arg11[%get3A, %get3A_466] {strides = array<i32>} : memref<16x128xi32, #tpu.memory_space<vmem>>, vector<16xi32>,
        %gather3A = tpu.vector_load_idx %arg6[%get3A_467] : memref<10000xi32, #tpu.memory_space<vmem>>[vector<16xi32>], vector<16xi32>,
        %add3A_468 = arith.constant 32 : i32
        %add3A_469 = vector.broadcast %add3A_468 : i32 to vector<16xi32>
        %add3A_470 = arith.addi %iota3A, %add3A_469 : vector<16xi32>
        tpu.vector_store_idx %arg7[%gather3A, %add3A_470], %broadcast_in_dim3A_1 {add = true} : memref<64x128xf32, #tpu.memory_space<vmem>>[vector<16xi32>, vector<16xi32>], vector<16xf32>,
        %add3A_471 = arith.addi %add3A_111, %add3A_465 : vector<16xi32>
        %gather3A_472 = tpu.vector_load_idx %arg9[%broadcast_in_dim3A_5, %broadcast_in_dim3A_5, %broadcast_in_dim3A_5, %add3A_471] : memref<2x16x8x128xf32, #tpu.memory_space<vmem>>[vector<16xi32>, vector<16xi32>, vector<16xi32>, vector<16xi32>], vector<16xf32>,
        %add3A_473 = arith.addi %add3A_124, %add3A_465 : vector<16xi32>
        %gather3A_474 = tpu.vector_load_idx %arg9[%broadcast_in_dim3A_5, %broadcast_in_dim3A_5, %broadcast_in_dim3A_5, %add3A_473] : memref<2x16x8x128xf32, #tpu.memory_space<vmem>>[vector<16xi32>, vector<16xi32>, vector<16xi32>, vector<16xi32>], vector<16xf32>,
        %add3A_475 = arith.addi %add3A_137, %add3A_465 : vector<16xi32>
        %gather3A_476 = tpu.vector_load_idx %arg9[%broadcast_in_dim3A_5, %broadcast_in_dim3A_5, %broadcast_in_dim3A_5, %add3A_475] : memref<2x16x8x128xf32, #tpu.memory_space<vmem>>[vector<16xi32>, vector<16xi32>, vector<16xi32>, vector<16xi32>], vector<16xf32>,
        %add3A_477 = arith.addi %add3A_150, %add3A_465 : vector<16xi32>
        %gather3A_478 = tpu.vector_load_idx %arg9[%broadcast_in_dim3A_5, %broadcast_in_dim3A_5, %broadcast_in_dim3A_5, %add3A_477] : memref<2x16x8x128xf32, #tpu.memory_space<vmem>>[vector<16xi32>, vector<16xi32>, vector<16xi32>, vector<16xi32>], vector<16xf32>,
        %add3A_479 = arith.addi %add3A_163, %add3A_465 : vector<16xi32>
        %gather3A_480 = tpu.vector_load_idx %arg9[%broadcast_in_dim3A_5, %broadcast_in_dim3A_5, %broadcast_in_dim3A_5, %add3A_479] : memref<2x16x8x128xf32, #tpu.memory_space<vmem>>[vector<16xi32>, vector<16xi32>, vector<16xi32>, vector<16xi32>], vector<16xf32>,
        %add3A_481 = arith.addi %add3A_176, %add3A_465 : vector<16xi32>
        %gather3A_482 = tpu.vector_load_idx %arg9[%broadcast_in_dim3A_5, %broadcast_in_dim3A_5, %broadcast_in_dim3A_5, %add3A_481] : memref<2x16x8x128xf32, #tpu.memory_space<vmem>>[vector<16xi32>, vector<16xi32>, vector<16xi32>, vector<16xi32>], vector<16xf32>,
        %add3A_483 = arith.addi %add3A_189, %add3A_465 : vector<16xi32>
        %gather3A_484 = tpu.vector_load_idx %arg9[%broadcast_in_dim3A_5, %broadcast_in_dim3A_5, %broadcast_in_dim3A_5, %add3A_483] : memref<2x16x8x128xf32, #tpu.memory_space<vmem>>[vector<16xi32>, vector<16xi32>, vector<16xi32>, vector<16xi32>], vector<16xf32>,
        %add3A_485 = arith.addi %add3A_202, %add3A_465 : vector<16xi32>
        %gather3A_486 = tpu.vector_load_idx %arg9[%broadcast_in_dim3A_5, %broadcast_in_dim3A_5, %broadcast_in_dim3A_5, %add3A_485] : memref<2x16x8x128xf32, #tpu.memory_space<vmem>>[vector<16xi32>, vector<16xi32>, vector<16xi32>, vector<16xi32>], vector<16xf32>,
        tpu.vector_store_idx %arg7[%gather3A, %and3A_10], %gather3A_472 {add = true} : memref<64x128xf32, #tpu.memory_space<vmem>>[vector<16xi32>, vector<16xi32>], vector<16xf32>,
        tpu.vector_store_idx %arg7[%gather3A, %and3A_16], %gather3A_474 {add = true} : memref<64x128xf32, #tpu.memory_space<vmem>>[vector<16xi32>, vector<16xi32>], vector<16xf32>,
        tpu.vector_store_idx %arg7[%gather3A, %and3A_22], %gather3A_476 {add = true} : memref<64x128xf32, #tpu.memory_space<vmem>>[vector<16xi32>, vector<16xi32>], vector<16xf32>,
        tpu.vector_store_idx %arg7[%gather3A, %and3A_28], %gather3A_478 {add = true} : memref<64x128xf32, #tpu.memory_space<vmem>>[vector<16xi32>, vector<16xi32>], vector<16xf32>,
        tpu.vector_store_idx %arg7[%gather3A, %and3A_34], %gather3A_480 {add = true} : memref<64x128xf32, #tpu.memory_space<vmem>>[vector<16xi32>, vector<16xi32>], vector<16xf32>,
        tpu.vector_store_idx %arg7[%gather3A, %and3A_40], %gather3A_482 {add = true} : memref<64x128xf32, #tpu.memory_space<vmem>>[vector<16xi32>, vector<16xi32>], vector<16xf32>,
        tpu.vector_store_idx %arg7[%gather3A, %and3A_46], %gather3A_484 {add = true} : memref<64x128xf32, #tpu.memory_space<vmem>>[vector<16xi32>, vector<16xi32>], vector<16xf32>,
        tpu.vector_store_idx %arg7[%gather3A, %and3A_52], %gather3A_486 {add = true} : memref<64x128xf32, #tpu.memory_space<vmem>>[vector<16xi32>, vector<16xi32>], vector<16xf32>,
        %add3A_487 = arith.addi %add3A_215, %add3A_465 : vector<16xi32>
        %gather3A_488 = tpu.vector_load_idx %arg9[%broadcast_in_dim3A_5, %broadcast_in_dim3A_5, %broadcast_in_dim3A_5, %add3A_487] : memref<2x16x8x128xf32, #tpu.memory_space<vmem>>[vector<16xi32>, vector<16xi32>, vector<16xi32>, vector<16xi32>], vector<16xf32>,
        %add3A_489 = arith.addi %add3A_228, %add3A_465 : vector<16xi32>
        %gather3A_490 = tpu.vector_load_idx %arg9[%broadcast_in_dim3A_5, %broadcast_in_dim3A_5, %broadcast_in_dim3A_5, %add3A_489] : memref<2x16x8x128xf32, #tpu.memory_space<vmem>>[vector<16xi32>, vector<16xi32>, vector<16xi32>, vector<16xi32>], vector<16xf32>,
        %add3A_491 = arith.addi %add3A_241, %add3A_465 : vector<16xi32>
        %gather3A_492 = tpu.vector_load_idx %arg9[%broadcast_in_dim3A_5, %broadcast_in_dim3A_5, %broadcast_in_dim3A_5, %add3A_491] : memref<2x16x8x128xf32, #tpu.memory_space<vmem>>[vector<16xi32>, vector<16xi32>, vector<16xi32>, vector<16xi32>], vector<16xf32>,
        %add3A_493 = arith.addi %add3A_254, %add3A_465 : vector<16xi32>
        %gather3A_494 = tpu.vector_load_idx %arg9[%broadcast_in_dim3A_5, %broadcast_in_dim3A_5, %broadcast_in_dim3A_5, %add3A_493] : memref<2x16x8x128xf32, #tpu.memory_space<vmem>>[vector<16xi32>, vector<16xi32>, vector<16xi32>, vector<16xi32>], vector<16xf32>,
        %add3A_495 = arith.addi %add3A_267, %add3A_465 : vector<16xi32>
        %gather3A_496 = tpu.vector_load_idx %arg9[%broadcast_in_dim3A_5, %broadcast_in_dim3A_5, %broadcast_in_dim3A_5, %add3A_495] : memref<2x16x8x128xf32, #tpu.memory_space<vmem>>[vector<16xi32>, vector<16xi32>, vector<16xi32>, vector<16xi32>], vector<16xf32>,
        %add3A_497 = arith.addi %add3A_280, %add3A_465 : vector<16xi32>
        %gather3A_498 = tpu.vector_load_idx %arg9[%broadcast_in_dim3A_5, %broadcast_in_dim3A_5, %broadcast_in_dim3A_5, %add3A_497] : memref<2x16x8x128xf32, #tpu.memory_space<vmem>>[vector<16xi32>, vector<16xi32>, vector<16xi32>, vector<16xi32>], vector<16xf32>,
        %add3A_499 = arith.addi %add3A_293, %add3A_465 : vector<16xi32>
        %gather3A_500 = tpu.vector_load_idx %arg9[%broadcast_in_dim3A_5, %broadcast_in_dim3A_5, %broadcast_in_dim3A_5, %add3A_499] : memref<2x16x8x128xf32, #tpu.memory_space<vmem>>[vector<16xi32>, vector<16xi32>, vector<16xi32>, vector<16xi32>], vector<16xf32>,
        %add3A_501 = arith.addi %add3A_306, %add3A_465 : vector<16xi32>
        %gather3A_502 = tpu.vector_load_idx %arg9[%broadcast_in_dim3A_5, %broadcast_in_dim3A_5, %broadcast_in_dim3A_5, %add3A_501] : memref<2x16x8x128xf32, #tpu.memory_space<vmem>>[vector<16xi32>, vector<16xi32>, vector<16xi32>, vector<16xi32>], vector<16xf32>,
        tpu.vector_store_idx %arg7[%gather3A, %and3A_58], %gather3A_488 {add = true} : memref<64x128xf32, #tpu.memory_space<vmem>>[vector<16xi32>, vector<16xi32>], vector<16xf32>,
        tpu.vector_store_idx %arg7[%gather3A, %and3A_64], %gather3A_490 {add = true} : memref<64x128xf32, #tpu.memory_space<vmem>>[vector<16xi32>, vector<16xi32>], vector<16xf32>,
        tpu.vector_store_idx %arg7[%gather3A, %and3A_70], %gather3A_492 {add = true} : memref<64x128xf32, #tpu.memory_space<vmem>>[vector<16xi32>, vector<16xi32>], vector<16xf32>,
        tpu.vector_store_idx %arg7[%gather3A, %and3A_76], %gather3A_494 {add = true} : memref<64x128xf32, #tpu.memory_space<vmem>>[vector<16xi32>, vector<16xi32>], vector<16xf32>,
        tpu.vector_store_idx %arg7[%gather3A, %and3A_82], %gather3A_496 {add = true} : memref<64x128xf32, #tpu.memory_space<vmem>>[vector<16xi32>, vector<16xi32>], vector<16xf32>,
        tpu.vector_store_idx %arg7[%gather3A, %and3A_88], %gather3A_498 {add = true} : memref<64x128xf32, #tpu.memory_space<vmem>>[vector<16xi32>, vector<16xi32>], vector<16xf32>,
        tpu.vector_store_idx %arg7[%gather3A, %and3A_94], %gather3A_500 {add = true} : memref<64x128xf32, #tpu.memory_space<vmem>>[vector<16xi32>, vector<16xi32>], vector<16xf32>,
        tpu.vector_store_idx %arg7[%gather3A, %and3A_100], %gather3A_502 {add = true} : memref<64x128xf32, #tpu.memory_space<vmem>>[vector<16xi32>, vector<16xi32>], vector<16xf32>,
      }
      %while3A_451 = arith.constant 1 : i32
      scf.for %while3A_452 = %while3A_449 to %while3A_445 step %while3A_451  : i32 {
        %mul3A_453 = arith.muli %while3A_452, %while3A : i32
        %add3A_454 = arith.addi %mul3A_434, %mul3A_453 : i32
        %shift_right_arithmetic3A_455 = arith.constant 3 : i32
        %shift_right_arithmetic3A_456 = arith.shrsi %add3A_454, %shift_right_arithmetic3A_455 : i32
        %and3A_457 = arith.constant 7 : i32
        %and3A_458 = arith.andi %add3A_454, %and3A_457 : i32
        %shift_left3A_459 = arith.constant 4 : i32
        %shift_left3A_460 = arith.shli %and3A_458, %shift_left3A_459 : i32
        %shift_left3A_461 = arith.constant 10 : i32
        %shift_left3A_462 = arith.shli %shift_right_arithmetic3A_456, %shift_left3A_461 : i32
        %add3A_463 = arith.addi %shift_left3A_462, %shift_left3A_460 : i32
        %add3A_464 = vector.broadcast %add3A_463 : i32 to vector<16xi32>
        %add3A_465 = arith.addi %add3A_464, %iota3A : vector<16xi32>
        %get3A = arith.index_cast %shift_right_arithmetic3A_456 : i32 to index
        %get3A_466 = arith.index_cast %shift_left3A_460 : i32 to index
        %get3A_467 = tpu.vector_load %arg11[%get3A, %get3A_466] {strides = array<i32>} : memref<16x128xi32, #tpu.memory_space<vmem>>, vector<16xi32>,
        %gather3A = tpu.vector_load_idx %arg6[%get3A_467] : memref<10000xi32, #tpu.memory_space<vmem>>[vector<16xi32>], vector<16xi32>,
        %add3A_468 = arith.constant 32 : i32
        %add3A_469 = vector.broadcast %add3A_468 : i32 to vector<16xi32>
        %add3A_470 = arith.addi %iota3A, %add3A_469 : vector<16xi32>
        tpu.vector_store_idx %arg7[%gather3A, %add3A_470], %broadcast_in_dim3A_1 {add = true} : memref<64x128xf32, #tpu.memory_space<vmem>>[vector<16xi32>, vector<16xi32>], vector<16xf32>,
        %add3A_471 = arith.addi %add3A_111, %add3A_465 : vector<16xi32>
        %gather3A_472 = tpu.vector_load_idx %arg9[%broadcast_in_dim3A_5, %broadcast_in_dim3A_5, %broadcast_in_dim3A_5, %add3A_471] : memref<2x16x8x128xf32, #tpu.memory_space<vmem>>[vector<16xi32>, vector<16xi32>, vector<16xi32>, vector<16xi32>], vector<16xf32>,
        %add3A_473 = arith.addi %add3A_124, %add3A_465 : vector<16xi32>
        %gather3A_474 = tpu.vector_load_idx %arg9[%broadcast_in_dim3A_5, %broadcast_in_dim3A_5, %broadcast_in_dim3A_5, %add3A_473] : memref<2x16x8x128xf32, #tpu.memory_space<vmem>>[vector<16xi32>, vector<16xi32>, vector<16xi32>, vector<16xi32>], vector<16xf32>,
        %add3A_475 = arith.addi %add3A_137, %add3A_465 : vector<16xi32>
        %gather3A_476 = tpu.vector_load_idx %arg9[%broadcast_in_dim3A_5, %broadcast_in_dim3A_5, %broadcast_in_dim3A_5, %add3A_475] : memref<2x16x8x128xf32, #tpu.memory_space<vmem>>[vector<16xi32>, vector<16xi32>, vector<16xi32>, vector<16xi32>], vector<16xf32>,
        %add3A_477 = arith.addi %add3A_150, %add3A_465 : vector<16xi32>
        %gather3A_478 = tpu.vector_load_idx %arg9[%broadcast_in_dim3A_5, %broadcast_in_dim3A_5, %broadcast_in_dim3A_5, %add3A_477] : memref<2x16x8x128xf32, #tpu.memory_space<vmem>>[vector<16xi32>, vector<16xi32>, vector<16xi32>, vector<16xi32>], vector<16xf32>,
        %add3A_479 = arith.addi %add3A_163, %add3A_465 : vector<16xi32>
        %gather3A_480 = tpu.vector_load_idx %arg9[%broadcast_in_dim3A_5, %broadcast_in_dim3A_5, %broadcast_in_dim3A_5, %add3A_479] : memref<2x16x8x128xf32, #tpu.memory_space<vmem>>[vector<16xi32>, vector<16xi32>, vector<16xi32>, vector<16xi32>], vector<16xf32>,
        %add3A_481 = arith.addi %add3A_176, %add3A_465 : vector<16xi32>
        %gather3A_482 = tpu.vector_load_idx %arg9[%broadcast_in_dim3A_5, %broadcast_in_dim3A_5, %broadcast_in_dim3A_5, %add3A_481] : memref<2x16x8x128xf32, #tpu.memory_space<vmem>>[vector<16xi32>, vector<16xi32>, vector<16xi32>, vector<16xi32>], vector<16xf32>,
        %add3A_483 = arith.addi %add3A_189, %add3A_465 : vector<16xi32>
        %gather3A_484 = tpu.vector_load_idx %arg9[%broadcast_in_dim3A_5, %broadcast_in_dim3A_5, %broadcast_in_dim3A_5, %add3A_483] : memref<2x16x8x128xf32, #tpu.memory_space<vmem>>[vector<16xi32>, vector<16xi32>, vector<16xi32>, vector<16xi32>], vector<16xf32>,
        %add3A_485 = arith.addi %add3A_202, %add3A_465 : vector<16xi32>
        %gather3A_486 = tpu.vector_load_idx %arg9[%broadcast_in_dim3A_5, %broadcast_in_dim3A_5, %broadcast_in_dim3A_5, %add3A_485] : memref<2x16x8x128xf32, #tpu.memory_space<vmem>>[vector<16xi32>, vector<16xi32>, vector<16xi32>, vector<16xi32>], vector<16xf32>,
        tpu.vector_store_idx %arg7[%gather3A, %and3A_10], %gather3A_472 {add = true} : memref<64x128xf32, #tpu.memory_space<vmem>>[vector<16xi32>, vector<16xi32>], vector<16xf32>,
        tpu.vector_store_idx %arg7[%gather3A, %and3A_16], %gather3A_474 {add = true} : memref<64x128xf32, #tpu.memory_space<vmem>>[vector<16xi32>, vector<16xi32>], vector<16xf32>,
        tpu.vector_store_idx %arg7[%gather3A, %and3A_22], %gather3A_476 {add = true} : memref<64x128xf32, #tpu.memory_space<vmem>>[vector<16xi32>, vector<16xi32>], vector<16xf32>,
        tpu.vector_store_idx %arg7[%gather3A, %and3A_28], %gather3A_478 {add = true} : memref<64x128xf32, #tpu.memory_space<vmem>>[vector<16xi32>, vector<16xi32>], vector<16xf32>,
        tpu.vector_store_idx %arg7[%gather3A, %and3A_34], %gather3A_480 {add = true} : memref<64x128xf32, #tpu.memory_space<vmem>>[vector<16xi32>, vector<16xi32>], vector<16xf32>,
        tpu.vector_store_idx %arg7[%gather3A, %and3A_40], %gather3A_482 {add = true} : memref<64x128xf32, #tpu.memory_space<vmem>>[vector<16xi32>, vector<16xi32>], vector<16xf32>,
        tpu.vector_store_idx %arg7[%gather3A, %and3A_46], %gather3A_484 {add = true} : memref<64x128xf32, #tpu.memory_space<vmem>>[vector<16xi32>, vector<16xi32>], vector<16xf32>,
        tpu.vector_store_idx %arg7[%gather3A, %and3A_52], %gather3A_486 {add = true} : memref<64x128xf32, #tpu.memory_space<vmem>>[vector<16xi32>, vector<16xi32>], vector<16xf32>,
        %add3A_487 = arith.addi %add3A_215, %add3A_465 : vector<16xi32>
        %gather3A_488 = tpu.vector_load_idx %arg9[%broadcast_in_dim3A_5, %broadcast_in_dim3A_5, %broadcast_in_dim3A_5, %add3A_487] : memref<2x16x8x128xf32, #tpu.memory_space<vmem>>[vector<16xi32>, vector<16xi32>, vector<16xi32>, vector<16xi32>], vector<16xf32>,
        %add3A_489 = arith.addi %add3A_228, %add3A_465 : vector<16xi32>
        %gather3A_490 = tpu.vector_load_idx %arg9[%broadcast_in_dim3A_5, %broadcast_in_dim3A_5, %broadcast_in_dim3A_5, %add3A_489] : memref<2x16x8x128xf32, #tpu.memory_space<vmem>>[vector<16xi32>, vector<16xi32>, vector<16xi32>, vector<16xi32>], vector<16xf32>,
        %add3A_491 = arith.addi %add3A_241, %add3A_465 : vector<16xi32>
        %gather3A_492 = tpu.vector_load_idx %arg9[%broadcast_in_dim3A_5, %broadcast_in_dim3A_5, %broadcast_in_dim3A_5, %add3A_491] : memref<2x16x8x128xf32, #tpu.memory_space<vmem>>[vector<16xi32>, vector<16xi32>, vector<16xi32>, vector<16xi32>], vector<16xf32>,
        %add3A_493 = arith.addi %add3A_254, %add3A_465 : vector<16xi32>
        %gather3A_494 = tpu.vector_load_idx %arg9[%broadcast_in_dim3A_5, %broadcast_in_dim3A_5, %broadcast_in_dim3A_5, %add3A_493] : memref<2x16x8x128xf32, #tpu.memory_space<vmem>>[vector<16xi32>, vector<16xi32>, vector<16xi32>, vector<16xi32>], vector<16xf32>,
        %add3A_495 = arith.addi %add3A_267, %add3A_465 : vector<16xi32>
        %gather3A_496 = tpu.vector_load_idx %arg9[%broadcast_in_dim3A_5, %broadcast_in_dim3A_5, %broadcast_in_dim3A_5, %add3A_495] : memref<2x16x8x128xf32, #tpu.memory_space<vmem>>[vector<16xi32>, vector<16xi32>, vector<16xi32>, vector<16xi32>], vector<16xf32>,
        %add3A_497 = arith.addi %add3A_280, %add3A_465 : vector<16xi32>
        %gather3A_498 = tpu.vector_load_idx %arg9[%broadcast_in_dim3A_5, %broadcast_in_dim3A_5, %broadcast_in_dim3A_5, %add3A_497] : memref<2x16x8x128xf32, #tpu.memory_space<vmem>>[vector<16xi32>, vector<16xi32>, vector<16xi32>, vector<16xi32>], vector<16xf32>,
        %add3A_499 = arith.addi %add3A_293, %add3A_465 : vector<16xi32>
        %gather3A_500 = tpu.vector_load_idx %arg9[%broadcast_in_dim3A_5, %broadcast_in_dim3A_5, %broadcast_in_dim3A_5, %add3A_499] : memref<2x16x8x128xf32, #tpu.memory_space<vmem>>[vector<16xi32>, vector<16xi32>, vector<16xi32>, vector<16xi32>], vector<16xf32>,
        %add3A_501 = arith.addi %add3A_306, %add3A_465 : vector<16xi32>
        %gather3A_502 = tpu.vector_load_idx %arg9[%broadcast_in_dim3A_5, %broadcast_in_dim3A_5, %broadcast_in_dim3A_5, %add3A_501] : memref<2x16x8x128xf32, #tpu.memory_space<vmem>>[vector<16xi32>, vector<16xi32>, vector<16xi32>, vector<16xi32>], vector<16xf32>,
        tpu.vector_store_idx %arg7[%gather3A, %and3A_58], %gather3A_488 {add = true} : memref<64x128xf32, #tpu.memory_space<vmem>>[vector<16xi32>, vector<16xi32>], vector<16xf32>,
        tpu.vector_store_idx %arg7[%gather3A, %and3A_64], %gather3A_490 {add = true} : memref<64x128xf32, #tpu.memory_space<vmem>>[vector<16xi32>, vector<16xi32>], vector<16xf32>,
        tpu.vector_store_idx %arg7[%gather3A, %and3A_70], %gather3A_492 {add = true} : memref<64x128xf32, #tpu.memory_space<vmem>>[vector<16xi32>, vector<16xi32>], vector<16xf32>,
        tpu.vector_store_idx %arg7[%gather3A, %and3A_76], %gather3A_494 {add = true} : memref<64x128xf32, #tpu.memory_space<vmem>>[vector<16xi32>, vector<16xi32>], vector<16xf32>,
        tpu.vector_store_idx %arg7[%gather3A, %and3A_82], %gather3A_496 {add = true} : memref<64x128xf32, #tpu.memory_space<vmem>>[vector<16xi32>, vector<16xi32>], vector<16xf32>,
        tpu.vector_store_idx %arg7[%gather3A, %and3A_88], %gather3A_498 {add = true} : memref<64x128xf32, #tpu.memory_space<vmem>>[vector<16xi32>, vector<16xi32>], vector<16xf32>,
        tpu.vector_store_idx %arg7[%gather3A, %and3A_94], %gather3A_500 {add = true} : memref<64x128xf32, #tpu.memory_space<vmem>>[vector<16xi32>, vector<16xi32>], vector<16xf32>,
        tpu.vector_store_idx %arg7[%gather3A, %and3A_100], %gather3A_502 {add = true} : memref<64x128xf32, #tpu.memory_space<vmem>>[vector<16xi32>, vector<16xi32>], vector<16xf32>,
      }
    } else {
    }
    %gt3A_380 = arith.constant 3 : i32
    %gt3A_381 = arith.cmpi sgt, %select_n3A_337, %gt3A_380 : i32
    %convert_element_type3A_382 = arith.extui %gt3A_381 : i1 to i32
    %cond3A_383 = arith.constant 0 : i32
    %cond3A_384 = arith.cmpi ne, %convert_element_type3A_382, %cond3A_383 : i32
    scf.if %cond3A_384 {
      %sub3A_408 = arith.constant 16 : i32
      %sub3A_409 = arith.subi %add3A_314, %sub3A_408 : i32
      %min3A_410 = arith.constant 48 : i32
      %min3A_411 = arith.minsi %min3A_410, %sub3A_409 : i32
      %add3A_412 = arith.addi %add3A_310, %min3A_411 : i32
      %dma_start3A_413 = arith.constant 0 : i32
      %dma_start3A_414 = arith.constant 0 : i32
      %dma_start3A_415 = arith.constant 0 : i32
      %dma_start3A_416 = tpu.memref_slice %arg3[%dma_start3A_413, %add3A_412, %dma_start3A_414, %dma_start3A_415] : memref<2x2500x8x128xf32, #tpu.memory_space<hbm>> -> memref<2x16x8x128xf32, #tpu.memory_space<hbm>>
      %dma_start3A_417 = arith.constant 0 : i32
      %dma_start3A_418 = arith.constant 0 : i32
      %dma_start3A_419 = arith.constant 0 : i32
      %dma_start3A_420 = tpu.memref_slice %arg3[%dma_start3A_417, %add3A_412, %dma_start3A_418, %dma_start3A_419] : memref<2x2500x8x128xf32, #tpu.memory_space<hbm>> -> memref<2x16x8x128xf32, #tpu.memory_space<hbm>>
      tpu.enqueue_dma source(%dma_start3A_420 : memref<2x16x8x128xf32, #tpu.memory_space<hbm>>) target(%arg9 : memref<2x16x8x128xf32, #tpu.memory_space<vmem>>) target_semaphore(%arg14 : memref<!tpu.dma_semaphore, #tpu.memory_space<semaphore_mem>>)
      %dma_start3A_421 = arith.constant 0 : i32
      %dma_start3A_422 = arith.constant 0 : i32
      %dma_start3A_423 = tpu.memref_slice %arg2[%add3A_412, %dma_start3A_421, %dma_start3A_422] : memref<2500x2x128xi32, #tpu.memory_space<hbm>> -> memref<16x1x128xi32, #tpu.memory_space<hbm>>
      %dma_start3A_424 = tpu.memref_squeeze %dma_start3A_423 : memref<16x1x128xi32, #tpu.memory_space<hbm>> -> memref<16x128xi32, #tpu.memory_space<hbm>>
      %dma_start3A_425 = arith.constant 0 : i32
      %dma_start3A_426 = tpu.memref_slice %arg2[%add3A_412, %dma_start3A_421, %dma_start3A_425] : memref<2500x2x128xi32, #tpu.memory_space<hbm>> -> memref<16x1x128xi32, #tpu.memory_space<hbm>>
      %dma_start3A_427 = tpu.memref_squeeze %dma_start3A_426 : memref<16x1x128xi32, #tpu.memory_space<hbm>> -> memref<16x128xi32, #tpu.memory_space<hbm>>
      tpu.enqueue_dma source(%dma_start3A_427 : memref<16x128xi32, #tpu.memory_space<hbm>>) target(%arg11 : memref<16x128xi32, #tpu.memory_space<vmem>>) target_semaphore(%arg14 : memref<!tpu.dma_semaphore, #tpu.memory_space<semaphore_mem>>)
    } else {
    }
    %gt3A_385 = arith.constant 2 : i32
    %gt3A_386 = arith.cmpi sgt, %select_n3A_337, %gt3A_385 : i32
    %convert_element_type3A_387 = arith.extui %gt3A_386 : i1 to i32
    %cond3A_388 = arith.constant 0 : i32
    %cond3A_389 = arith.constant 0 : i32
    %cond3A_390 = arith.cmpi ne, %convert_element_type3A_387, %cond3A_389 : i32
    scf.if %cond3A_390 {
      %dma_wait3A = arith.constant 0 : i32
      %dma_wait3A_408 = arith.constant 0 : i32
      %dma_wait3A_409 = arith.constant 0 : i32
      %dma_wait3A_410 = arith.constant 0 : i32
      %dma_wait3A_411 = tpu.memref_slice %arg3[%dma_wait3A, %dma_wait3A_408, %dma_wait3A_409, %dma_wait3A_410] : memref<2x2500x8x128xf32, #tpu.memory_space<hbm>> -> memref<2x16x8x128xf32, #tpu.memory_space<hbm>>
      %dma_wait3A_412 = arith.constant 0 : i32
      %dma_wait3A_413 = arith.constant 0 : i32
      %dma_wait3A_414 = arith.constant 0 : i32
      %dma_wait3A_415 = arith.constant 0 : i32
      %dma_wait3A_416 = tpu.memref_slice %arg3[%dma_wait3A_412, %dma_wait3A_413, %dma_wait3A_414, %dma_wait3A_415] : memref<2x2500x8x128xf32, #tpu.memory_space<hbm>> -> memref<2x16x8x128xf32, #tpu.memory_space<hbm>>
      tpu.wait_dma2 semaphore(%arg13 : memref<!tpu.dma_semaphore, #tpu.memory_space<semaphore_mem>>) src(%dma_wait3A_416 : memref<2x16x8x128xf32, #tpu.memory_space<hbm>>) dst(%arg8 : memref<2x16x8x128xf32, #tpu.memory_space<vmem>>)
      %dma_wait3A_417 = arith.constant 0 : i32
      %dma_wait3A_418 = arith.constant 0 : i32
      %dma_wait3A_419 = tpu.memref_slice %arg2[%dma_wait3A_417, %cond3A_388, %dma_wait3A_418] : memref<2500x2x128xi32, #tpu.memory_space<hbm>> -> memref<16x1x128xi32, #tpu.memory_space<hbm>>
      %dma_wait3A_420 = tpu.memref_squeeze %dma_wait3A_419 : memref<16x1x128xi32, #tpu.memory_space<hbm>> -> memref<16x128xi32, #tpu.memory_space<hbm>>
      %dma_wait3A_421 = arith.constant 0 : i32
      %dma_wait3A_422 = arith.constant 0 : i32
      %dma_wait3A_423 = tpu.memref_slice %arg2[%dma_wait3A_421, %cond3A_388, %dma_wait3A_422] : memref<2500x2x128xi32, #tpu.memory_space<hbm>> -> memref<16x1x128xi32, #tpu.memory_space<hbm>>
      %dma_wait3A_424 = tpu.memref_squeeze %dma_wait3A_423 : memref<16x1x128xi32, #tpu.memory_space<hbm>> -> memref<16x128xi32, #tpu.memory_space<hbm>>
      tpu.wait_dma2 semaphore(%arg13 : memref<!tpu.dma_semaphore, #tpu.memory_space<semaphore_mem>>) src(%dma_wait3A_424 : memref<16x128xi32, #tpu.memory_space<hbm>>) dst(%arg10 : memref<16x128xi32, #tpu.memory_space<vmem>>)
      %sub3A_425 = arith.constant 16 : i32
      %sub3A_426 = arith.subi %add3A_314, %sub3A_425 : i32
      %min3A_427 = arith.constant 32 : i32
      %min3A_428 = arith.minsi %min3A_427, %sub3A_426 : i32
      %add3A_429 = arith.addi %add3A_310, %min3A_428 : i32
      %sub3A_430 = arith.subi %add3A_429, %add3A_310 : i32
      %sub3A_431 = arith.constant 32 : i32
      %sub3A_432 = arith.subi %sub3A_431, %sub3A_430 : i32
      %mul3A_433 = arith.constant 8 : i32
      %mul3A_434 = arith.muli %sub3A_432, %mul3A_433 : i32
      %sub3A_435 = arith.constant 128 : i32
      %sub3A_436 = arith.subi %sub3A_435, %mul3A_434 : i32
      %sub3A_437 = arith.constant 1 : i32
      %sub3A_438 = arith.constant 1 : i32
      %sub3A_439 = arith.subi %sub3A_437, %sub3A_438 : i32
      %add3A_440 = arith.addi %sub3A_436, %sub3A_439 : i32
      %div3A_441 = arith.constant 1 : i32
      %div3A_442 = arith.divsi %add3A_440, %div3A_441 : i32
      %while3A = arith.constant 1 : i32
      %while3A_443 = arith.constant 0 : i32
      %while3A_444 = arith.subi %div3A_442, %while3A_443 : i32
      %while3A_445 = arith.addi %while3A_443, %while3A_444 : i32
      %while3A_446 = arith.constant 1 : i32
      %while3A_447 = arith.divsi %while3A_444, %while3A_446 : i32
      %while3A_448 = arith.muli %while3A_447, %while3A_446 : i32
      %while3A_449 = arith.addi %while3A_443, %while3A_448 : i32
      %while3A_450 = arith.constant 1 : i32
      scf.for %while3A_452 = %while3A_443 to %while3A_449 step %while3A_450  : i32 {
        %mul3A_453 = arith.muli %while3A_452, %while3A : i32
        %add3A_454 = arith.addi %mul3A_434, %mul3A_453 : i32
        %shift_right_arithmetic3A_455 = arith.constant 3 : i32
        %shift_right_arithmetic3A_456 = arith.shrsi %add3A_454, %shift_right_arithmetic3A_455 : i32
        %and3A_457 = arith.constant 7 : i32
        %and3A_458 = arith.andi %add3A_454, %and3A_457 : i32
        %shift_left3A_459 = arith.constant 4 : i32
        %shift_left3A_460 = arith.shli %and3A_458, %shift_left3A_459 : i32
        %shift_left3A_461 = arith.constant 10 : i32
        %shift_left3A_462 = arith.shli %shift_right_arithmetic3A_456, %shift_left3A_461 : i32
        %add3A_463 = arith.addi %shift_left3A_462, %shift_left3A_460 : i32
        %add3A_464 = vector.broadcast %add3A_463 : i32 to vector<16xi32>
        %add3A_465 = arith.addi %add3A_464, %iota3A : vector<16xi32>
        %get3A = arith.index_cast %shift_right_arithmetic3A_456 : i32 to index
        %get3A_466 = arith.index_cast %shift_left3A_460 : i32 to index
        %get3A_467 = tpu.vector_load %arg10[%get3A, %get3A_466] {strides = array<i32>} : memref<16x128xi32, #tpu.memory_space<vmem>>, vector<16xi32>,
        %gather3A = tpu.vector_load_idx %arg6[%get3A_467] : memref<10000xi32, #tpu.memory_space<vmem>>[vector<16xi32>], vector<16xi32>,
        %add3A_468 = arith.constant 32 : i32
        %add3A_469 = vector.broadcast %add3A_468 : i32 to vector<16xi32>
        %add3A_470 = arith.addi %iota3A, %add3A_469 : vector<16xi32>
        tpu.vector_store_idx %arg7[%gather3A, %add3A_470], %broadcast_in_dim3A_1 {add = true} : memref<64x128xf32, #tpu.memory_space<vmem>>[vector<16xi32>, vector<16xi32>], vector<16xf32>,
        %add3A_471 = arith.addi %add3A_111, %add3A_465 : vector<16xi32>
        %gather3A_472 = tpu.vector_load_idx %arg8[%broadcast_in_dim3A_5, %broadcast_in_dim3A_5, %broadcast_in_dim3A_5, %add3A_471] : memref<2x16x8x128xf32, #tpu.memory_space<vmem>>[vector<16xi32>, vector<16xi32>, vector<16xi32>, vector<16xi32>], vector<16xf32>,
        %add3A_473 = arith.addi %add3A_124, %add3A_465 : vector<16xi32>
        %gather3A_474 = tpu.vector_load_idx %arg8[%broadcast_in_dim3A_5, %broadcast_in_dim3A_5, %broadcast_in_dim3A_5, %add3A_473] : memref<2x16x8x128xf32, #tpu.memory_space<vmem>>[vector<16xi32>, vector<16xi32>, vector<16xi32>, vector<16xi32>], vector<16xf32>,
        %add3A_475 = arith.addi %add3A_137, %add3A_465 : vector<16xi32>
        %gather3A_476 = tpu.vector_load_idx %arg8[%broadcast_in_dim3A_5, %broadcast_in_dim3A_5, %broadcast_in_dim3A_5, %add3A_475] : memref<2x16x8x128xf32, #tpu.memory_space<vmem>>[vector<16xi32>, vector<16xi32>, vector<16xi32>, vector<16xi32>], vector<16xf32>,
        %add3A_477 = arith.addi %add3A_150, %add3A_465 : vector<16xi32>
        %gather3A_478 = tpu.vector_load_idx %arg8[%broadcast_in_dim3A_5, %broadcast_in_dim3A_5, %broadcast_in_dim3A_5, %add3A_477] : memref<2x16x8x128xf32, #tpu.memory_space<vmem>>[vector<16xi32>, vector<16xi32>, vector<16xi32>, vector<16xi32>], vector<16xf32>,
        %add3A_479 = arith.addi %add3A_163, %add3A_465 : vector<16xi32>
        %gather3A_480 = tpu.vector_load_idx %arg8[%broadcast_in_dim3A_5, %broadcast_in_dim3A_5, %broadcast_in_dim3A_5, %add3A_479] : memref<2x16x8x128xf32, #tpu.memory_space<vmem>>[vector<16xi32>, vector<16xi32>, vector<16xi32>, vector<16xi32>], vector<16xf32>,
        %add3A_481 = arith.addi %add3A_176, %add3A_465 : vector<16xi32>
        %gather3A_482 = tpu.vector_load_idx %arg8[%broadcast_in_dim3A_5, %broadcast_in_dim3A_5, %broadcast_in_dim3A_5, %add3A_481] : memref<2x16x8x128xf32, #tpu.memory_space<vmem>>[vector<16xi32>, vector<16xi32>, vector<16xi32>, vector<16xi32>], vector<16xf32>,
        %add3A_483 = arith.addi %add3A_189, %add3A_465 : vector<16xi32>
        %gather3A_484 = tpu.vector_load_idx %arg8[%broadcast_in_dim3A_5, %broadcast_in_dim3A_5, %broadcast_in_dim3A_5, %add3A_483] : memref<2x16x8x128xf32, #tpu.memory_space<vmem>>[vector<16xi32>, vector<16xi32>, vector<16xi32>, vector<16xi32>], vector<16xf32>,
        %add3A_485 = arith.addi %add3A_202, %add3A_465 : vector<16xi32>
        %gather3A_486 = tpu.vector_load_idx %arg8[%broadcast_in_dim3A_5, %broadcast_in_dim3A_5, %broadcast_in_dim3A_5, %add3A_485] : memref<2x16x8x128xf32, #tpu.memory_space<vmem>>[vector<16xi32>, vector<16xi32>, vector<16xi32>, vector<16xi32>], vector<16xf32>,
        tpu.vector_store_idx %arg7[%gather3A, %and3A_10], %gather3A_472 {add = true} : memref<64x128xf32, #tpu.memory_space<vmem>>[vector<16xi32>, vector<16xi32>], vector<16xf32>,
        tpu.vector_store_idx %arg7[%gather3A, %and3A_16], %gather3A_474 {add = true} : memref<64x128xf32, #tpu.memory_space<vmem>>[vector<16xi32>, vector<16xi32>], vector<16xf32>,
        tpu.vector_store_idx %arg7[%gather3A, %and3A_22], %gather3A_476 {add = true} : memref<64x128xf32, #tpu.memory_space<vmem>>[vector<16xi32>, vector<16xi32>], vector<16xf32>,
        tpu.vector_store_idx %arg7[%gather3A, %and3A_28], %gather3A_478 {add = true} : memref<64x128xf32, #tpu.memory_space<vmem>>[vector<16xi32>, vector<16xi32>], vector<16xf32>,
        tpu.vector_store_idx %arg7[%gather3A, %and3A_34], %gather3A_480 {add = true} : memref<64x128xf32, #tpu.memory_space<vmem>>[vector<16xi32>, vector<16xi32>], vector<16xf32>,
        tpu.vector_store_idx %arg7[%gather3A, %and3A_40], %gather3A_482 {add = true} : memref<64x128xf32, #tpu.memory_space<vmem>>[vector<16xi32>, vector<16xi32>], vector<16xf32>,
        tpu.vector_store_idx %arg7[%gather3A, %and3A_46], %gather3A_484 {add = true} : memref<64x128xf32, #tpu.memory_space<vmem>>[vector<16xi32>, vector<16xi32>], vector<16xf32>,
        tpu.vector_store_idx %arg7[%gather3A, %and3A_52], %gather3A_486 {add = true} : memref<64x128xf32, #tpu.memory_space<vmem>>[vector<16xi32>, vector<16xi32>], vector<16xf32>,
        %add3A_487 = arith.addi %add3A_215, %add3A_465 : vector<16xi32>
        %gather3A_488 = tpu.vector_load_idx %arg8[%broadcast_in_dim3A_5, %broadcast_in_dim3A_5, %broadcast_in_dim3A_5, %add3A_487] : memref<2x16x8x128xf32, #tpu.memory_space<vmem>>[vector<16xi32>, vector<16xi32>, vector<16xi32>, vector<16xi32>], vector<16xf32>,
        %add3A_489 = arith.addi %add3A_228, %add3A_465 : vector<16xi32>
        %gather3A_490 = tpu.vector_load_idx %arg8[%broadcast_in_dim3A_5, %broadcast_in_dim3A_5, %broadcast_in_dim3A_5, %add3A_489] : memref<2x16x8x128xf32, #tpu.memory_space<vmem>>[vector<16xi32>, vector<16xi32>, vector<16xi32>, vector<16xi32>], vector<16xf32>,
        %add3A_491 = arith.addi %add3A_241, %add3A_465 : vector<16xi32>
        %gather3A_492 = tpu.vector_load_idx %arg8[%broadcast_in_dim3A_5, %broadcast_in_dim3A_5, %broadcast_in_dim3A_5, %add3A_491] : memref<2x16x8x128xf32, #tpu.memory_space<vmem>>[vector<16xi32>, vector<16xi32>, vector<16xi32>, vector<16xi32>], vector<16xf32>,
        %add3A_493 = arith.addi %add3A_254, %add3A_465 : vector<16xi32>
        %gather3A_494 = tpu.vector_load_idx %arg8[%broadcast_in_dim3A_5, %broadcast_in_dim3A_5, %broadcast_in_dim3A_5, %add3A_493] : memref<2x16x8x128xf32, #tpu.memory_space<vmem>>[vector<16xi32>, vector<16xi32>, vector<16xi32>, vector<16xi32>], vector<16xf32>,
        %add3A_495 = arith.addi %add3A_267, %add3A_465 : vector<16xi32>
        %gather3A_496 = tpu.vector_load_idx %arg8[%broadcast_in_dim3A_5, %broadcast_in_dim3A_5, %broadcast_in_dim3A_5, %add3A_495] : memref<2x16x8x128xf32, #tpu.memory_space<vmem>>[vector<16xi32>, vector<16xi32>, vector<16xi32>, vector<16xi32>], vector<16xf32>,
        %add3A_497 = arith.addi %add3A_280, %add3A_465 : vector<16xi32>
        %gather3A_498 = tpu.vector_load_idx %arg8[%broadcast_in_dim3A_5, %broadcast_in_dim3A_5, %broadcast_in_dim3A_5, %add3A_497] : memref<2x16x8x128xf32, #tpu.memory_space<vmem>>[vector<16xi32>, vector<16xi32>, vector<16xi32>, vector<16xi32>], vector<16xf32>,
        %add3A_499 = arith.addi %add3A_293, %add3A_465 : vector<16xi32>
        %gather3A_500 = tpu.vector_load_idx %arg8[%broadcast_in_dim3A_5, %broadcast_in_dim3A_5, %broadcast_in_dim3A_5, %add3A_499] : memref<2x16x8x128xf32, #tpu.memory_space<vmem>>[vector<16xi32>, vector<16xi32>, vector<16xi32>, vector<16xi32>], vector<16xf32>,
        %add3A_501 = arith.addi %add3A_306, %add3A_465 : vector<16xi32>
        %gather3A_502 = tpu.vector_load_idx %arg8[%broadcast_in_dim3A_5, %broadcast_in_dim3A_5, %broadcast_in_dim3A_5, %add3A_501] : memref<2x16x8x128xf32, #tpu.memory_space<vmem>>[vector<16xi32>, vector<16xi32>, vector<16xi32>, vector<16xi32>], vector<16xf32>,
        tpu.vector_store_idx %arg7[%gather3A, %and3A_58], %gather3A_488 {add = true} : memref<64x128xf32, #tpu.memory_space<vmem>>[vector<16xi32>, vector<16xi32>], vector<16xf32>,
        tpu.vector_store_idx %arg7[%gather3A, %and3A_64], %gather3A_490 {add = true} : memref<64x128xf32, #tpu.memory_space<vmem>>[vector<16xi32>, vector<16xi32>], vector<16xf32>,
        tpu.vector_store_idx %arg7[%gather3A, %and3A_70], %gather3A_492 {add = true} : memref<64x128xf32, #tpu.memory_space<vmem>>[vector<16xi32>, vector<16xi32>], vector<16xf32>,
        tpu.vector_store_idx %arg7[%gather3A, %and3A_76], %gather3A_494 {add = true} : memref<64x128xf32, #tpu.memory_space<vmem>>[vector<16xi32>, vector<16xi32>], vector<16xf32>,
        tpu.vector_store_idx %arg7[%gather3A, %and3A_82], %gather3A_496 {add = true} : memref<64x128xf32, #tpu.memory_space<vmem>>[vector<16xi32>, vector<16xi32>], vector<16xf32>,
        tpu.vector_store_idx %arg7[%gather3A, %and3A_88], %gather3A_498 {add = true} : memref<64x128xf32, #tpu.memory_space<vmem>>[vector<16xi32>, vector<16xi32>], vector<16xf32>,
        tpu.vector_store_idx %arg7[%gather3A, %and3A_94], %gather3A_500 {add = true} : memref<64x128xf32, #tpu.memory_space<vmem>>[vector<16xi32>, vector<16xi32>], vector<16xf32>,
        tpu.vector_store_idx %arg7[%gather3A, %and3A_100], %gather3A_502 {add = true} : memref<64x128xf32, #tpu.memory_space<vmem>>[vector<16xi32>, vector<16xi32>], vector<16xf32>,
      }
      %while3A_451 = arith.constant 1 : i32
      scf.for %while3A_452 = %while3A_449 to %while3A_445 step %while3A_451  : i32 {
        %mul3A_453 = arith.muli %while3A_452, %while3A : i32
        %add3A_454 = arith.addi %mul3A_434, %mul3A_453 : i32
        %shift_right_arithmetic3A_455 = arith.constant 3 : i32
        %shift_right_arithmetic3A_456 = arith.shrsi %add3A_454, %shift_right_arithmetic3A_455 : i32
        %and3A_457 = arith.constant 7 : i32
        %and3A_458 = arith.andi %add3A_454, %and3A_457 : i32
        %shift_left3A_459 = arith.constant 4 : i32
        %shift_left3A_460 = arith.shli %and3A_458, %shift_left3A_459 : i32
        %shift_left3A_461 = arith.constant 10 : i32
        %shift_left3A_462 = arith.shli %shift_right_arithmetic3A_456, %shift_left3A_461 : i32
        %add3A_463 = arith.addi %shift_left3A_462, %shift_left3A_460 : i32
        %add3A_464 = vector.broadcast %add3A_463 : i32 to vector<16xi32>
        %add3A_465 = arith.addi %add3A_464, %iota3A : vector<16xi32>
        %get3A = arith.index_cast %shift_right_arithmetic3A_456 : i32 to index
        %get3A_466 = arith.index_cast %shift_left3A_460 : i32 to index
        %get3A_467 = tpu.vector_load %arg10[%get3A, %get3A_466] {strides = array<i32>} : memref<16x128xi32, #tpu.memory_space<vmem>>, vector<16xi32>,
        %gather3A = tpu.vector_load_idx %arg6[%get3A_467] : memref<10000xi32, #tpu.memory_space<vmem>>[vector<16xi32>], vector<16xi32>,
        %add3A_468 = arith.constant 32 : i32
        %add3A_469 = vector.broadcast %add3A_468 : i32 to vector<16xi32>
        %add3A_470 = arith.addi %iota3A, %add3A_469 : vector<16xi32>
        tpu.vector_store_idx %arg7[%gather3A, %add3A_470], %broadcast_in_dim3A_1 {add = true} : memref<64x128xf32, #tpu.memory_space<vmem>>[vector<16xi32>, vector<16xi32>], vector<16xf32>,
        %add3A_471 = arith.addi %add3A_111, %add3A_465 : vector<16xi32>
        %gather3A_472 = tpu.vector_load_idx %arg8[%broadcast_in_dim3A_5, %broadcast_in_dim3A_5, %broadcast_in_dim3A_5, %add3A_471] : memref<2x16x8x128xf32, #tpu.memory_space<vmem>>[vector<16xi32>, vector<16xi32>, vector<16xi32>, vector<16xi32>], vector<16xf32>,
        %add3A_473 = arith.addi %add3A_124, %add3A_465 : vector<16xi32>
        %gather3A_474 = tpu.vector_load_idx %arg8[%broadcast_in_dim3A_5, %broadcast_in_dim3A_5, %broadcast_in_dim3A_5, %add3A_473] : memref<2x16x8x128xf32, #tpu.memory_space<vmem>>[vector<16xi32>, vector<16xi32>, vector<16xi32>, vector<16xi32>], vector<16xf32>,
        %add3A_475 = arith.addi %add3A_137, %add3A_465 : vector<16xi32>
        %gather3A_476 = tpu.vector_load_idx %arg8[%broadcast_in_dim3A_5, %broadcast_in_dim3A_5, %broadcast_in_dim3A_5, %add3A_475] : memref<2x16x8x128xf32, #tpu.memory_space<vmem>>[vector<16xi32>, vector<16xi32>, vector<16xi32>, vector<16xi32>], vector<16xf32>,
        %add3A_477 = arith.addi %add3A_150, %add3A_465 : vector<16xi32>
        %gather3A_478 = tpu.vector_load_idx %arg8[%broadcast_in_dim3A_5, %broadcast_in_dim3A_5, %broadcast_in_dim3A_5, %add3A_477] : memref<2x16x8x128xf32, #tpu.memory_space<vmem>>[vector<16xi32>, vector<16xi32>, vector<16xi32>, vector<16xi32>], vector<16xf32>,
        %add3A_479 = arith.addi %add3A_163, %add3A_465 : vector<16xi32>
        %gather3A_480 = tpu.vector_load_idx %arg8[%broadcast_in_dim3A_5, %broadcast_in_dim3A_5, %broadcast_in_dim3A_5, %add3A_479] : memref<2x16x8x128xf32, #tpu.memory_space<vmem>>[vector<16xi32>, vector<16xi32>, vector<16xi32>, vector<16xi32>], vector<16xf32>,
        %add3A_481 = arith.addi %add3A_176, %add3A_465 : vector<16xi32>
        %gather3A_482 = tpu.vector_load_idx %arg8[%broadcast_in_dim3A_5, %broadcast_in_dim3A_5, %broadcast_in_dim3A_5, %add3A_481] : memref<2x16x8x128xf32, #tpu.memory_space<vmem>>[vector<16xi32>, vector<16xi32>, vector<16xi32>, vector<16xi32>], vector<16xf32>,
        %add3A_483 = arith.addi %add3A_189, %add3A_465 : vector<16xi32>
        %gather3A_484 = tpu.vector_load_idx %arg8[%broadcast_in_dim3A_5, %broadcast_in_dim3A_5, %broadcast_in_dim3A_5, %add3A_483] : memref<2x16x8x128xf32, #tpu.memory_space<vmem>>[vector<16xi32>, vector<16xi32>, vector<16xi32>, vector<16xi32>], vector<16xf32>,
        %add3A_485 = arith.addi %add3A_202, %add3A_465 : vector<16xi32>
        %gather3A_486 = tpu.vector_load_idx %arg8[%broadcast_in_dim3A_5, %broadcast_in_dim3A_5, %broadcast_in_dim3A_5, %add3A_485] : memref<2x16x8x128xf32, #tpu.memory_space<vmem>>[vector<16xi32>, vector<16xi32>, vector<16xi32>, vector<16xi32>], vector<16xf32>,
        tpu.vector_store_idx %arg7[%gather3A, %and3A_10], %gather3A_472 {add = true} : memref<64x128xf32, #tpu.memory_space<vmem>>[vector<16xi32>, vector<16xi32>], vector<16xf32>,
        tpu.vector_store_idx %arg7[%gather3A, %and3A_16], %gather3A_474 {add = true} : memref<64x128xf32, #tpu.memory_space<vmem>>[vector<16xi32>, vector<16xi32>], vector<16xf32>,
        tpu.vector_store_idx %arg7[%gather3A, %and3A_22], %gather3A_476 {add = true} : memref<64x128xf32, #tpu.memory_space<vmem>>[vector<16xi32>, vector<16xi32>], vector<16xf32>,
        tpu.vector_store_idx %arg7[%gather3A, %and3A_28], %gather3A_478 {add = true} : memref<64x128xf32, #tpu.memory_space<vmem>>[vector<16xi32>, vector<16xi32>], vector<16xf32>,
        tpu.vector_store_idx %arg7[%gather3A, %and3A_34], %gather3A_480 {add = true} : memref<64x128xf32, #tpu.memory_space<vmem>>[vector<16xi32>, vector<16xi32>], vector<16xf32>,
        tpu.vector_store_idx %arg7[%gather3A, %and3A_40], %gather3A_482 {add = true} : memref<64x128xf32, #tpu.memory_space<vmem>>[vector<16xi32>, vector<16xi32>], vector<16xf32>,
        tpu.vector_store_idx %arg7[%gather3A, %and3A_46], %gather3A_484 {add = true} : memref<64x128xf32, #tpu.memory_space<vmem>>[vector<16xi32>, vector<16xi32>], vector<16xf32>,
        tpu.vector_store_idx %arg7[%gather3A, %and3A_52], %gather3A_486 {add = true} : memref<64x128xf32, #tpu.memory_space<vmem>>[vector<16xi32>, vector<16xi32>], vector<16xf32>,
        %add3A_487 = arith.addi %add3A_215, %add3A_465 : vector<16xi32>
        %gather3A_488 = tpu.vector_load_idx %arg8[%broadcast_in_dim3A_5, %broadcast_in_dim3A_5, %broadcast_in_dim3A_5, %add3A_487] : memref<2x16x8x128xf32, #tpu.memory_space<vmem>>[vector<16xi32>, vector<16xi32>, vector<16xi32>, vector<16xi32>], vector<16xf32>,
        %add3A_489 = arith.addi %add3A_228, %add3A_465 : vector<16xi32>
        %gather3A_490 = tpu.vector_load_idx %arg8[%broadcast_in_dim3A_5, %broadcast_in_dim3A_5, %broadcast_in_dim3A_5, %add3A_489] : memref<2x16x8x128xf32, #tpu.memory_space<vmem>>[vector<16xi32>, vector<16xi32>, vector<16xi32>, vector<16xi32>], vector<16xf32>,
        %add3A_491 = arith.addi %add3A_241, %add3A_465 : vector<16xi32>
        %gather3A_492 = tpu.vector_load_idx %arg8[%broadcast_in_dim3A_5, %broadcast_in_dim3A_5, %broadcast_in_dim3A_5, %add3A_491] : memref<2x16x8x128xf32, #tpu.memory_space<vmem>>[vector<16xi32>, vector<16xi32>, vector<16xi32>, vector<16xi32>], vector<16xf32>,
        %add3A_493 = arith.addi %add3A_254, %add3A_465 : vector<16xi32>
        %gather3A_494 = tpu.vector_load_idx %arg8[%broadcast_in_dim3A_5, %broadcast_in_dim3A_5, %broadcast_in_dim3A_5, %add3A_493] : memref<2x16x8x128xf32, #tpu.memory_space<vmem>>[vector<16xi32>, vector<16xi32>, vector<16xi32>, vector<16xi32>], vector<16xf32>,
        %add3A_495 = arith.addi %add3A_267, %add3A_465 : vector<16xi32>
        %gather3A_496 = tpu.vector_load_idx %arg8[%broadcast_in_dim3A_5, %broadcast_in_dim3A_5, %broadcast_in_dim3A_5, %add3A_495] : memref<2x16x8x128xf32, #tpu.memory_space<vmem>>[vector<16xi32>, vector<16xi32>, vector<16xi32>, vector<16xi32>], vector<16xf32>,
        %add3A_497 = arith.addi %add3A_280, %add3A_465 : vector<16xi32>
        %gather3A_498 = tpu.vector_load_idx %arg8[%broadcast_in_dim3A_5, %broadcast_in_dim3A_5, %broadcast_in_dim3A_5, %add3A_497] : memref<2x16x8x128xf32, #tpu.memory_space<vmem>>[vector<16xi32>, vector<16xi32>, vector<16xi32>, vector<16xi32>], vector<16xf32>,
        %add3A_499 = arith.addi %add3A_293, %add3A_465 : vector<16xi32>
        %gather3A_500 = tpu.vector_load_idx %arg8[%broadcast_in_dim3A_5, %broadcast_in_dim3A_5, %broadcast_in_dim3A_5, %add3A_499] : memref<2x16x8x128xf32, #tpu.memory_space<vmem>>[vector<16xi32>, vector<16xi32>, vector<16xi32>, vector<16xi32>], vector<16xf32>,
        %add3A_501 = arith.addi %add3A_306, %add3A_465 : vector<16xi32>
        %gather3A_502 = tpu.vector_load_idx %arg8[%broadcast_in_dim3A_5, %broadcast_in_dim3A_5, %broadcast_in_dim3A_5, %add3A_501] : memref<2x16x8x128xf32, #tpu.memory_space<vmem>>[vector<16xi32>, vector<16xi32>, vector<16xi32>, vector<16xi32>], vector<16xf32>,
        tpu.vector_store_idx %arg7[%gather3A, %and3A_58], %gather3A_488 {add = true} : memref<64x128xf32, #tpu.memory_space<vmem>>[vector<16xi32>, vector<16xi32>], vector<16xf32>,
        tpu.vector_store_idx %arg7[%gather3A, %and3A_64], %gather3A_490 {add = true} : memref<64x128xf32, #tpu.memory_space<vmem>>[vector<16xi32>, vector<16xi32>], vector<16xf32>,
        tpu.vector_store_idx %arg7[%gather3A, %and3A_70], %gather3A_492 {add = true} : memref<64x128xf32, #tpu.memory_space<vmem>>[vector<16xi32>, vector<16xi32>], vector<16xf32>,
        tpu.vector_store_idx %arg7[%gather3A, %and3A_76], %gather3A_494 {add = true} : memref<64x128xf32, #tpu.memory_space<vmem>>[vector<16xi32>, vector<16xi32>], vector<16xf32>,
        tpu.vector_store_idx %arg7[%gather3A, %and3A_82], %gather3A_496 {add = true} : memref<64x128xf32, #tpu.memory_space<vmem>>[vector<16xi32>, vector<16xi32>], vector<16xf32>,
        tpu.vector_store_idx %arg7[%gather3A, %and3A_88], %gather3A_498 {add = true} : memref<64x128xf32, #tpu.memory_space<vmem>>[vector<16xi32>, vector<16xi32>], vector<16xf32>,
        tpu.vector_store_idx %arg7[%gather3A, %and3A_94], %gather3A_500 {add = true} : memref<64x128xf32, #tpu.memory_space<vmem>>[vector<16xi32>, vector<16xi32>], vector<16xf32>,
        tpu.vector_store_idx %arg7[%gather3A, %and3A_100], %gather3A_502 {add = true} : memref<64x128xf32, #tpu.memory_space<vmem>>[vector<16xi32>, vector<16xi32>], vector<16xf32>,
      }
    } else {
    }
    %gt3A_391 = arith.constant 4 : i32
    %gt3A_392 = arith.cmpi sgt, %select_n3A_337, %gt3A_391 : i32
    %convert_element_type3A_393 = arith.extui %gt3A_392 : i1 to i32
    %cond3A_394 = arith.constant 0 : i32
    %cond3A_395 = arith.cmpi ne, %convert_element_type3A_393, %cond3A_394 : i32
    scf.if %cond3A_395 {
      %sub3A_408 = arith.constant 16 : i32
      %sub3A_409 = arith.subi %add3A_314, %sub3A_408 : i32
      %min3A_410 = arith.constant 64 : i32
      %min3A_411 = arith.minsi %min3A_410, %sub3A_409 : i32
      %add3A_412 = arith.addi %add3A_310, %min3A_411 : i32
      %dma_start3A_413 = arith.constant 0 : i32
      %dma_start3A_414 = arith.constant 0 : i32
      %dma_start3A_415 = arith.constant 0 : i32
      %dma_start3A_416 = tpu.memref_slice %arg3[%dma_start3A_413, %add3A_412, %dma_start3A_414, %dma_start3A_415] : memref<2x2500x8x128xf32, #tpu.memory_space<hbm>> -> memref<2x16x8x128xf32, #tpu.memory_space<hbm>>
      %dma_start3A_417 = arith.constant 0 : i32
      %dma_start3A_418 = arith.constant 0 : i32
      %dma_start3A_419 = arith.constant 0 : i32
      %dma_start3A_420 = tpu.memref_slice %arg3[%dma_start3A_417, %add3A_412, %dma_start3A_418, %dma_start3A_419] : memref<2x2500x8x128xf32, #tpu.memory_space<hbm>> -> memref<2x16x8x128xf32, #tpu.memory_space<hbm>>
      tpu.enqueue_dma source(%dma_start3A_420 : memref<2x16x8x128xf32, #tpu.memory_space<hbm>>) target(%arg8 : memref<2x16x8x128xf32, #tpu.memory_space<vmem>>) target_semaphore(%arg13 : memref<!tpu.dma_semaphore, #tpu.memory_space<semaphore_mem>>)
      %dma_start3A_421 = arith.constant 0 : i32
      %dma_start3A_422 = arith.constant 0 : i32
      %dma_start3A_423 = tpu.memref_slice %arg2[%add3A_412, %dma_start3A_421, %dma_start3A_422] : memref<2500x2x128xi32, #tpu.memory_space<hbm>> -> memref<16x1x128xi32, #tpu.memory_space<hbm>>
      %dma_start3A_424 = tpu.memref_squeeze %dma_start3A_423 : memref<16x1x128xi32, #tpu.memory_space<hbm>> -> memref<16x128xi32, #tpu.memory_space<hbm>>
      %dma_start3A_425 = arith.constant 0 : i32
      %dma_start3A_426 = tpu.memref_slice %arg2[%add3A_412, %dma_start3A_421, %dma_start3A_425] : memref<2500x2x128xi32, #tpu.memory_space<hbm>> -> memref<16x1x128xi32, #tpu.memory_space<hbm>>
      %dma_start3A_427 = tpu.memref_squeeze %dma_start3A_426 : memref<16x1x128xi32, #tpu.memory_space<hbm>> -> memref<16x128xi32, #tpu.memory_space<hbm>>
      tpu.enqueue_dma source(%dma_start3A_427 : memref<16x128xi32, #tpu.memory_space<hbm>>) target(%arg10 : memref<16x128xi32, #tpu.memory_space<vmem>>) target_semaphore(%arg13 : memref<!tpu.dma_semaphore, #tpu.memory_space<semaphore_mem>>)
    } else {
    }
    %gt3A_396 = arith.constant 3 : i32
    %gt3A_397 = arith.cmpi sgt, %select_n3A_337, %gt3A_396 : i32
    %convert_element_type3A_398 = arith.extui %gt3A_397 : i1 to i32
    %cond3A_399 = arith.constant 0 : i32
    %cond3A_400 = arith.constant 0 : i32
    %cond3A_401 = arith.cmpi ne, %convert_element_type3A_398, %cond3A_400 : i32
    scf.if %cond3A_401 {
      %dma_wait3A = arith.constant 0 : i32
      %dma_wait3A_408 = arith.constant 0 : i32
      %dma_wait3A_409 = arith.constant 0 : i32
      %dma_wait3A_410 = arith.constant 0 : i32
      %dma_wait3A_411 = tpu.memref_slice %arg3[%dma_wait3A, %dma_wait3A_408, %dma_wait3A_409, %dma_wait3A_410] : memref<2x2500x8x128xf32, #tpu.memory_space<hbm>> -> memref<2x16x8x128xf32, #tpu.memory_space<hbm>>
      %dma_wait3A_412 = arith.constant 0 : i32
      %dma_wait3A_413 = arith.constant 0 : i32
      %dma_wait3A_414 = arith.constant 0 : i32
      %dma_wait3A_415 = arith.constant 0 : i32
      %dma_wait3A_416 = tpu.memref_slice %arg3[%dma_wait3A_412, %dma_wait3A_413, %dma_wait3A_414, %dma_wait3A_415] : memref<2x2500x8x128xf32, #tpu.memory_space<hbm>> -> memref<2x16x8x128xf32, #tpu.memory_space<hbm>>
      tpu.wait_dma2 semaphore(%arg14 : memref<!tpu.dma_semaphore, #tpu.memory_space<semaphore_mem>>) src(%dma_wait3A_416 : memref<2x16x8x128xf32, #tpu.memory_space<hbm>>) dst(%arg9 : memref<2x16x8x128xf32, #tpu.memory_space<vmem>>)
      %dma_wait3A_417 = arith.constant 0 : i32
      %dma_wait3A_418 = arith.constant 0 : i32
      %dma_wait3A_419 = tpu.memref_slice %arg2[%dma_wait3A_417, %cond3A_399, %dma_wait3A_418] : memref<2500x2x128xi32, #tpu.memory_space<hbm>> -> memref<16x1x128xi32, #tpu.memory_space<hbm>>
      %dma_wait3A_420 = tpu.memref_squeeze %dma_wait3A_419 : memref<16x1x128xi32, #tpu.memory_space<hbm>> -> memref<16x128xi32, #tpu.memory_space<hbm>>
      %dma_wait3A_421 = arith.constant 0 : i32
      %dma_wait3A_422 = arith.constant 0 : i32
      %dma_wait3A_423 = tpu.memref_slice %arg2[%dma_wait3A_421, %cond3A_399, %dma_wait3A_422] : memref<2500x2x128xi32, #tpu.memory_space<hbm>> -> memref<16x1x128xi32, #tpu.memory_space<hbm>>
      %dma_wait3A_424 = tpu.memref_squeeze %dma_wait3A_423 : memref<16x1x128xi32, #tpu.memory_space<hbm>> -> memref<16x128xi32, #tpu.memory_space<hbm>>
      tpu.wait_dma2 semaphore(%arg14 : memref<!tpu.dma_semaphore, #tpu.memory_space<semaphore_mem>>) src(%dma_wait3A_424 : memref<16x128xi32, #tpu.memory_space<hbm>>) dst(%arg11 : memref<16x128xi32, #tpu.memory_space<vmem>>)
      %sub3A_425 = arith.constant 16 : i32
      %sub3A_426 = arith.subi %add3A_314, %sub3A_425 : i32
      %min3A_427 = arith.constant 48 : i32
      %min3A_428 = arith.minsi %min3A_427, %sub3A_426 : i32
      %add3A_429 = arith.addi %add3A_310, %min3A_428 : i32
      %sub3A_430 = arith.subi %add3A_429, %add3A_310 : i32
      %sub3A_431 = arith.constant 48 : i32
      %sub3A_432 = arith.subi %sub3A_431, %sub3A_430 : i32
      %mul3A_433 = arith.constant 8 : i32
      %mul3A_434 = arith.muli %sub3A_432, %mul3A_433 : i32
      %sub3A_435 = arith.constant 128 : i32
      %sub3A_436 = arith.subi %sub3A_435, %mul3A_434 : i32
      %sub3A_437 = arith.constant 1 : i32
      %sub3A_438 = arith.constant 1 : i32
      %sub3A_439 = arith.subi %sub3A_437, %sub3A_438 : i32
      %add3A_440 = arith.addi %sub3A_436, %sub3A_439 : i32
      %div3A_441 = arith.constant 1 : i32
      %div3A_442 = arith.divsi %add3A_440, %div3A_441 : i32
      %while3A = arith.constant 1 : i32
      %while3A_443 = arith.constant 0 : i32
      %while3A_444 = arith.subi %div3A_442, %while3A_443 : i32
      %while3A_445 = arith.addi %while3A_443, %while3A_444 : i32
      %while3A_446 = arith.constant 1 : i32
      %while3A_447 = arith.divsi %while3A_444, %while3A_446 : i32
      %while3A_448 = arith.muli %while3A_447, %while3A_446 : i32
      %while3A_449 = arith.addi %while3A_443, %while3A_448 : i32
      %while3A_450 = arith.constant 1 : i32
      scf.for %while3A_452 = %while3A_443 to %while3A_449 step %while3A_450  : i32 {
        %mul3A_453 = arith.muli %while3A_452, %while3A : i32
        %add3A_454 = arith.addi %mul3A_434, %mul3A_453 : i32
        %shift_right_arithmetic3A_455 = arith.constant 3 : i32
        %shift_right_arithmetic3A_456 = arith.shrsi %add3A_454, %shift_right_arithmetic3A_455 : i32
        %and3A_457 = arith.constant 7 : i32
        %and3A_458 = arith.andi %add3A_454, %and3A_457 : i32
        %shift_left3A_459 = arith.constant 4 : i32
        %shift_left3A_460 = arith.shli %and3A_458, %shift_left3A_459 : i32
        %shift_left3A_461 = arith.constant 10 : i32
        %shift_left3A_462 = arith.shli %shift_right_arithmetic3A_456, %shift_left3A_461 : i32
        %add3A_463 = arith.addi %shift_left3A_462, %shift_left3A_460 : i32
        %add3A_464 = vector.broadcast %add3A_463 : i32 to vector<16xi32>
        %add3A_465 = arith.addi %add3A_464, %iota3A : vector<16xi32>
        %get3A = arith.index_cast %shift_right_arithmetic3A_456 : i32 to index
        %get3A_466 = arith.index_cast %shift_left3A_460 : i32 to index
        %get3A_467 = tpu.vector_load %arg11[%get3A, %get3A_466] {strides = array<i32>} : memref<16x128xi32, #tpu.memory_space<vmem>>, vector<16xi32>,
        %gather3A = tpu.vector_load_idx %arg6[%get3A_467] : memref<10000xi32, #tpu.memory_space<vmem>>[vector<16xi32>], vector<16xi32>,
        %add3A_468 = arith.constant 32 : i32
        %add3A_469 = vector.broadcast %add3A_468 : i32 to vector<16xi32>
        %add3A_470 = arith.addi %iota3A, %add3A_469 : vector<16xi32>
        tpu.vector_store_idx %arg7[%gather3A, %add3A_470], %broadcast_in_dim3A_1 {add = true} : memref<64x128xf32, #tpu.memory_space<vmem>>[vector<16xi32>, vector<16xi32>], vector<16xf32>,
        %add3A_471 = arith.addi %add3A_111, %add3A_465 : vector<16xi32>
        %gather3A_472 = tpu.vector_load_idx %arg9[%broadcast_in_dim3A_5, %broadcast_in_dim3A_5, %broadcast_in_dim3A_5, %add3A_471] : memref<2x16x8x128xf32, #tpu.memory_space<vmem>>[vector<16xi32>, vector<16xi32>, vector<16xi32>, vector<16xi32>], vector<16xf32>,
        %add3A_473 = arith.addi %add3A_124, %add3A_465 : vector<16xi32>
        %gather3A_474 = tpu.vector_load_idx %arg9[%broadcast_in_dim3A_5, %broadcast_in_dim3A_5, %broadcast_in_dim3A_5, %add3A_473] : memref<2x16x8x128xf32, #tpu.memory_space<vmem>>[vector<16xi32>, vector<16xi32>, vector<16xi32>, vector<16xi32>], vector<16xf32>,
        %add3A_475 = arith.addi %add3A_137, %add3A_465 : vector<16xi32>
        %gather3A_476 = tpu.vector_load_idx %arg9[%broadcast_in_dim3A_5, %broadcast_in_dim3A_5, %broadcast_in_dim3A_5, %add3A_475] : memref<2x16x8x128xf32, #tpu.memory_space<vmem>>[vector<16xi32>, vector<16xi32>, vector<16xi32>, vector<16xi32>], vector<16xf32>,
        %add3A_477 = arith.addi %add3A_150, %add3A_465 : vector<16xi32>
        %gather3A_478 = tpu.vector_load_idx %arg9[%broadcast_in_dim3A_5, %broadcast_in_dim3A_5, %broadcast_in_dim3A_5, %add3A_477] : memref<2x16x8x128xf32, #tpu.memory_space<vmem>>[vector<16xi32>, vector<16xi32>, vector<16xi32>, vector<16xi32>], vector<16xf32>,
        %add3A_479 = arith.addi %add3A_163, %add3A_465 : vector<16xi32>
        %gather3A_480 = tpu.vector_load_idx %arg9[%broadcast_in_dim3A_5, %broadcast_in_dim3A_5, %broadcast_in_dim3A_5, %add3A_479] : memref<2x16x8x128xf32, #tpu.memory_space<vmem>>[vector<16xi32>, vector<16xi32>, vector<16xi32>, vector<16xi32>], vector<16xf32>,
        %add3A_481 = arith.addi %add3A_176, %add3A_465 : vector<16xi32>
        %gather3A_482 = tpu.vector_load_idx %arg9[%broadcast_in_dim3A_5, %broadcast_in_dim3A_5, %broadcast_in_dim3A_5, %add3A_481] : memref<2x16x8x128xf32, #tpu.memory_space<vmem>>[vector<16xi32>, vector<16xi32>, vector<16xi32>, vector<16xi32>], vector<16xf32>,
        %add3A_483 = arith.addi %add3A_189, %add3A_465 : vector<16xi32>
        %gather3A_484 = tpu.vector_load_idx %arg9[%broadcast_in_dim3A_5, %broadcast_in_dim3A_5, %broadcast_in_dim3A_5, %add3A_483] : memref<2x16x8x128xf32, #tpu.memory_space<vmem>>[vector<16xi32>, vector<16xi32>, vector<16xi32>, vector<16xi32>], vector<16xf32>,
        %add3A_485 = arith.addi %add3A_202, %add3A_465 : vector<16xi32>
        %gather3A_486 = tpu.vector_load_idx %arg9[%broadcast_in_dim3A_5, %broadcast_in_dim3A_5, %broadcast_in_dim3A_5, %add3A_485] : memref<2x16x8x128xf32, #tpu.memory_space<vmem>>[vector<16xi32>, vector<16xi32>, vector<16xi32>, vector<16xi32>], vector<16xf32>,
        tpu.vector_store_idx %arg7[%gather3A, %and3A_10], %gather3A_472 {add = true} : memref<64x128xf32, #tpu.memory_space<vmem>>[vector<16xi32>, vector<16xi32>], vector<16xf32>,
        tpu.vector_store_idx %arg7[%gather3A, %and3A_16], %gather3A_474 {add = true} : memref<64x128xf32, #tpu.memory_space<vmem>>[vector<16xi32>, vector<16xi32>], vector<16xf32>,
        tpu.vector_store_idx %arg7[%gather3A, %and3A_22], %gather3A_476 {add = true} : memref<64x128xf32, #tpu.memory_space<vmem>>[vector<16xi32>, vector<16xi32>], vector<16xf32>,
        tpu.vector_store_idx %arg7[%gather3A, %and3A_28], %gather3A_478 {add = true} : memref<64x128xf32, #tpu.memory_space<vmem>>[vector<16xi32>, vector<16xi32>], vector<16xf32>,
        tpu.vector_store_idx %arg7[%gather3A, %and3A_34], %gather3A_480 {add = true} : memref<64x128xf32, #tpu.memory_space<vmem>>[vector<16xi32>, vector<16xi32>], vector<16xf32>,
        tpu.vector_store_idx %arg7[%gather3A, %and3A_40], %gather3A_482 {add = true} : memref<64x128xf32, #tpu.memory_space<vmem>>[vector<16xi32>, vector<16xi32>], vector<16xf32>,
        tpu.vector_store_idx %arg7[%gather3A, %and3A_46], %gather3A_484 {add = true} : memref<64x128xf32, #tpu.memory_space<vmem>>[vector<16xi32>, vector<16xi32>], vector<16xf32>,
        tpu.vector_store_idx %arg7[%gather3A, %and3A_52], %gather3A_486 {add = true} : memref<64x128xf32, #tpu.memory_space<vmem>>[vector<16xi32>, vector<16xi32>], vector<16xf32>,
        %add3A_487 = arith.addi %add3A_215, %add3A_465 : vector<16xi32>
        %gather3A_488 = tpu.vector_load_idx %arg9[%broadcast_in_dim3A_5, %broadcast_in_dim3A_5, %broadcast_in_dim3A_5, %add3A_487] : memref<2x16x8x128xf32, #tpu.memory_space<vmem>>[vector<16xi32>, vector<16xi32>, vector<16xi32>, vector<16xi32>], vector<16xf32>,
        %add3A_489 = arith.addi %add3A_228, %add3A_465 : vector<16xi32>
        %gather3A_490 = tpu.vector_load_idx %arg9[%broadcast_in_dim3A_5, %broadcast_in_dim3A_5, %broadcast_in_dim3A_5, %add3A_489] : memref<2x16x8x128xf32, #tpu.memory_space<vmem>>[vector<16xi32>, vector<16xi32>, vector<16xi32>, vector<16xi32>], vector<16xf32>,
        %add3A_491 = arith.addi %add3A_241, %add3A_465 : vector<16xi32>
        %gather3A_492 = tpu.vector_load_idx %arg9[%broadcast_in_dim3A_5, %broadcast_in_dim3A_5, %broadcast_in_dim3A_5, %add3A_491] : memref<2x16x8x128xf32, #tpu.memory_space<vmem>>[vector<16xi32>, vector<16xi32>, vector<16xi32>, vector<16xi32>], vector<16xf32>,
        %add3A_493 = arith.addi %add3A_254, %add3A_465 : vector<16xi32>
        %gather3A_494 = tpu.vector_load_idx %arg9[%broadcast_in_dim3A_5, %broadcast_in_dim3A_5, %broadcast_in_dim3A_5, %add3A_493] : memref<2x16x8x128xf32, #tpu.memory_space<vmem>>[vector<16xi32>, vector<16xi32>, vector<16xi32>, vector<16xi32>], vector<16xf32>,
        %add3A_495 = arith.addi %add3A_267, %add3A_465 : vector<16xi32>
        %gather3A_496 = tpu.vector_load_idx %arg9[%broadcast_in_dim3A_5, %broadcast_in_dim3A_5, %broadcast_in_dim3A_5, %add3A_495] : memref<2x16x8x128xf32, #tpu.memory_space<vmem>>[vector<16xi32>, vector<16xi32>, vector<16xi32>, vector<16xi32>], vector<16xf32>,
        %add3A_497 = arith.addi %add3A_280, %add3A_465 : vector<16xi32>
        %gather3A_498 = tpu.vector_load_idx %arg9[%broadcast_in_dim3A_5, %broadcast_in_dim3A_5, %broadcast_in_dim3A_5, %add3A_497] : memref<2x16x8x128xf32, #tpu.memory_space<vmem>>[vector<16xi32>, vector<16xi32>, vector<16xi32>, vector<16xi32>], vector<16xf32>,
        %add3A_499 = arith.addi %add3A_293, %add3A_465 : vector<16xi32>
        %gather3A_500 = tpu.vector_load_idx %arg9[%broadcast_in_dim3A_5, %broadcast_in_dim3A_5, %broadcast_in_dim3A_5, %add3A_499] : memref<2x16x8x128xf32, #tpu.memory_space<vmem>>[vector<16xi32>, vector<16xi32>, vector<16xi32>, vector<16xi32>], vector<16xf32>,
        %add3A_501 = arith.addi %add3A_306, %add3A_465 : vector<16xi32>
        %gather3A_502 = tpu.vector_load_idx %arg9[%broadcast_in_dim3A_5, %broadcast_in_dim3A_5, %broadcast_in_dim3A_5, %add3A_501] : memref<2x16x8x128xf32, #tpu.memory_space<vmem>>[vector<16xi32>, vector<16xi32>, vector<16xi32>, vector<16xi32>], vector<16xf32>,
        tpu.vector_store_idx %arg7[%gather3A, %and3A_58], %gather3A_488 {add = true} : memref<64x128xf32, #tpu.memory_space<vmem>>[vector<16xi32>, vector<16xi32>], vector<16xf32>,
        tpu.vector_store_idx %arg7[%gather3A, %and3A_64], %gather3A_490 {add = true} : memref<64x128xf32, #tpu.memory_space<vmem>>[vector<16xi32>, vector<16xi32>], vector<16xf32>,
        tpu.vector_store_idx %arg7[%gather3A, %and3A_70], %gather3A_492 {add = true} : memref<64x128xf32, #tpu.memory_space<vmem>>[vector<16xi32>, vector<16xi32>], vector<16xf32>,
        tpu.vector_store_idx %arg7[%gather3A, %and3A_76], %gather3A_494 {add = true} : memref<64x128xf32, #tpu.memory_space<vmem>>[vector<16xi32>, vector<16xi32>], vector<16xf32>,
        tpu.vector_store_idx %arg7[%gather3A, %and3A_82], %gather3A_496 {add = true} : memref<64x128xf32, #tpu.memory_space<vmem>>[vector<16xi32>, vector<16xi32>], vector<16xf32>,
        tpu.vector_store_idx %arg7[%gather3A, %and3A_88], %gather3A_498 {add = true} : memref<64x128xf32, #tpu.memory_space<vmem>>[vector<16xi32>, vector<16xi32>], vector<16xf32>,
        tpu.vector_store_idx %arg7[%gather3A, %and3A_94], %gather3A_500 {add = true} : memref<64x128xf32, #tpu.memory_space<vmem>>[vector<16xi32>, vector<16xi32>], vector<16xf32>,
        tpu.vector_store_idx %arg7[%gather3A, %and3A_100], %gather3A_502 {add = true} : memref<64x128xf32, #tpu.memory_space<vmem>>[vector<16xi32>, vector<16xi32>], vector<16xf32>,
      }
      %while3A_451 = arith.constant 1 : i32
      scf.for %while3A_452 = %while3A_449 to %while3A_445 step %while3A_451  : i32 {
        %mul3A_453 = arith.muli %while3A_452, %while3A : i32
        %add3A_454 = arith.addi %mul3A_434, %mul3A_453 : i32
        %shift_right_arithmetic3A_455 = arith.constant 3 : i32
        %shift_right_arithmetic3A_456 = arith.shrsi %add3A_454, %shift_right_arithmetic3A_455 : i32
        %and3A_457 = arith.constant 7 : i32
        %and3A_458 = arith.andi %add3A_454, %and3A_457 : i32
        %shift_left3A_459 = arith.constant 4 : i32
        %shift_left3A_460 = arith.shli %and3A_458, %shift_left3A_459 : i32
        %shift_left3A_461 = arith.constant 10 : i32
        %shift_left3A_462 = arith.shli %shift_right_arithmetic3A_456, %shift_left3A_461 : i32
        %add3A_463 = arith.addi %shift_left3A_462, %shift_left3A_460 : i32
        %add3A_464 = vector.broadcast %add3A_463 : i32 to vector<16xi32>
        %add3A_465 = arith.addi %add3A_464, %iota3A : vector<16xi32>
        %get3A = arith.index_cast %shift_right_arithmetic3A_456 : i32 to index
        %get3A_466 = arith.index_cast %shift_left3A_460 : i32 to index
        %get3A_467 = tpu.vector_load %arg11[%get3A, %get3A_466] {strides = array<i32>} : memref<16x128xi32, #tpu.memory_space<vmem>>, vector<16xi32>,
        %gather3A = tpu.vector_load_idx %arg6[%get3A_467] : memref<10000xi32, #tpu.memory_space<vmem>>[vector<16xi32>], vector<16xi32>,
        %add3A_468 = arith.constant 32 : i32
        %add3A_469 = vector.broadcast %add3A_468 : i32 to vector<16xi32>
        %add3A_470 = arith.addi %iota3A, %add3A_469 : vector<16xi32>
        tpu.vector_store_idx %arg7[%gather3A, %add3A_470], %broadcast_in_dim3A_1 {add = true} : memref<64x128xf32, #tpu.memory_space<vmem>>[vector<16xi32>, vector<16xi32>], vector<16xf32>,
        %add3A_471 = arith.addi %add3A_111, %add3A_465 : vector<16xi32>
        %gather3A_472 = tpu.vector_load_idx %arg9[%broadcast_in_dim3A_5, %broadcast_in_dim3A_5, %broadcast_in_dim3A_5, %add3A_471] : memref<2x16x8x128xf32, #tpu.memory_space<vmem>>[vector<16xi32>, vector<16xi32>, vector<16xi32>, vector<16xi32>], vector<16xf32>,
        %add3A_473 = arith.addi %add3A_124, %add3A_465 : vector<16xi32>
        %gather3A_474 = tpu.vector_load_idx %arg9[%broadcast_in_dim3A_5, %broadcast_in_dim3A_5, %broadcast_in_dim3A_5, %add3A_473] : memref<2x16x8x128xf32, #tpu.memory_space<vmem>>[vector<16xi32>, vector<16xi32>, vector<16xi32>, vector<16xi32>], vector<16xf32>,
        %add3A_475 = arith.addi %add3A_137, %add3A_465 : vector<16xi32>
        %gather3A_476 = tpu.vector_load_idx %arg9[%broadcast_in_dim3A_5, %broadcast_in_dim3A_5, %broadcast_in_dim3A_5, %add3A_475] : memref<2x16x8x128xf32, #tpu.memory_space<vmem>>[vector<16xi32>, vector<16xi32>, vector<16xi32>, vector<16xi32>], vector<16xf32>,
        %add3A_477 = arith.addi %add3A_150, %add3A_465 : vector<16xi32>
        %gather3A_478 = tpu.vector_load_idx %arg9[%broadcast_in_dim3A_5, %broadcast_in_dim3A_5, %broadcast_in_dim3A_5, %add3A_477] : memref<2x16x8x128xf32, #tpu.memory_space<vmem>>[vector<16xi32>, vector<16xi32>, vector<16xi32>, vector<16xi32>], vector<16xf32>,
        %add3A_479 = arith.addi %add3A_163, %add3A_465 : vector<16xi32>
        %gather3A_480 = tpu.vector_load_idx %arg9[%broadcast_in_dim3A_5, %broadcast_in_dim3A_5, %broadcast_in_dim3A_5, %add3A_479] : memref<2x16x8x128xf32, #tpu.memory_space<vmem>>[vector<16xi32>, vector<16xi32>, vector<16xi32>, vector<16xi32>], vector<16xf32>,
        %add3A_481 = arith.addi %add3A_176, %add3A_465 : vector<16xi32>
        %gather3A_482 = tpu.vector_load_idx %arg9[%broadcast_in_dim3A_5, %broadcast_in_dim3A_5, %broadcast_in_dim3A_5, %add3A_481] : memref<2x16x8x128xf32, #tpu.memory_space<vmem>>[vector<16xi32>, vector<16xi32>, vector<16xi32>, vector<16xi32>], vector<16xf32>,
        %add3A_483 = arith.addi %add3A_189, %add3A_465 : vector<16xi32>
        %gather3A_484 = tpu.vector_load_idx %arg9[%broadcast_in_dim3A_5, %broadcast_in_dim3A_5, %broadcast_in_dim3A_5, %add3A_483] : memref<2x16x8x128xf32, #tpu.memory_space<vmem>>[vector<16xi32>, vector<16xi32>, vector<16xi32>, vector<16xi32>], vector<16xf32>,
        %add3A_485 = arith.addi %add3A_202, %add3A_465 : vector<16xi32>
        %gather3A_486 = tpu.vector_load_idx %arg9[%broadcast_in_dim3A_5, %broadcast_in_dim3A_5, %broadcast_in_dim3A_5, %add3A_485] : memref<2x16x8x128xf32, #tpu.memory_space<vmem>>[vector<16xi32>, vector<16xi32>, vector<16xi32>, vector<16xi32>], vector<16xf32>,
        tpu.vector_store_idx %arg7[%gather3A, %and3A_10], %gather3A_472 {add = true} : memref<64x128xf32, #tpu.memory_space<vmem>>[vector<16xi32>, vector<16xi32>], vector<16xf32>,
        tpu.vector_store_idx %arg7[%gather3A, %and3A_16], %gather3A_474 {add = true} : memref<64x128xf32, #tpu.memory_space<vmem>>[vector<16xi32>, vector<16xi32>], vector<16xf32>,
        tpu.vector_store_idx %arg7[%gather3A, %and3A_22], %gather3A_476 {add = true} : memref<64x128xf32, #tpu.memory_space<vmem>>[vector<16xi32>, vector<16xi32>], vector<16xf32>,
        tpu.vector_store_idx %arg7[%gather3A, %and3A_28], %gather3A_478 {add = true} : memref<64x128xf32, #tpu.memory_space<vmem>>[vector<16xi32>, vector<16xi32>], vector<16xf32>,
        tpu.vector_store_idx %arg7[%gather3A, %and3A_34], %gather3A_480 {add = true} : memref<64x128xf32, #tpu.memory_space<vmem>>[vector<16xi32>, vector<16xi32>], vector<16xf32>,
        tpu.vector_store_idx %arg7[%gather3A, %and3A_40], %gather3A_482 {add = true} : memref<64x128xf32, #tpu.memory_space<vmem>>[vector<16xi32>, vector<16xi32>], vector<16xf32>,
        tpu.vector_store_idx %arg7[%gather3A, %and3A_46], %gather3A_484 {add = true} : memref<64x128xf32, #tpu.memory_space<vmem>>[vector<16xi32>, vector<16xi32>], vector<16xf32>,
        tpu.vector_store_idx %arg7[%gather3A, %and3A_52], %gather3A_486 {add = true} : memref<64x128xf32, #tpu.memory_space<vmem>>[vector<16xi32>, vector<16xi32>], vector<16xf32>,
        %add3A_487 = arith.addi %add3A_215, %add3A_465 : vector<16xi32>
        %gather3A_488 = tpu.vector_load_idx %arg9[%broadcast_in_dim3A_5, %broadcast_in_dim3A_5, %broadcast_in_dim3A_5, %add3A_487] : memref<2x16x8x128xf32, #tpu.memory_space<vmem>>[vector<16xi32>, vector<16xi32>, vector<16xi32>, vector<16xi32>], vector<16xf32>,
        %add3A_489 = arith.addi %add3A_228, %add3A_465 : vector<16xi32>
        %gather3A_490 = tpu.vector_load_idx %arg9[%broadcast_in_dim3A_5, %broadcast_in_dim3A_5, %broadcast_in_dim3A_5, %add3A_489] : memref<2x16x8x128xf32, #tpu.memory_space<vmem>>[vector<16xi32>, vector<16xi32>, vector<16xi32>, vector<16xi32>], vector<16xf32>,
        %add3A_491 = arith.addi %add3A_241, %add3A_465 : vector<16xi32>
        %gather3A_492 = tpu.vector_load_idx %arg9[%broadcast_in_dim3A_5, %broadcast_in_dim3A_5, %broadcast_in_dim3A_5, %add3A_491] : memref<2x16x8x128xf32, #tpu.memory_space<vmem>>[vector<16xi32>, vector<16xi32>, vector<16xi32>, vector<16xi32>], vector<16xf32>,
        %add3A_493 = arith.addi %add3A_254, %add3A_465 : vector<16xi32>
        %gather3A_494 = tpu.vector_load_idx %arg9[%broadcast_in_dim3A_5, %broadcast_in_dim3A_5, %broadcast_in_dim3A_5, %add3A_493] : memref<2x16x8x128xf32, #tpu.memory_space<vmem>>[vector<16xi32>, vector<16xi32>, vector<16xi32>, vector<16xi32>], vector<16xf32>,
        %add3A_495 = arith.addi %add3A_267, %add3A_465 : vector<16xi32>
        %gather3A_496 = tpu.vector_load_idx %arg9[%broadcast_in_dim3A_5, %broadcast_in_dim3A_5, %broadcast_in_dim3A_5, %add3A_495] : memref<2x16x8x128xf32, #tpu.memory_space<vmem>>[vector<16xi32>, vector<16xi32>, vector<16xi32>, vector<16xi32>], vector<16xf32>,
        %add3A_497 = arith.addi %add3A_280, %add3A_465 : vector<16xi32>
        %gather3A_498 = tpu.vector_load_idx %arg9[%broadcast_in_dim3A_5, %broadcast_in_dim3A_5, %broadcast_in_dim3A_5, %add3A_497] : memref<2x16x8x128xf32, #tpu.memory_space<vmem>>[vector<16xi32>, vector<16xi32>, vector<16xi32>, vector<16xi32>], vector<16xf32>,
        %add3A_499 = arith.addi %add3A_293, %add3A_465 : vector<16xi32>
        %gather3A_500 = tpu.vector_load_idx %arg9[%broadcast_in_dim3A_5, %broadcast_in_dim3A_5, %broadcast_in_dim3A_5, %add3A_499] : memref<2x16x8x128xf32, #tpu.memory_space<vmem>>[vector<16xi32>, vector<16xi32>, vector<16xi32>, vector<16xi32>], vector<16xf32>,
        %add3A_501 = arith.addi %add3A_306, %add3A_465 : vector<16xi32>
        %gather3A_502 = tpu.vector_load_idx %arg9[%broadcast_in_dim3A_5, %broadcast_in_dim3A_5, %broadcast_in_dim3A_5, %add3A_501] : memref<2x16x8x128xf32, #tpu.memory_space<vmem>>[vector<16xi32>, vector<16xi32>, vector<16xi32>, vector<16xi32>], vector<16xf32>,
        tpu.vector_store_idx %arg7[%gather3A, %and3A_58], %gather3A_488 {add = true} : memref<64x128xf32, #tpu.memory_space<vmem>>[vector<16xi32>, vector<16xi32>], vector<16xf32>,
        tpu.vector_store_idx %arg7[%gather3A, %and3A_64], %gather3A_490 {add = true} : memref<64x128xf32, #tpu.memory_space<vmem>>[vector<16xi32>, vector<16xi32>], vector<16xf32>,
        tpu.vector_store_idx %arg7[%gather3A, %and3A_70], %gather3A_492 {add = true} : memref<64x128xf32, #tpu.memory_space<vmem>>[vector<16xi32>, vector<16xi32>], vector<16xf32>,
        tpu.vector_store_idx %arg7[%gather3A, %and3A_76], %gather3A_494 {add = true} : memref<64x128xf32, #tpu.memory_space<vmem>>[vector<16xi32>, vector<16xi32>], vector<16xf32>,
        tpu.vector_store_idx %arg7[%gather3A, %and3A_82], %gather3A_496 {add = true} : memref<64x128xf32, #tpu.memory_space<vmem>>[vector<16xi32>, vector<16xi32>], vector<16xf32>,
        tpu.vector_store_idx %arg7[%gather3A, %and3A_88], %gather3A_498 {add = true} : memref<64x128xf32, #tpu.memory_space<vmem>>[vector<16xi32>, vector<16xi32>], vector<16xf32>,
        tpu.vector_store_idx %arg7[%gather3A, %and3A_94], %gather3A_500 {add = true} : memref<64x128xf32, #tpu.memory_space<vmem>>[vector<16xi32>, vector<16xi32>], vector<16xf32>,
        tpu.vector_store_idx %arg7[%gather3A, %and3A_100], %gather3A_502 {add = true} : memref<64x128xf32, #tpu.memory_space<vmem>>[vector<16xi32>, vector<16xi32>], vector<16xf32>,
      }
    } else {
    }
    %gt3A_402 = arith.constant 4 : i32
    %gt3A_403 = arith.cmpi sgt, %select_n3A_337, %gt3A_402 : i32
    %convert_element_type3A_404 = arith.extui %gt3A_403 : i1 to i32
    %cond3A_405 = arith.constant 0 : i32
    %cond3A_406 = arith.constant 0 : i32
    %cond3A_407 = arith.cmpi ne, %convert_element_type3A_404, %cond3A_406 : i32
    scf.if %cond3A_407 {
      %dma_wait3A = arith.constant 0 : i32
      %dma_wait3A_408 = arith.constant 0 : i32
      %dma_wait3A_409 = arith.constant 0 : i32
      %dma_wait3A_410 = arith.constant 0 : i32
      %dma_wait3A_411 = tpu.memref_slice %arg3[%dma_wait3A, %dma_wait3A_408, %dma_wait3A_409, %dma_wait3A_410] : memref<2x2500x8x128xf32, #tpu.memory_space<hbm>> -> memref<2x16x8x128xf32, #tpu.memory_space<hbm>>
      %dma_wait3A_412 = arith.constant 0 : i32
      %dma_wait3A_413 = arith.constant 0 : i32
      %dma_wait3A_414 = arith.constant 0 : i32
      %dma_wait3A_415 = arith.constant 0 : i32
      %dma_wait3A_416 = tpu.memref_slice %arg3[%dma_wait3A_412, %dma_wait3A_413, %dma_wait3A_414, %dma_wait3A_415] : memref<2x2500x8x128xf32, #tpu.memory_space<hbm>> -> memref<2x16x8x128xf32, #tpu.memory_space<hbm>>
      tpu.wait_dma2 semaphore(%arg13 : memref<!tpu.dma_semaphore, #tpu.memory_space<semaphore_mem>>) src(%dma_wait3A_416 : memref<2x16x8x128xf32, #tpu.memory_space<hbm>>) dst(%arg8 : memref<2x16x8x128xf32, #tpu.memory_space<vmem>>)
      %dma_wait3A_417 = arith.constant 0 : i32
      %dma_wait3A_418 = arith.constant 0 : i32
      %dma_wait3A_419 = tpu.memref_slice %arg2[%dma_wait3A_417, %cond3A_405, %dma_wait3A_418] : memref<2500x2x128xi32, #tpu.memory_space<hbm>> -> memref<16x1x128xi32, #tpu.memory_space<hbm>>
      %dma_wait3A_420 = tpu.memref_squeeze %dma_wait3A_419 : memref<16x1x128xi32, #tpu.memory_space<hbm>> -> memref<16x128xi32, #tpu.memory_space<hbm>>
      %dma_wait3A_421 = arith.constant 0 : i32
      %dma_wait3A_422 = arith.constant 0 : i32
      %dma_wait3A_423 = tpu.memref_slice %arg2[%dma_wait3A_421, %cond3A_405, %dma_wait3A_422] : memref<2500x2x128xi32, #tpu.memory_space<hbm>> -> memref<16x1x128xi32, #tpu.memory_space<hbm>>
      %dma_wait3A_424 = tpu.memref_squeeze %dma_wait3A_423 : memref<16x1x128xi32, #tpu.memory_space<hbm>> -> memref<16x128xi32, #tpu.memory_space<hbm>>
      tpu.wait_dma2 semaphore(%arg13 : memref<!tpu.dma_semaphore, #tpu.memory_space<semaphore_mem>>) src(%dma_wait3A_424 : memref<16x128xi32, #tpu.memory_space<hbm>>) dst(%arg10 : memref<16x128xi32, #tpu.memory_space<vmem>>)
      %sub3A_425 = arith.constant 16 : i32
      %sub3A_426 = arith.subi %add3A_314, %sub3A_425 : i32
      %min3A_427 = arith.constant 64 : i32
      %min3A_428 = arith.minsi %min3A_427, %sub3A_426 : i32
      %add3A_429 = arith.addi %add3A_310, %min3A_428 : i32
      %sub3A_430 = arith.subi %add3A_429, %add3A_310 : i32
      %sub3A_431 = arith.constant 64 : i32
      %sub3A_432 = arith.subi %sub3A_431, %sub3A_430 : i32
      %mul3A_433 = arith.constant 8 : i32
      %mul3A_434 = arith.muli %sub3A_432, %mul3A_433 : i32
      %sub3A_435 = arith.constant 128 : i32
      %sub3A_436 = arith.subi %sub3A_435, %mul3A_434 : i32
      %sub3A_437 = arith.constant 1 : i32
      %sub3A_438 = arith.constant 1 : i32
      %sub3A_439 = arith.subi %sub3A_437, %sub3A_438 : i32
      %add3A_440 = arith.addi %sub3A_436, %sub3A_439 : i32
      %div3A_441 = arith.constant 1 : i32
      %div3A_442 = arith.divsi %add3A_440, %div3A_441 : i32
      %while3A = arith.constant 1 : i32
      %while3A_443 = arith.constant 0 : i32
      %while3A_444 = arith.subi %div3A_442, %while3A_443 : i32
      %while3A_445 = arith.addi %while3A_443, %while3A_444 : i32
      %while3A_446 = arith.constant 1 : i32
      %while3A_447 = arith.divsi %while3A_444, %while3A_446 : i32
      %while3A_448 = arith.muli %while3A_447, %while3A_446 : i32
      %while3A_449 = arith.addi %while3A_443, %while3A_448 : i32
      %while3A_450 = arith.constant 1 : i32
      scf.for %while3A_452 = %while3A_443 to %while3A_449 step %while3A_450  : i32 {
        %mul3A_453 = arith.muli %while3A_452, %while3A : i32
        %add3A_454 = arith.addi %mul3A_434, %mul3A_453 : i32
        %shift_right_arithmetic3A_455 = arith.constant 3 : i32
        %shift_right_arithmetic3A_456 = arith.shrsi %add3A_454, %shift_right_arithmetic3A_455 : i32
        %and3A_457 = arith.constant 7 : i32
        %and3A_458 = arith.andi %add3A_454, %and3A_457 : i32
        %shift_left3A_459 = arith.constant 4 : i32
        %shift_left3A_460 = arith.shli %and3A_458, %shift_left3A_459 : i32
        %shift_left3A_461 = arith.constant 10 : i32
        %shift_left3A_462 = arith.shli %shift_right_arithmetic3A_456, %shift_left3A_461 : i32
        %add3A_463 = arith.addi %shift_left3A_462, %shift_left3A_460 : i32
        %add3A_464 = vector.broadcast %add3A_463 : i32 to vector<16xi32>
        %add3A_465 = arith.addi %add3A_464, %iota3A : vector<16xi32>
        %get3A = arith.index_cast %shift_right_arithmetic3A_456 : i32 to index
        %get3A_466 = arith.index_cast %shift_left3A_460 : i32 to index
        %get3A_467 = tpu.vector_load %arg10[%get3A, %get3A_466] {strides = array<i32>} : memref<16x128xi32, #tpu.memory_space<vmem>>, vector<16xi32>,
        %gather3A = tpu.vector_load_idx %arg6[%get3A_467] : memref<10000xi32, #tpu.memory_space<vmem>>[vector<16xi32>], vector<16xi32>,
        %add3A_468 = arith.constant 32 : i32
        %add3A_469 = vector.broadcast %add3A_468 : i32 to vector<16xi32>
        %add3A_470 = arith.addi %iota3A, %add3A_469 : vector<16xi32>
        tpu.vector_store_idx %arg7[%gather3A, %add3A_470], %broadcast_in_dim3A_1 {add = true} : memref<64x128xf32, #tpu.memory_space<vmem>>[vector<16xi32>, vector<16xi32>], vector<16xf32>,
        %add3A_471 = arith.addi %add3A_111, %add3A_465 : vector<16xi32>
        %gather3A_472 = tpu.vector_load_idx %arg8[%broadcast_in_dim3A_5, %broadcast_in_dim3A_5, %broadcast_in_dim3A_5, %add3A_471] : memref<2x16x8x128xf32, #tpu.memory_space<vmem>>[vector<16xi32>, vector<16xi32>, vector<16xi32>, vector<16xi32>], vector<16xf32>,
        %add3A_473 = arith.addi %add3A_124, %add3A_465 : vector<16xi32>
        %gather3A_474 = tpu.vector_load_idx %arg8[%broadcast_in_dim3A_5, %broadcast_in_dim3A_5, %broadcast_in_dim3A_5, %add3A_473] : memref<2x16x8x128xf32, #tpu.memory_space<vmem>>[vector<16xi32>, vector<16xi32>, vector<16xi32>, vector<16xi32>], vector<16xf32>,
        %add3A_475 = arith.addi %add3A_137, %add3A_465 : vector<16xi32>
        %gather3A_476 = tpu.vector_load_idx %arg8[%broadcast_in_dim3A_5, %broadcast_in_dim3A_5, %broadcast_in_dim3A_5, %add3A_475] : memref<2x16x8x128xf32, #tpu.memory_space<vmem>>[vector<16xi32>, vector<16xi32>, vector<16xi32>, vector<16xi32>], vector<16xf32>,
        %add3A_477 = arith.addi %add3A_150, %add3A_465 : vector<16xi32>
        %gather3A_478 = tpu.vector_load_idx %arg8[%broadcast_in_dim3A_5, %broadcast_in_dim3A_5, %broadcast_in_dim3A_5, %add3A_477] : memref<2x16x8x128xf32, #tpu.memory_space<vmem>>[vector<16xi32>, vector<16xi32>, vector<16xi32>, vector<16xi32>], vector<16xf32>,
        %add3A_479 = arith.addi %add3A_163, %add3A_465 : vector<16xi32>
        %gather3A_480 = tpu.vector_load_idx %arg8[%broadcast_in_dim3A_5, %broadcast_in_dim3A_5, %broadcast_in_dim3A_5, %add3A_479] : memref<2x16x8x128xf32, #tpu.memory_space<vmem>>[vector<16xi32>, vector<16xi32>, vector<16xi32>, vector<16xi32>], vector<16xf32>,
        %add3A_481 = arith.addi %add3A_176, %add3A_465 : vector<16xi32>
        %gather3A_482 = tpu.vector_load_idx %arg8[%broadcast_in_dim3A_5, %broadcast_in_dim3A_5, %broadcast_in_dim3A_5, %add3A_481] : memref<2x16x8x128xf32, #tpu.memory_space<vmem>>[vector<16xi32>, vector<16xi32>, vector<16xi32>, vector<16xi32>], vector<16xf32>,
        %add3A_483 = arith.addi %add3A_189, %add3A_465 : vector<16xi32>
        %gather3A_484 = tpu.vector_load_idx %arg8[%broadcast_in_dim3A_5, %broadcast_in_dim3A_5, %broadcast_in_dim3A_5, %add3A_483] : memref<2x16x8x128xf32, #tpu.memory_space<vmem>>[vector<16xi32>, vector<16xi32>, vector<16xi32>, vector<16xi32>], vector<16xf32>,
        %add3A_485 = arith.addi %add3A_202, %add3A_465 : vector<16xi32>
        %gather3A_486 = tpu.vector_load_idx %arg8[%broadcast_in_dim3A_5, %broadcast_in_dim3A_5, %broadcast_in_dim3A_5, %add3A_485] : memref<2x16x8x128xf32, #tpu.memory_space<vmem>>[vector<16xi32>, vector<16xi32>, vector<16xi32>, vector<16xi32>], vector<16xf32>,
        tpu.vector_store_idx %arg7[%gather3A, %and3A_10], %gather3A_472 {add = true} : memref<64x128xf32, #tpu.memory_space<vmem>>[vector<16xi32>, vector<16xi32>], vector<16xf32>,
        tpu.vector_store_idx %arg7[%gather3A, %and3A_16], %gather3A_474 {add = true} : memref<64x128xf32, #tpu.memory_space<vmem>>[vector<16xi32>, vector<16xi32>], vector<16xf32>,
        tpu.vector_store_idx %arg7[%gather3A, %and3A_22], %gather3A_476 {add = true} : memref<64x128xf32, #tpu.memory_space<vmem>>[vector<16xi32>, vector<16xi32>], vector<16xf32>,
        tpu.vector_store_idx %arg7[%gather3A, %and3A_28], %gather3A_478 {add = true} : memref<64x128xf32, #tpu.memory_space<vmem>>[vector<16xi32>, vector<16xi32>], vector<16xf32>,
        tpu.vector_store_idx %arg7[%gather3A, %and3A_34], %gather3A_480 {add = true} : memref<64x128xf32, #tpu.memory_space<vmem>>[vector<16xi32>, vector<16xi32>], vector<16xf32>,
        tpu.vector_store_idx %arg7[%gather3A, %and3A_40], %gather3A_482 {add = true} : memref<64x128xf32, #tpu.memory_space<vmem>>[vector<16xi32>, vector<16xi32>], vector<16xf32>,
        tpu.vector_store_idx %arg7[%gather3A, %and3A_46], %gather3A_484 {add = true} : memref<64x128xf32, #tpu.memory_space<vmem>>[vector<16xi32>, vector<16xi32>], vector<16xf32>,
        tpu.vector_store_idx %arg7[%gather3A, %and3A_52], %gather3A_486 {add = true} : memref<64x128xf32, #tpu.memory_space<vmem>>[vector<16xi32>, vector<16xi32>], vector<16xf32>,
        %add3A_487 = arith.addi %add3A_215, %add3A_465 : vector<16xi32>
        %gather3A_488 = tpu.vector_load_idx %arg8[%broadcast_in_dim3A_5, %broadcast_in_dim3A_5, %broadcast_in_dim3A_5, %add3A_487] : memref<2x16x8x128xf32, #tpu.memory_space<vmem>>[vector<16xi32>, vector<16xi32>, vector<16xi32>, vector<16xi32>], vector<16xf32>,
        %add3A_489 = arith.addi %add3A_228, %add3A_465 : vector<16xi32>
        %gather3A_490 = tpu.vector_load_idx %arg8[%broadcast_in_dim3A_5, %broadcast_in_dim3A_5, %broadcast_in_dim3A_5, %add3A_489] : memref<2x16x8x128xf32, #tpu.memory_space<vmem>>[vector<16xi32>, vector<16xi32>, vector<16xi32>, vector<16xi32>], vector<16xf32>,
        %add3A_491 = arith.addi %add3A_241, %add3A_465 : vector<16xi32>
        %gather3A_492 = tpu.vector_load_idx %arg8[%broadcast_in_dim3A_5, %broadcast_in_dim3A_5, %broadcast_in_dim3A_5, %add3A_491] : memref<2x16x8x128xf32, #tpu.memory_space<vmem>>[vector<16xi32>, vector<16xi32>, vector<16xi32>, vector<16xi32>], vector<16xf32>,
        %add3A_493 = arith.addi %add3A_254, %add3A_465 : vector<16xi32>
        %gather3A_494 = tpu.vector_load_idx %arg8[%broadcast_in_dim3A_5, %broadcast_in_dim3A_5, %broadcast_in_dim3A_5, %add3A_493] : memref<2x16x8x128xf32, #tpu.memory_space<vmem>>[vector<16xi32>, vector<16xi32>, vector<16xi32>, vector<16xi32>], vector<16xf32>,
        %add3A_495 = arith.addi %add3A_267, %add3A_465 : vector<16xi32>
        %gather3A_496 = tpu.vector_load_idx %arg8[%broadcast_in_dim3A_5, %broadcast_in_dim3A_5, %broadcast_in_dim3A_5, %add3A_495] : memref<2x16x8x128xf32, #tpu.memory_space<vmem>>[vector<16xi32>, vector<16xi32>, vector<16xi32>, vector<16xi32>], vector<16xf32>,
        %add3A_497 = arith.addi %add3A_280, %add3A_465 : vector<16xi32>
        %gather3A_498 = tpu.vector_load_idx %arg8[%broadcast_in_dim3A_5, %broadcast_in_dim3A_5, %broadcast_in_dim3A_5, %add3A_497] : memref<2x16x8x128xf32, #tpu.memory_space<vmem>>[vector<16xi32>, vector<16xi32>, vector<16xi32>, vector<16xi32>], vector<16xf32>,
        %add3A_499 = arith.addi %add3A_293, %add3A_465 : vector<16xi32>
        %gather3A_500 = tpu.vector_load_idx %arg8[%broadcast_in_dim3A_5, %broadcast_in_dim3A_5, %broadcast_in_dim3A_5, %add3A_499] : memref<2x16x8x128xf32, #tpu.memory_space<vmem>>[vector<16xi32>, vector<16xi32>, vector<16xi32>, vector<16xi32>], vector<16xf32>,
        %add3A_501 = arith.addi %add3A_306, %add3A_465 : vector<16xi32>
        %gather3A_502 = tpu.vector_load_idx %arg8[%broadcast_in_dim3A_5, %broadcast_in_dim3A_5, %broadcast_in_dim3A_5, %add3A_501] : memref<2x16x8x128xf32, #tpu.memory_space<vmem>>[vector<16xi32>, vector<16xi32>, vector<16xi32>, vector<16xi32>], vector<16xf32>,
        tpu.vector_store_idx %arg7[%gather3A, %and3A_58], %gather3A_488 {add = true} : memref<64x128xf32, #tpu.memory_space<vmem>>[vector<16xi32>, vector<16xi32>], vector<16xf32>,
        tpu.vector_store_idx %arg7[%gather3A, %and3A_64], %gather3A_490 {add = true} : memref<64x128xf32, #tpu.memory_space<vmem>>[vector<16xi32>, vector<16xi32>], vector<16xf32>,
        tpu.vector_store_idx %arg7[%gather3A, %and3A_70], %gather3A_492 {add = true} : memref<64x128xf32, #tpu.memory_space<vmem>>[vector<16xi32>, vector<16xi32>], vector<16xf32>,
        tpu.vector_store_idx %arg7[%gather3A, %and3A_76], %gather3A_494 {add = true} : memref<64x128xf32, #tpu.memory_space<vmem>>[vector<16xi32>, vector<16xi32>], vector<16xf32>,
        tpu.vector_store_idx %arg7[%gather3A, %and3A_82], %gather3A_496 {add = true} : memref<64x128xf32, #tpu.memory_space<vmem>>[vector<16xi32>, vector<16xi32>], vector<16xf32>,
        tpu.vector_store_idx %arg7[%gather3A, %and3A_88], %gather3A_498 {add = true} : memref<64x128xf32, #tpu.memory_space<vmem>>[vector<16xi32>, vector<16xi32>], vector<16xf32>,
        tpu.vector_store_idx %arg7[%gather3A, %and3A_94], %gather3A_500 {add = true} : memref<64x128xf32, #tpu.memory_space<vmem>>[vector<16xi32>, vector<16xi32>], vector<16xf32>,
        tpu.vector_store_idx %arg7[%gather3A, %and3A_100], %gather3A_502 {add = true} : memref<64x128xf32, #tpu.memory_space<vmem>>[vector<16xi32>, vector<16xi32>], vector<16xf32>,
      }
      %while3A_451 = arith.constant 1 : i32
      scf.for %while3A_452 = %while3A_449 to %while3A_445 step %while3A_451  : i32 {
        %mul3A_453 = arith.muli %while3A_452, %while3A : i32
        %add3A_454 = arith.addi %mul3A_434, %mul3A_453 : i32
        %shift_right_arithmetic3A_455 = arith.constant 3 : i32
        %shift_right_arithmetic3A_456 = arith.shrsi %add3A_454, %shift_right_arithmetic3A_455 : i32
        %and3A_457 = arith.constant 7 : i32
        %and3A_458 = arith.andi %add3A_454, %and3A_457 : i32
        %shift_left3A_459 = arith.constant 4 : i32
        %shift_left3A_460 = arith.shli %and3A_458, %shift_left3A_459 : i32
        %shift_left3A_461 = arith.constant 10 : i32
        %shift_left3A_462 = arith.shli %shift_right_arithmetic3A_456, %shift_left3A_461 : i32
        %add3A_463 = arith.addi %shift_left3A_462, %shift_left3A_460 : i32
        %add3A_464 = vector.broadcast %add3A_463 : i32 to vector<16xi32>
        %add3A_465 = arith.addi %add3A_464, %iota3A : vector<16xi32>
        %get3A = arith.index_cast %shift_right_arithmetic3A_456 : i32 to index
        %get3A_466 = arith.index_cast %shift_left3A_460 : i32 to index
        %get3A_467 = tpu.vector_load %arg10[%get3A, %get3A_466] {strides = array<i32>} : memref<16x128xi32, #tpu.memory_space<vmem>>, vector<16xi32>,
        %gather3A = tpu.vector_load_idx %arg6[%get3A_467] : memref<10000xi32, #tpu.memory_space<vmem>>[vector<16xi32>], vector<16xi32>,
        %add3A_468 = arith.constant 32 : i32
        %add3A_469 = vector.broadcast %add3A_468 : i32 to vector<16xi32>
        %add3A_470 = arith.addi %iota3A, %add3A_469 : vector<16xi32>
        tpu.vector_store_idx %arg7[%gather3A, %add3A_470], %broadcast_in_dim3A_1 {add = true} : memref<64x128xf32, #tpu.memory_space<vmem>>[vector<16xi32>, vector<16xi32>], vector<16xf32>,
        %add3A_471 = arith.addi %add3A_111, %add3A_465 : vector<16xi32>
        %gather3A_472 = tpu.vector_load_idx %arg8[%broadcast_in_dim3A_5, %broadcast_in_dim3A_5, %broadcast_in_dim3A_5, %add3A_471] : memref<2x16x8x128xf32, #tpu.memory_space<vmem>>[vector<16xi32>, vector<16xi32>, vector<16xi32>, vector<16xi32>], vector<16xf32>,
        %add3A_473 = arith.addi %add3A_124, %add3A_465 : vector<16xi32>
        %gather3A_474 = tpu.vector_load_idx %arg8[%broadcast_in_dim3A_5, %broadcast_in_dim3A_5, %broadcast_in_dim3A_5, %add3A_473] : memref<2x16x8x128xf32, #tpu.memory_space<vmem>>[vector<16xi32>, vector<16xi32>, vector<16xi32>, vector<16xi32>], vector<16xf32>,
        %add3A_475 = arith.addi %add3A_137, %add3A_465 : vector<16xi32>
        %gather3A_476 = tpu.vector_load_idx %arg8[%broadcast_in_dim3A_5, %broadcast_in_dim3A_5, %broadcast_in_dim3A_5, %add3A_475] : memref<2x16x8x128xf32, #tpu.memory_space<vmem>>[vector<16xi32>, vector<16xi32>, vector<16xi32>, vector<16xi32>], vector<16xf32>,
        %add3A_477 = arith.addi %add3A_150, %add3A_465 : vector<16xi32>
        %gather3A_478 = tpu.vector_load_idx %arg8[%broadcast_in_dim3A_5, %broadcast_in_dim3A_5, %broadcast_in_dim3A_5, %add3A_477] : memref<2x16x8x128xf32, #tpu.memory_space<vmem>>[vector<16xi32>, vector<16xi32>, vector<16xi32>, vector<16xi32>], vector<16xf32>,
        %add3A_479 = arith.addi %add3A_163, %add3A_465 : vector<16xi32>
        %gather3A_480 = tpu.vector_load_idx %arg8[%broadcast_in_dim3A_5, %broadcast_in_dim3A_5, %broadcast_in_dim3A_5, %add3A_479] : memref<2x16x8x128xf32, #tpu.memory_space<vmem>>[vector<16xi32>, vector<16xi32>, vector<16xi32>, vector<16xi32>], vector<16xf32>,
        %add3A_481 = arith.addi %add3A_176, %add3A_465 : vector<16xi32>
        %gather3A_482 = tpu.vector_load_idx %arg8[%broadcast_in_dim3A_5, %broadcast_in_dim3A_5, %broadcast_in_dim3A_5, %add3A_481] : memref<2x16x8x128xf32, #tpu.memory_space<vmem>>[vector<16xi32>, vector<16xi32>, vector<16xi32>, vector<16xi32>], vector<16xf32>,
        %add3A_483 = arith.addi %add3A_189, %add3A_465 : vector<16xi32>
        %gather3A_484 = tpu.vector_load_idx %arg8[%broadcast_in_dim3A_5, %broadcast_in_dim3A_5, %broadcast_in_dim3A_5, %add3A_483] : memref<2x16x8x128xf32, #tpu.memory_space<vmem>>[vector<16xi32>, vector<16xi32>, vector<16xi32>, vector<16xi32>], vector<16xf32>,
        %add3A_485 = arith.addi %add3A_202, %add3A_465 : vector<16xi32>
        %gather3A_486 = tpu.vector_load_idx %arg8[%broadcast_in_dim3A_5, %broadcast_in_dim3A_5, %broadcast_in_dim3A_5, %add3A_485] : memref<2x16x8x128xf32, #tpu.memory_space<vmem>>[vector<16xi32>, vector<16xi32>, vector<16xi32>, vector<16xi32>], vector<16xf32>,
        tpu.vector_store_idx %arg7[%gather3A, %and3A_10], %gather3A_472 {add = true} : memref<64x128xf32, #tpu.memory_space<vmem>>[vector<16xi32>, vector<16xi32>], vector<16xf32>,
        tpu.vector_store_idx %arg7[%gather3A, %and3A_16], %gather3A_474 {add = true} : memref<64x128xf32, #tpu.memory_space<vmem>>[vector<16xi32>, vector<16xi32>], vector<16xf32>,
        tpu.vector_store_idx %arg7[%gather3A, %and3A_22], %gather3A_476 {add = true} : memref<64x128xf32, #tpu.memory_space<vmem>>[vector<16xi32>, vector<16xi32>], vector<16xf32>,
        tpu.vector_store_idx %arg7[%gather3A, %and3A_28], %gather3A_478 {add = true} : memref<64x128xf32, #tpu.memory_space<vmem>>[vector<16xi32>, vector<16xi32>], vector<16xf32>,
        tpu.vector_store_idx %arg7[%gather3A, %and3A_34], %gather3A_480 {add = true} : memref<64x128xf32, #tpu.memory_space<vmem>>[vector<16xi32>, vector<16xi32>], vector<16xf32>,
        tpu.vector_store_idx %arg7[%gather3A, %and3A_40], %gather3A_482 {add = true} : memref<64x128xf32, #tpu.memory_space<vmem>>[vector<16xi32>, vector<16xi32>], vector<16xf32>,
        tpu.vector_store_idx %arg7[%gather3A, %and3A_46], %gather3A_484 {add = true} : memref<64x128xf32, #tpu.memory_space<vmem>>[vector<16xi32>, vector<16xi32>], vector<16xf32>,
        tpu.vector_store_idx %arg7[%gather3A, %and3A_52], %gather3A_486 {add = true} : memref<64x128xf32, #tpu.memory_space<vmem>>[vector<16xi32>, vector<16xi32>], vector<16xf32>,
        %add3A_487 = arith.addi %add3A_215, %add3A_465 : vector<16xi32>
        %gather3A_488 = tpu.vector_load_idx %arg8[%broadcast_in_dim3A_5, %broadcast_in_dim3A_5, %broadcast_in_dim3A_5, %add3A_487] : memref<2x16x8x128xf32, #tpu.memory_space<vmem>>[vector<16xi32>, vector<16xi32>, vector<16xi32>, vector<16xi32>], vector<16xf32>,
        %add3A_489 = arith.addi %add3A_228, %add3A_465 : vector<16xi32>
        %gather3A_490 = tpu.vector_load_idx %arg8[%broadcast_in_dim3A_5, %broadcast_in_dim3A_5, %broadcast_in_dim3A_5, %add3A_489] : memref<2x16x8x128xf32, #tpu.memory_space<vmem>>[vector<16xi32>, vector<16xi32>, vector<16xi32>, vector<16xi32>], vector<16xf32>,
        %add3A_491 = arith.addi %add3A_241, %add3A_465 : vector<16xi32>
        %gather3A_492 = tpu.vector_load_idx %arg8[%broadcast_in_dim3A_5, %broadcast_in_dim3A_5, %broadcast_in_dim3A_5, %add3A_491] : memref<2x16x8x128xf32, #tpu.memory_space<vmem>>[vector<16xi32>, vector<16xi32>, vector<16xi32>, vector<16xi32>], vector<16xf32>,
        %add3A_493 = arith.addi %add3A_254, %add3A_465 : vector<16xi32>
        %gather3A_494 = tpu.vector_load_idx %arg8[%broadcast_in_dim3A_5, %broadcast_in_dim3A_5, %broadcast_in_dim3A_5, %add3A_493] : memref<2x16x8x128xf32, #tpu.memory_space<vmem>>[vector<16xi32>, vector<16xi32>, vector<16xi32>, vector<16xi32>], vector<16xf32>,
        %add3A_495 = arith.addi %add3A_267, %add3A_465 : vector<16xi32>
        %gather3A_496 = tpu.vector_load_idx %arg8[%broadcast_in_dim3A_5, %broadcast_in_dim3A_5, %broadcast_in_dim3A_5, %add3A_495] : memref<2x16x8x128xf32, #tpu.memory_space<vmem>>[vector<16xi32>, vector<16xi32>, vector<16xi32>, vector<16xi32>], vector<16xf32>,
        %add3A_497 = arith.addi %add3A_280, %add3A_465 : vector<16xi32>
        %gather3A_498 = tpu.vector_load_idx %arg8[%broadcast_in_dim3A_5, %broadcast_in_dim3A_5, %broadcast_in_dim3A_5, %add3A_497] : memref<2x16x8x128xf32, #tpu.memory_space<vmem>>[vector<16xi32>, vector<16xi32>, vector<16xi32>, vector<16xi32>], vector<16xf32>,
        %add3A_499 = arith.addi %add3A_293, %add3A_465 : vector<16xi32>
        %gather3A_500 = tpu.vector_load_idx %arg8[%broadcast_in_dim3A_5, %broadcast_in_dim3A_5, %broadcast_in_dim3A_5, %add3A_499] : memref<2x16x8x128xf32, #tpu.memory_space<vmem>>[vector<16xi32>, vector<16xi32>, vector<16xi32>, vector<16xi32>], vector<16xf32>,
        %add3A_501 = arith.addi %add3A_306, %add3A_465 : vector<16xi32>
        %gather3A_502 = tpu.vector_load_idx %arg8[%broadcast_in_dim3A_5, %broadcast_in_dim3A_5, %broadcast_in_dim3A_5, %add3A_501] : memref<2x16x8x128xf32, #tpu.memory_space<vmem>>[vector<16xi32>, vector<16xi32>, vector<16xi32>, vector<16xi32>], vector<16xf32>,
        tpu.vector_store_idx %arg7[%gather3A, %and3A_58], %gather3A_488 {add = true} : memref<64x128xf32, #tpu.memory_space<vmem>>[vector<16xi32>, vector<16xi32>], vector<16xf32>,
        tpu.vector_store_idx %arg7[%gather3A, %and3A_64], %gather3A_490 {add = true} : memref<64x128xf32, #tpu.memory_space<vmem>>[vector<16xi32>, vector<16xi32>], vector<16xf32>,
        tpu.vector_store_idx %arg7[%gather3A, %and3A_70], %gather3A_492 {add = true} : memref<64x128xf32, #tpu.memory_space<vmem>>[vector<16xi32>, vector<16xi32>], vector<16xf32>,
        tpu.vector_store_idx %arg7[%gather3A, %and3A_76], %gather3A_494 {add = true} : memref<64x128xf32, #tpu.memory_space<vmem>>[vector<16xi32>, vector<16xi32>], vector<16xf32>,
        tpu.vector_store_idx %arg7[%gather3A, %and3A_82], %gather3A_496 {add = true} : memref<64x128xf32, #tpu.memory_space<vmem>>[vector<16xi32>, vector<16xi32>], vector<16xf32>,
        tpu.vector_store_idx %arg7[%gather3A, %and3A_88], %gather3A_498 {add = true} : memref<64x128xf32, #tpu.memory_space<vmem>>[vector<16xi32>, vector<16xi32>], vector<16xf32>,
        tpu.vector_store_idx %arg7[%gather3A, %and3A_94], %gather3A_500 {add = true} : memref<64x128xf32, #tpu.memory_space<vmem>>[vector<16xi32>, vector<16xi32>], vector<16xf32>,
        tpu.vector_store_idx %arg7[%gather3A, %and3A_100], %gather3A_502 {add = true} : memref<64x128xf32, #tpu.memory_space<vmem>>[vector<16xi32>, vector<16xi32>], vector<16xf32>,
      }
    } else {
    }
    "tpu.region"() ({
      %run_scoped3A = tpu.sem_alloc : memref<!tpu.dma_semaphore, #tpu.memory_space<semaphore_mem>>
      %dma_start3A_408 = arith.constant 0 : i32
      %dma_start3A_409 = arith.constant 0 : i32
      %dma_start3A_410 = tpu.memref_slice %arg5[%add3A, %dma_start3A_408, %dma_start3A_409] : memref<32x64x128xf32, #tpu.memory_space<hbm>> -> memref<1x64x128xf32, #tpu.memory_space<hbm>>
      %dma_start3A_411 = tpu.memref_squeeze %dma_start3A_410 : memref<1x64x128xf32, #tpu.memory_space<hbm>> -> memref<64x128xf32, #tpu.memory_space<hbm>>
      %dma_start3A_412 = arith.constant 0 : i32
      %dma_start3A_413 = arith.constant 0 : i32
      %dma_start3A_414 = tpu.memref_slice %arg5[%add3A, %dma_start3A_412, %dma_start3A_413] : memref<32x64x128xf32, #tpu.memory_space<hbm>> -> memref<1x64x128xf32, #tpu.memory_space<hbm>>
      %dma_start3A_415 = tpu.memref_squeeze %dma_start3A_414 : memref<1x64x128xf32, #tpu.memory_space<hbm>> -> memref<64x128xf32, #tpu.memory_space<hbm>>
      tpu.enqueue_dma source(%arg7 : memref<64x128xf32, #tpu.memory_space<vmem>>) target(%dma_start3A_415 : memref<64x128xf32, #tpu.memory_space<hbm>>) target_semaphore(%run_scoped3A : memref<!tpu.dma_semaphore, #tpu.memory_space<semaphore_mem>>)
      %dma_wait3A = arith.constant 0 : i32
      %dma_wait3A_416 = arith.constant 0 : i32
      %dma_wait3A_417 = tpu.memref_slice %arg5[%add3A, %dma_wait3A, %dma_wait3A_416] : memref<32x64x128xf32, #tpu.memory_space<hbm>> -> memref<1x64x128xf32, #tpu.memory_space<hbm>>
      %dma_wait3A_418 = tpu.memref_squeeze %dma_wait3A_417 : memref<1x64x128xf32, #tpu.memory_space<hbm>> -> memref<64x128xf32, #tpu.memory_space<hbm>>
      %dma_wait3A_419 = arith.constant 0 : i32
      %dma_wait3A_420 = arith.constant 0 : i32
      %dma_wait3A_421 = tpu.memref_slice %arg5[%add3A, %dma_wait3A_419, %dma_wait3A_420] : memref<32x64x128xf32, #tpu.memory_space<hbm>> -> memref<1x64x128xf32, #tpu.memory_space<hbm>>
      %dma_wait3A_422 = tpu.memref_squeeze %dma_wait3A_421 : memref<1x64x128xf32, #tpu.memory_space<hbm>> -> memref<64x128xf32, #tpu.memory_space<hbm>>
      tpu.wait_dma2 semaphore(%run_scoped3A : memref<!tpu.dma_semaphore, #tpu.memory_space<semaphore_mem>>) src(%arg7 : memref<64x128xf32, #tpu.memory_space<vmem>>) dst(%dma_wait3A_422 : memref<64x128xf32, #tpu.memory_space<hbm>>)
      tpu.yield
    }) : () -> ()
    return
  }
}

module attributes {stable_mosaic.version = 14 : i64} {
  func.func @body(%arg0: memref<32x64x128xf32, #tpu.memory_space<vmem>>, %arg1: memref<64x128xf32, #tpu.memory_space<vmem>>, %arg2: memref<64x128xf32, #tpu.memory_space<vmem>>, %arg3: memref<64x64xf32, #tpu.memory_space<vmem>>, %arg4: memref<208x256xf32, #tpu.memory_space<vmem>>, %arg5: memref<1x256xf32, #tpu.memory_space<vmem>>, %arg6: memref<256x64xf32, #tpu.memory_space<vmem>>, %arg7: memref<1x64xf32, #tpu.memory_space<vmem>>, %arg8: memref<64x64xf32, #tpu.memory_space<vmem>>) attributes {dimension_semantics = [], scalar_prefetch = 0 : i64, scratch_operands = 0 : i64, tpu.core_type = #tpu.core_type<tc>} {
    %get3A = arith.constant 0 : index
    %get3A_0 = arith.constant 0 : index
    %get3A_1 = arith.constant 0 : index
    %get3A_2 = vector.load %arg0[%get3A, %get3A_0, %get3A_1] : memref<32x64x128xf32, #tpu.memory_space<vmem>>, vector<32x64x128xf32>
    %reduce_sum3A = arith.constant dense<0.000000e+00> : vector<64x128xf32>
    %reduce_sum3A_3 = vector.multi_reduction <add>, %get3A_2, %reduce_sum3A [0] : vector<32x64x128xf32> to vector<64x128xf32>
    %slice3A = vector.extract_strided_slice %reduce_sum3A_3 {offsets = [0, 0], sizes = [64, 16], strides = [1, 1]} : vector<64x128xf32> to vector<64x16xf32>
    %slice3A_4 = vector.extract_strided_slice %reduce_sum3A_3 {offsets = [0, 32], sizes = [64, 16], strides = [1, 1]} : vector<64x128xf32> to vector<64x16xf32>
    %reduce_sum3A_5 = arith.constant dense<0.000000e+00> : vector<64xf32>
    %reduce_sum3A_6 = vector.multi_reduction <add>, %slice3A_4, %reduce_sum3A_5 [1] : vector<64x16xf32> to vector<64xf32>
    %broadcast_in_dim3A = vector.shape_cast %reduce_sum3A_6 : vector<64xf32> to vector<64x1xf32>
    %get3A_7 = arith.constant 0 : index
    %get3A_8 = arith.constant 0 : index
    %get3A_9 = vector.load %arg2[%get3A_7, %get3A_8] : memref<64x128xf32, #tpu.memory_space<vmem>>, vector<64x128xf32>
    %reduce_sum3A_10 = arith.constant dense<0.000000e+00> : vector<64xf32>
    %reduce_sum3A_11 = vector.multi_reduction <add>, %get3A_9, %reduce_sum3A_10 [1] : vector<64x128xf32> to vector<64xf32>
    %broadcast_in_dim3A_12 = vector.shape_cast %reduce_sum3A_11 : vector<64xf32> to vector<64x1xf32>
    %get3A_13 = arith.constant 0 : index
    %get3A_14 = arith.constant 0 : index
    %get3A_15 = vector.load %arg1[%get3A_13, %get3A_14] : memref<64x128xf32, #tpu.memory_space<vmem>>, vector<64x128xf32>
    %max3A = arith.constant 1.000000e+00 : f32
    %max3A_16 = vector.broadcast %max3A : f32 to vector<64x1xf32>
    %max3A_17 = arith.maximumf %broadcast_in_dim3A_12, %max3A_16 : vector<64x1xf32>
    %div3A = vector.broadcast %max3A_17 : vector<64x1xf32> to vector<64x128xf32>
    %div3A_18 = arith.divf %get3A_15, %div3A : vector<64x128xf32>
    %max3A_19 = arith.constant 1.000000e+00 : f32
    %max3A_20 = vector.broadcast %max3A_19 : f32 to vector<64x1xf32>
    %max3A_21 = arith.maximumf %broadcast_in_dim3A, %max3A_20 : vector<64x1xf32>
    %div3A_22 = vector.broadcast %max3A_21 : vector<64x1xf32> to vector<64x16xf32>
    %div3A_23 = arith.divf %slice3A, %div3A_22 : vector<64x16xf32>
    %get3A_24 = arith.constant 0 : index
    %get3A_25 = arith.constant 0 : index
    %get3A_26 = vector.load %arg3[%get3A_24, %get3A_25] : memref<64x64xf32, #tpu.memory_space<vmem>>, vector<64x64xf32>
    %get3A_27 = arith.constant 0 : index
    %get3A_28 = arith.constant 0 : index
    %get3A_29 = vector.load %arg4[%get3A_27, %get3A_28] : memref<208x256xf32, #tpu.memory_space<vmem>>, vector<208x256xf32>
    %slice3A_30 = vector.extract_strided_slice %get3A_29 {offsets = [0, 0], sizes = [64, 256], strides = [1, 1]} : vector<208x256xf32> to vector<64x256xf32>
    %dot_general3A = arith.constant dense<0.000000e+00> : vector<64x256xf32>
    %dot_general3A_31 = tpu.matmul %get3A_26, %slice3A_30, %dot_general3A {dimension_numbers = #tpu.dot_dimension_numbers<[1], [0], [0], [1], [0, 0, 1, 1], [], []>, transpose_lhs_hint = false} : vector<64x64xf32>, vector<64x256xf32>, vector<64x256xf32> -> vector<64x256xf32>
    %slice3A_32 = vector.extract_strided_slice %get3A_29 {offsets = [64, 0], sizes = [128, 256], strides = [1, 1]} : vector<208x256xf32> to vector<128x256xf32>
    %dot_general3A_33 = arith.constant dense<0.000000e+00> : vector<64x256xf32>
    %dot_general3A_34 = tpu.matmul %div3A_18, %slice3A_32, %dot_general3A_33 {dimension_numbers = #tpu.dot_dimension_numbers<[1], [0], [0], [1], [0, 0, 1, 1], [], []>, transpose_lhs_hint = false} : vector<64x128xf32>, vector<128x256xf32>, vector<64x256xf32> -> vector<64x256xf32>
    %add3A = arith.addf %dot_general3A_31, %dot_general3A_34 : vector<64x256xf32>
    %slice3A_35 = vector.extract_strided_slice %get3A_29 {offsets = [192, 0], sizes = [16, 256], strides = [1, 1]} : vector<208x256xf32> to vector<16x256xf32>
    %dot_general3A_36 = arith.constant dense<0.000000e+00> : vector<64x256xf32>
    %dot_general3A_37 = tpu.matmul %div3A_23, %slice3A_35, %dot_general3A_36 {dimension_numbers = #tpu.dot_dimension_numbers<[1], [0], [0], [1], [0, 0, 1, 1], [], []>, transpose_lhs_hint = false} : vector<64x16xf32>, vector<16x256xf32>, vector<64x256xf32> -> vector<64x256xf32>
    %add3A_38 = arith.addf %add3A, %dot_general3A_37 : vector<64x256xf32>
    %get3A_39 = arith.constant 0 : index
    %get3A_40 = arith.constant 0 : index
    %get3A_41 = vector.load %arg5[%get3A_39, %get3A_40] : memref<1x256xf32, #tpu.memory_space<vmem>>, vector<1x256xf32>
    %add3A_42 = vector.broadcast %get3A_41 : vector<1x256xf32> to vector<64x256xf32>
    %add3A_43 = arith.addf %add3A_38, %add3A_42 : vector<64x256xf32>
    %max3A_44 = arith.constant 0.000000e+00 : f32
    %max3A_45 = vector.broadcast %max3A_44 : f32 to vector<64x256xf32>
    %max3A_46 = arith.maximumf %add3A_43, %max3A_45 : vector<64x256xf32>
    %get3A_47 = arith.constant 0 : index
    %get3A_48 = arith.constant 0 : index
    %get3A_49 = vector.load %arg6[%get3A_47, %get3A_48] : memref<256x64xf32, #tpu.memory_space<vmem>>, vector<256x64xf32>
    %dot_general3A_50 = arith.constant dense<0.000000e+00> : vector<64x64xf32>
    %dot_general3A_51 = tpu.matmul %max3A_46, %get3A_49, %dot_general3A_50 {dimension_numbers = #tpu.dot_dimension_numbers<[1], [0], [0], [1], [0, 0, 1, 1], [], []>, transpose_lhs_hint = false} : vector<64x256xf32>, vector<256x64xf32>, vector<64x64xf32> -> vector<64x64xf32>
    %get3A_52 = arith.constant 0 : index
    %get3A_53 = arith.constant 0 : index
    %get3A_54 = vector.load %arg7[%get3A_52, %get3A_53] : memref<1x64xf32, #tpu.memory_space<vmem>>, vector<1x64xf32>
    %add3A_55 = vector.broadcast %get3A_54 : vector<1x64xf32> to vector<64x64xf32>
    %add3A_56 = arith.addf %dot_general3A_51, %add3A_55 : vector<64x64xf32>
    %swap3A = arith.constant 0 : index
    %swap3A_57 = arith.constant 0 : index
    %swap3A_58 = vector.load %arg8[%swap3A, %swap3A_57] : memref<64x64xf32, #tpu.memory_space<vmem>>, vector<64x64xf32>
    tpu.vector_store %arg8[%swap3A, %swap3A_57], %add3A_56 {strides = array<i32>} : memref<64x64xf32, #tpu.memory_space<vmem>>, vector<64x64xf32>,
    return
  }
}

module attributes {stable_mosaic.version = 14 : i64} {
  func.func @body(%arg0: memref<10000x128xf32, #tpu.memory_space<vmem>>, %arg1: memref<80x128xi32, #tpu.memory_space<vmem>>, %arg2: memref<64x128xf32, #tpu.memory_space<vmem>>, %arg3: memref<64x128xf32, #tpu.memory_space<vmem>>) attributes {dimension_semantics = [], scalar_prefetch = 0 : i64, scratch_operands = 0 : i64, tpu.core_type = #tpu.core_type<tc>} {
    %iota3A = tpu.iota {dimensions = array<i32: 0>} : vector<64x128xi32>
    %broadcast_in_dim3A = arith.constant 0.000000e+00 : f32
    %broadcast_in_dim3A_0 = vector.broadcast %broadcast_in_dim3A : f32 to vector<64x128xf32>
    %scan3A = arith.constant 0 : i32
    %scan3A_1 = arith.constant 80 : i32
    %scan3A_2 = arith.addi %scan3A, %scan3A_1 : i32
    %scan3A_3 = arith.constant 1 : i32
    %scan3A_4:2 = scf.for %scan3A_11 = %scan3A to %scan3A_2 step %scan3A_3 iter_args(%scan3A_12 = %broadcast_in_dim3A_0, %scan3A_13 = %broadcast_in_dim3A_0) -> (vector<64x128xf32>, vector<64x128xf32>)  : i32 {
      %get3A = arith.index_cast %scan3A_11 : i32 to index
      %get3A_14 = arith.constant 0 : index
      %get3A_15 = vector.load %arg1[%get3A, %get3A_14] : memref<80x128xi32, #tpu.memory_space<vmem>>, vector<1x128xi32>
      %get3A_16 = vector.shape_cast %get3A_15 : vector<1x128xi32> to vector<128xi32>
      %reshape3A = vector.shape_cast %get3A_16 : vector<128xi32> to vector<1x128xi32>
      %eq3A = vector.broadcast %reshape3A : vector<1x128xi32> to vector<64x128xi32>
      %eq3A_17 = arith.cmpi eq, %eq3A, %iota3A : vector<64x128xi32>
      %convert_element_type3A = arith.extui %eq3A_17 : vector<64x128xi1> to vector<64x128xi32>
      %convert_element_type3A_18 = arith.sitofp %convert_element_type3A : vector<64x128xi32> to vector<64x128xf32>
      %mul3A = arith.constant 128 : i32
      %mul3A_19 = arith.muli %scan3A_11, %mul3A : i32
      %get3A_20 = arith.index_cast %mul3A_19 : i32 to index
      %get3A_21 = arith.constant 0 : index
      %get3A_22 = vector.load %arg0[%get3A_20, %get3A_21] : memref<10000x128xf32, #tpu.memory_space<vmem>>, vector<128x128xf32>
      %dot_general3A = arith.constant dense<0.000000e+00> : vector<64x128xf32>
      %dot_general3A_23 = tpu.matmul %convert_element_type3A_18, %get3A_22, %dot_general3A {dimension_numbers = #tpu.dot_dimension_numbers<[1], [0], [0], [1], [0, 0, 1, 1], [], []>, precision = #tpu.contract_precision<fp32>, transpose_lhs_hint = false} : vector<64x128xf32>, vector<128x128xf32>, vector<64x128xf32> -> vector<64x128xf32>
      %add3A = arith.addf %scan3A_12, %dot_general3A_23 : vector<64x128xf32>
      %add3A_24 = arith.addf %scan3A_13, %convert_element_type3A_18 : vector<64x128xf32>
      scf.yield %add3A, %add3A_24 : vector<64x128xf32>, vector<64x128xf32>
    }
    %scan3A_5 = arith.constant 80 : i32
    %swap3A = arith.constant 0 : index
    %swap3A_6 = arith.constant 0 : index
    %swap3A_7 = vector.load %arg2[%swap3A, %swap3A_6] : memref<64x128xf32, #tpu.memory_space<vmem>>, vector<64x128xf32>
    tpu.vector_store %arg2[%swap3A, %swap3A_6], %scan3A_4#0 {strides = array<i32>} : memref<64x128xf32, #tpu.memory_space<vmem>>, vector<64x128xf32>,
    %swap3A_8 = arith.constant 0 : index
    %swap3A_9 = arith.constant 0 : index
    %swap3A_10 = vector.load %arg3[%swap3A_8, %swap3A_9] : memref<64x128xf32, #tpu.memory_space<vmem>>, vector<64x128xf32>
    tpu.vector_store %arg3[%swap3A_8, %swap3A_9], %scan3A_4#1 {strides = array<i32>} : memref<64x128xf32, #tpu.memory_space<vmem>>, vector<64x128xf32>,
    return
  }
}

</mosaic_0001>

<sc_bundles>
// kernel: kernel.5.cloned.1.call-start
scs
__scs_entry_jumppad:
0x0: {  	(pc) =	sbr.rel $0x88, $3  }
0x1: {  	(tag) =	ssettag $0x0;
	lr =	simm.s32 $0x1  }
0x2: {  	[smem:$0x3F98] =	sst lr;
	_ =	strace $0xD0000000  }
0x3: {  	_ = 	snop  }
0x4: {  	_ = 	snop  }
0x5: {  	_ = 	snop  }
0x6: {  	_ = 	snop  }
0x7: {  	_ = 	snop  }
__scs_overlays_trampoline_lowered:
0x8: {  	[smem:$0x3FA7] =	sst s0  }
0x9: {  	[smem:$0x3FA8] =	sst s1  }
0xa: {  	[smem:$0x3FA9] =	sst s2  }
0xb: {  	[smem:$0x3FAA] =	sst s3  }
0xc: {  	[smem:$0x3FAB] =	sst s4  }
0xd: {  	[smem:$0x3FAC] =	sst s5  }
0xe: {  	[smem:$0x3FAD] =	sst s6  }
0xf: {  	[smem:$0x3FAE] =	sst s7  }
0x10: {  	[smem:$0x3FAF] =	sst s8  }
0x11: {  	[smem:$0x3FB0] =	sst s9;
	s0 =	simm.s32 @!p0 $0x0  }
0x12: {  	s1 =	sld [smem:$0x3F96];
	s0 =	simm.s32 @p0 $0x1  }
0x13: {  	[smem:$0x3FB1] =	sst s0;
	s0 =	simm.s32 @!p1 $0x0  }
0x14: {  	s2 =	sld [smem:$0x3F95];
	s0 =	simm.s32 @p1 $0x1  }
0x15: {  	[smem:$0x3FB2] =	sst s0;
	s0 =	simm.s32 @!p2 $0x0  }
0x16: {  	s3 =	sld [smem:$0x3FDB];
	s0 =	simm.s32 @p2 $0x1  }
0x17: {  	s4 =	simm.s32 $0x1BF5;
	[smem:$0x3FB4] =	sst s0  }
0x18: {  	s0 =	sld [smem:$0x3F97];
	_ =	swait.ge [sflag:s4], $0x0  }
0x19: {  	s7 =	sld [smem:$0x3F98]  }
0x1a: {  	s8 =	sadd.s32 $0xFFFFE003, lr  }
0x1b: {  	s9 =	sadd.s32 $0xFFFFFEF7, lr;
	s5 =	simm.s32 $0xFFFFFFFF;
	p2 =	slt.u32 s8, $0xFFFFF086  }
0x1c: {  	p1 =	slt.u32 s9, $0xF7A;
	s5 =	simm.s32 @!p2 $0x0  }
0x1d: {  	s5 =	simm.s32 @p1 $0x1;
	p0 =	seq.s32 s7, s2  }
0x1e: {  	s7 =	smul.u32 @!p0 $0xF7A, s2;
	p2 =	seq.s32 @!p0 s5, $0x0  }
0x1f: {  	s9 =	smul.u32 $0xF7A, s1;
	s8 =	simm.s32 @!p0 $0x1BF5;
	p2 =	por !p2, p0  }
0x20: {  	[sflag:s8] =	ssyncset.s32 @!p0 $0xFFFFF086;
	s6 =	sadd.s32 @!p0 s3, s7;
	s7 =	simm.s32 @!p0 $0x108  }
0x21: {  	s3 =	sadd.s32 s3, s9;
	s6 =	sadd.s32 @!p0 $0x88, s6;
	s7 =	simm.s32 @p2 $0x1082  }
0x22: {  	[simem:s7], [sflag:s8] =	dma.local @!p0 [hbm:s6], $0xF7A  }
0x23: {  	s9 =	sor.u32 $0xD0000000, s2;
	s6 =	simm.s32 $0x108;
	_ =	swait.ge @!p0 [sflag:s8], $0x0  }
0x24: {  	s3 =	sadd.s32 $0x88, s3;
	s6 =	simm.s32 @!p1 $0x1082;
	[sflag:s4] =	ssyncset.s32 $0xFFFFF086  }
0x25: {  	[simem:s6], [sflag:s4] =	dma.local [hbm:s3], $0xF7A  }
0x26: {  	[smem:$0x3F98] =	sst s1;
	(tag) =	ssettag s2;
	_ =	strace s9  }
0x27: {  	s1 =	sld [smem:$0x3FA8]  }
0x28: {  	s2 =	sld [smem:$0x3FA9]  }
0x29: {  	s4 =	sld [smem:$0x3FAB]  }
0x2a: {  	p0 =	seq.s32 s5, $0x0;
	s5 =	sld [smem:$0x3FAC]  }
0x2b: {  	s6 =	sld [smem:$0x3FAD]  }
0x2c: {  	s7 =	sld [smem:$0x3FAE]  }
0x2d: {  	s3 =	simm.s32 $0x108;
	s8 =	sld [smem:$0x3FAF]  }
0x2e: {  	s3 =	simm.s32 @!p0 $0x1082;
	s9 =	sld [smem:$0x3FB0]  }
0x2f: {  	lr =	sadd.s32 s0, s3;
	s0 =	sld [smem:$0x3FA7]  }
0x30: {  	s3 =	sld [smem:$0x3FAA]  }
0x31: {  	[smem:$0x3FB3] =	sst s10  }
0x32: {  	s10 =	sld [smem:$0x3FB1];
	_ =	sdelay $0x3  }
0x33: {  	p0 =	seq.s32 s10, $0x1;
	s10 =	sld [smem:$0x3FB3];
	_ =	sdelay $0x3  }
0x34: {  	[smem:$0x3FB3] =	sst s10  }
0x35: {  	s10 =	sld [smem:$0x3FB2];
	_ =	sdelay $0x3  }
0x36: {  	p1 =	seq.s32 s10, $0x1;
	s10 =	sld [smem:$0x3FB3];
	_ =	sdelay $0x3  }
0x37: {  	[smem:$0x3FB3] =	sst s10  }
0x38: {  	s10 =	sld [smem:$0x3FB4]  }
0x39: {  	_ = 	snop;
	(pc) =	sbr.ind lr, $3  }
0x3a: {  	_ = 	snop  }
0x3b: {  	_ = 	snop  }
0x3c: {  	p2 =	seq.s32 s10, $0x1;
	s10 =	sld [smem:$0x3FB3]  }
0x3d: {  	_ =	shalt  }
0x3e: {  	_ =	shalt  }
0x3f: {  	_ =	shalt  }
0x40: {  	_ =	shalt  }
0x41: {  	_ =	shalt  }
0x42: {  	_ =	shalt  }
0x43: {  	_ =	shalt  }
0x44: {  	_ =	shalt  }
0x45: {  	_ =	shalt  }
0x46: {  	_ =	shalt  }
0x47: {  	_ =	shalt  }
0x48: {  	_ =	shalt  }
0x49: {  	_ =	shalt  }
0x4a: {  	_ =	shalt  }
0x4b: {  	_ =	shalt  }
0x4c: {  	_ =	shalt  }
0x4d: {  	_ =	shalt  }
0x4e: {  	_ =	shalt  }
0x4f: {  	_ =	shalt  }
0x50: {  	_ =	shalt  }
0x51: {  	_ =	shalt  }
0x52: {  	_ =	shalt  }
0x53: {  	_ =	shalt  }
0x54: {  	_ =	shalt  }
0x55: {  	_ =	shalt  }
0x56: {  	_ =	shalt  }
0x57: {  	_ =	shalt  }
0x58: {  	_ =	shalt  }
0x59: {  	_ =	shalt  }
0x5a: {  	_ =	shalt  }
0x5b: {  	_ =	shalt  }
0x5c: {  	_ =	shalt  }
0x5d: {  	_ =	shalt  }
0x5e: {  	_ =	shalt  }
0x5f: {  	_ =	shalt  }
0x60: {  	_ =	shalt  }
0x61: {  	_ =	shalt  }
0x62: {  	_ =	shalt  }
0x63: {  	_ =	shalt  }
0x64: {  	_ =	shalt  }
0x65: {  	_ =	shalt  }
0x66: {  	_ =	shalt  }
0x67: {  	_ =	shalt  }
0x68: {  	_ =	shalt  }
0x69: {  	_ =	shalt  }
0x6a: {  	_ =	shalt  }
0x6b: {  	_ =	shalt  }
0x6c: {  	_ =	shalt  }
0x6d: {  	_ =	shalt  }
0x6e: {  	_ =	shalt  }
0x6f: {  	_ =	shalt  }
0x70: {  	_ =	shalt  }
0x71: {  	_ =	shalt  }
0x72: {  	_ =	shalt  }
0x73: {  	_ =	shalt  }
0x74: {  	_ =	shalt  }
0x75: {  	_ =	shalt  }
0x76: {  	_ =	shalt  }
0x77: {  	_ =	shalt  }
0x78: {  	_ =	shalt  }
0x79: {  	_ =	shalt  }
0x7a: {  	_ =	shalt  }
0x7b: {  	_ =	shalt  }
0x7c: {  	_ =	shalt  }
0x7d: {  	_ =	shalt  }
0x7e: {  	_ =	shalt  }
0x7f: {  	_ =	shalt  }
0x80: {  	_ =	shalt  }
0x81: {  	_ =	shalt  }
0x82: {  	_ =	shalt  }
0x83: {  	_ =	shalt  }
0x84: {  	_ =	shalt  }
0x85: {  	_ =	shalt  }
0x86: {  	_ =	shalt  }
0x87: {  	_ =	shalt  }
.Lfunc_end0:
.L_simem_size_0:
called_computation_lowered:
.L_overlay_start_0:
0x88: {  	s2 =	sld [smem:$0x3FD9]  }
0x89: {  	s3 =	sld [smem:$0x3FFE];
	_ =	sdelay $0x1  }
0x8a: {  	s1 =	srdreg.scid  }
0x8b: {  	s0 =	sand.u32 $0x1, s1  }
0x8c: {  	s17 =	sshll.u32 s0, $0xA;
	s2 =	sadd.s32 s3, s2  }
0x8d: {  	s2 =	sadd.s32 s2, s17  }
0x8e: {  	[smem:$0x3FBF] =	sst s2  }
0x8f: {  	_ = 	snop  }
0x90: {  	s2 =	sld [smem:$0x3FC8]  }
0x91: {  	s18 =	sld [smem:$0x3FC7]  }
0x92: {  	s4 =	sld [smem:$0x3FC5];
	(tm) =	ssettm $0x1  }
0x93: {  	s5 =	sld [smem:$0x3FFB];
	_ =	sdelay $0x3  }
0x94: {  	_ =	strace s5  }
0x95: {  	s5 =	sld [smem:$0x3FFC];
	_ =	sdelay $0x3  }
0x96: {  	_ =	strace s5  }
0x97: {  	s5 =	sld [smem:$0x3FFD];
	_ =	sdelay $0x3  }
0x98: {  	_ =	strace s5  }
0x99: {  	_ =	strace $0x8FFFFFFF  }
0x9a: {  	s19 =	sld [smem:$0x3FDB];
	_ =	sdelay $0x1  }
0x9b: {  	s6 =	simm.s32 $_scs_section_size  }
0x9c: {  	s7 =	simm.s32 $_size__tile_overlayer_lowered;
	s8 =	simm.s32 $_tile_overlayer_lowered  }
0x9d: {  	s22 =	simm.s32 $0x1BFF;
	s21 =	sshll.u32 s8, $0x1;
	s5 =	sadd.s32 s6, s19  }
0x9e: {  	s9 =	simm.s32 $0x0;
	s20 =	sshll.u32 s7, $0x1;
	s7 =	sadd.s32 s21, s5  }
0x9f: {  	[timem:s9], [sflag:s22] =	dma.local [hbm:s7], s20  }
0xa0: {  	_ =	swait.ge [sflag:s22], s20  }
0xa1: {  	s6 =	ssub.s32 $0x0, s20;
	[sflag:s22] =	ssyncset.done $0x0  }
0xa2: {  	[sflag:s22] =	ssyncadd.s32 s6;
	_ =	sdelay $0x1  }
0xa3: {  	s23 =	simm.s32 $0x1B8B  }
0xa4: {  	_ =	swait.ge [sflag:s23], $0x1  }
0xa5: {  	[sflag:s23] =	ssyncset.done $0x0  }
0xa6: {  	s25 =	simm.s32 $0x1B8E;
	s24 =	sld [smem:$0x3FFE];
	[sflag:s23] =	ssyncadd.s32 $0xFFFFFFFF  }
0xa7: {  	s26 =	simm.s32 $execute0_lowered;
	[smem:$0x3FD2] =	sst s25  }
0xa8: {  	s7 =	sshll.u32 s26, $0x1;
	_ =	strace $0x80000046;
	[dreg:$0x1] =	wrdreg $0xFFFFFFFF  }
0xa9: {  	s28 =	simm.s32 $_size_execute0_lowered;
	s5 =	sadd.s32 s5, s7;
	[dreg:$0x0] =	wrdreg $0x0  }
0xaa: {  	s7 =	sshll.u32 s28, $0x1;
	[dreg:$0x2] =	wrdreg s5  }
0xab: {  	[dreg:$0x3] =	wrdreg s7  }
0xac: {  	[dreg:$0x4] =	wrdreg $0xC0  }
0xad: {  	_ =	task [dreg:s9], $0x5FFFF  }
0xae: {  	[dreg:$0x1] =	wrdreg $0xFFFFFFFF  }
0xaf: {  	[dreg:$0x0] =	wrdreg $0x60  }
0xb0: {  	[dreg:$0x2] =	wrdreg s2  }
0xb1: {  	[dreg:$0x3] =	wrdreg s18  }
0xb2: {  	[dreg:$0x4] =	wrdreg s4  }
0xb3: {  	[dreg:$0x5] =	wrdreg s24  }
0xb4: {  	[dreg:$0x6] =	wrdreg $0x9  }
0xb5: {  	_ =	task.clear_ibuf [dreg:s9], $0x7FFFF;
	_ =	strace $0x90000046  }
0xb6: {  	s29 =	simm.s32 $0x9;
	_ =	strace $0x80000048  }
0xb7: {  	_ =	swait.ge [sflag:s29], $0x1  }
0xb8: {  	[sflag:s29] =	ssyncadd.s32 $0xFFFFFFFF  }
0xb9: {  	_ =	strace $0x90000048  }
0xba: {  	_ =	sfence  }
0xbb: {  	s30 =	sld [smem:$0x0];
	_ =	sdelay $0x2  }
0xbc: {  	s31 =	sshll.u32 s1, $0xD;
	s1 =	sshrl.u32 s1, $0x2  }
0xbd: {  	s3 =	sand.u32 $0x4000, s31;
	s1 =	sadd.s32 s1, s30  }
0xbe: {  	s0 =	sor.u32 s3, s0;
	s1 =	sshll.u32 s1, $0x11  }
0xbf: {  	s0 =	sor.u32 s1, s0  }
0xc0: {  	s0 =	sadd.s32 $0x8F2B, s0  }
0xc1: {  	[sflag:s0] =	ssyncadd.remote.s32 $0x1  }
0xc2: {  	_ =	sfence.sel $0xFFFF  }
0xc3: {  	[dreg:$0x0] =	wrdreg $0xFFFFFFFF;
	(pc) =	sbr.abs _section_cstart, $3  }
0xc4: {  	[dreg:$0x1] =	wrdreg $0xFFFFFFFF  }
0xc5: {  	_ =	task.clear_ibuf [dreg:s9], $0x2FFFF;
	_ =	strace $0x9FFFFFFF  }
0xc6: {  	(tm) =	ssettm $0x7FFFFFFF  }
0xc7: {  	_ =	shalt  }
tec
execute0_lowered:
.L_overlay_start_1:
0x0: {  	(tag) =	ssettag $0x1  }
0x1: {  	v0 =	vimm.f32 $0.0e+00;
	v2 =	vimm.s32 $0x438F;
	vm14 =	vcmask $0x300  }
0x2: {  	v1 =	vlaneseq.u32;
	vm13 =	vcmask $0x704;
	vm12 =	vcmask $0xB08  }
0x3: {  	vm11 =	vcmask $0xF0C;
	v4 =	vimm.s32 $0xF;
	vm10 =	vcmask $0x1310  }
0x4: {  	vm9 =	vcmask $0x1714;
	vm8 =	vcmask $0x1B18;
	vm7 =	vcmask $0x1F1C  }
0x5: {  	vm6 =	vcmask $0x2320;
	vm5 =	vcmask $0x2724;
	vm4 =	vcmask $0x2B28  }
0x6: {  	vm3 =	vcmask $0x2F2C;
	vm0 =	vcmask $0x3330;
	vm1 =	vcmask $0x3734  }
0x7: {  	v6 =	vimm.s32 $0x8F;
	vm2 =	vcmask $0x3B38;
	v8 =	vimm.s32 $0x18F  }
0x8: {  	v9 =	vimm.s32 $0x20F;
	v10 =	vimm.s32 $0x28F;
	v11 =	vimm.s32 $0x30F  }
0x9: {  	v12 =	vimm.s32 $0xFEDCBA9;
	v13 =	vimm.s32 $0x87654321;
	v14 =	vimm.s32 $0x210FEDCB  }
0xa: {  	v16 =	vimm.s32 $0x43210FED;
	v17 =	vimm.s32 $0xCBA98765;
	v18 =	vimm.s32 $0xDCBA9876  }
0xb: {  	v19 =	vimm.s32 $0x38F;
	v20 =	vimm.s32 $0x400F;
	v22 =	vimm.s32 $0x410F  }
0xc: {  	v23 =	vimm.s32 $0x418F;
	v24 =	vimm.s32 $0x420F;
	v25 =	vimm.s32 $0x428F  }
0xd: {  	v26 =	vimm.s32 $0x430F;
	v41 =	vimm.s32 $0xFEDCBA98;
	v42 =	vimm.s32 $0x76543210  }
0xe: {  	v3 =	vsel vm14, $0x0, v2;
	v2 =	vor.u32 $0x20, v1;
	v4 =	vsel vm14, $0x80, v4  }
0xf: {  	v6 =	vsel vm14, $0x100, v6;
	v8 =	vsel vm14, $0x200, v8;
	v9 =	vsel vm14, $0x280, v9  }
0x10: {  	v10 =	vsel vm14, $0x300, v10;
	v11 =	vsel vm14, $0x380, v11;
	v12 =	vunpack.c.l.s4.s8 v12  }
0x11: {  	v13 =	vunpack.c.l.s4.s8 v13;
	v14 =	vunpack.c.l.s4.s8 v14;
	v18 =	vunpack.c.l.s4.s8 v18  }
0x12: {  	v19 =	vsel vm14, $0x4000, v19;
	v20 =	vsel vm14, $0x4080, v20;
	v22 =	vsel vm14, $0x4180, v22  }
0x13: {  	v23 =	vsel vm14, $0x4200, v23;
	v24 =	vsel vm14, $0x4280, v24;
	v25 =	vsel vm14, $0x4300, v25  }
0x14: {  	v26 =	vsel vm14, $0x4380, v26;
	v41 =	vunpack.c.l.s4.s8 v41;
	v42 =	vunpack.c.l.s4.s8 v42  }
0x15: {  	v3 =	vsel vm13, $0x81, v3;
	v4 =	vsel vm13, $0x101, v4;
	v6 =	vsel vm13, $0x181, v6  }
0x16: {  	v8 =	vsel vm13, $0x281, v8;
	v9 =	vsel vm13, $0x301, v9;
	v10 =	vsel vm13, $0x381, v10  }
0x17: {  	v11 =	vsel vm13, $0x4001, v11;
	v22 =	vsel vm13, $0x4201, v22;
	v23 =	vsel vm13, $0x4281, v23  }
0x18: {  	v24 =	vsel vm13, $0x4301, v24;
	v25 =	vsel vm13, $0x4381, v25;
	v26 =	vsel vm13, $0x1, v26  }
0x19: {  	v3 =	vsel vm12, $0x102, v3;
	v4 =	vsel vm12, $0x182, v4;
	v6 =	vsel vm12, $0x202, v6  }
0x1a: {  	v8 =	vsel vm12, $0x302, v8;
	v9 =	vsel vm12, $0x382, v9;
	v10 =	vsel vm12, $0x4002, v10  }
0x1b: {  	v11 =	vsel vm12, $0x4082, v11;
	v27 =	vunpack.c.0.s8.s32 v12;
	v28 =	vunpack.c.0.s8.s32 v13  }
0x1c: {  	v12 =	vimm.s32 $0x10FEDCBA;
	v13 =	vimm.s32 $0x98765432;
	v31 =	vunpack.c.0.s8.s32 v14  }
0x1d: {  	v14 =	vimm.s32 $0xBA987654;
	v38 =	vunpack.c.0.s8.s32 v18;
	v18 =	vsel vm13, $0x4081, v19  }
0x1e: {  	v19 =	vimm.s32 $0xEDCBA987;
	v22 =	vsel vm12, $0x4282, v22;
	v23 =	vsel vm12, $0x4302, v23  }
0x1f: {  	v24 =	vsel vm12, $0x4382, v24;
	v25 =	vsel vm12, $0x2, v25;
	v26 =	vsel vm12, $0x82, v26  }
0x20: {  	v41 =	vunpack.c.0.s8.s32 v41;
	v42 =	vunpack.c.0.s8.s32 v42;
	v3 =	vsel vm11, $0x183, v3  }
0x21: {  	v4 =	vsel vm11, $0x203, v4;
	v6 =	vsel vm11, $0x283, v6;
	v8 =	vsel vm11, $0x383, v8  }
0x22: {  	v9 =	vsel vm11, $0x4003, v9;
	v10 =	vsel vm11, $0x4083, v10;
	v11 =	vsel vm11, $0x4103, v11  }
0x23: {  	v12 =	vunpack.c.l.s4.s8 v12;
	v13 =	vunpack.c.l.s4.s8 v13;
	v14 =	vunpack.c.l.s4.s8 v14  }
0x24: {  	v18 =	vsel vm12, $0x4102, v18;
	v19 =	vunpack.c.l.s4.s8 v19;
	v22 =	vsel vm11, $0x4303, v22  }
0x25: {  	v23 =	vsel vm11, $0x4383, v23;
	v24 =	vsel vm11, $0x3, v24;
	v25 =	vsel vm11, $0x83, v25  }
0x26: {  	v26 =	vsel vm11, $0x103, v26;
	v3 =	vsel vm10, $0x204, v3;
	v4 =	vsel vm10, $0x284, v4  }
0x27: {  	v6 =	vsel vm10, $0x304, v6;
	v8 =	vsel vm10, $0x4004, v8;
	v9 =	vsel vm10, $0x4084, v9  }
0x28: {  	v10 =	vsel vm10, $0x4104, v10;
	v11 =	vsel vm10, $0x4184, v11;
	v15 =	vcombine.low v28, v27  }
0x29: {  	v18 =	vsel vm11, $0x4183, v18;
	v22 =	vsel vm10, $0x4384, v22;
	v23 =	vsel vm10, $0x4, v23  }
0x2a: {  	v24 =	vsel vm10, $0x84, v24;
	v25 =	vsel vm10, $0x104, v25;
	v26 =	vsel vm10, $0x184, v26  }
0x2b: {  	v41 =	vand.u32 $0xF, v41;
	v28 =	vcombine.low v27, v28;
	v3 =	vsel vm9, $0x285, v3  }
0x2c: {  	v4 =	vsel vm9, $0x305, v4;
	v6 =	vsel vm9, $0x385, v6;
	v8 =	vsel vm9, $0x4085, v8  }
0x2d: {  	v9 =	vsel vm9, $0x4105, v9;
	v10 =	vsel vm9, $0x4185, v10;
	v11 =	vsel vm9, $0x4205, v11  }
0x2e: {  	v29 =	vunpack.c.0.s8.s32 v12;
	v30 =	vunpack.c.0.s8.s32 v13;
	v12 =	vimm.s32 $0xA9876543  }
0x2f: {  	v13 =	vimm.s32 $0x3210FEDC;
	v34 =	vunpack.c.0.s8.s32 v14;
	v40 =	vunpack.c.0.s8.s32 v19  }
0x30: {  	v22 =	vsel vm9, $0x5, v22;
	v23 =	vsel vm9, $0x85, v23;
	v24 =	vsel vm9, $0x105, v24  }
0x31: {  	v25 =	vsel vm9, $0x185, v25;
	v26 =	vsel vm9, $0x205, v26;
	v3 =	vsel vm8, $0x306, v3  }
0x32: {  	v4 =	vsel vm8, $0x386, v4;
	v6 =	vsel vm8, $0x4006, v6;
	v8 =	vsel vm8, $0x4106, v8  }
0x33: {  	v9 =	vsel vm8, $0x4186, v9;
	v10 =	vsel vm8, $0x4206, v10;
	v11 =	vsel vm8, $0x4286, v11  }
0x34: {  	v12 =	vunpack.c.l.s4.s8 v12;
	v13 =	vunpack.c.l.s4.s8 v13;
	v22 =	vsel vm8, $0x86, v22  }
0x35: {  	v23 =	vsel vm8, $0x106, v23;
	v24 =	vsel vm8, $0x186, v24;
	v25 =	vsel vm8, $0x206, v25  }
0x36: {  	v26 =	vsel vm8, $0x286, v26;
	v28 =	vand.u32 $0xF, v28;
	v3 =	vsel vm7, $0x387, v3  }
0x37: {  	v4 =	vsel vm7, $0x4007, v4;
	v6 =	vsel vm7, $0x4087, v6;
	v8 =	vsel vm7, $0x4187, v8  }
0x38: {  	v9 =	vsel vm7, $0x4207, v9;
	v10 =	vsel vm7, $0x4287, v10;
	v11 =	vsel vm7, $0x4307, v11  }
0x39: {  	v22 =	vsel vm7, $0x107, v22;
	v23 =	vsel vm7, $0x187, v23;
	v24 =	vsel vm7, $0x207, v24  }
0x3a: {  	v25 =	vsel vm7, $0x287, v25;
	v26 =	vsel vm7, $0x307, v26;
	v3 =	vsel vm6, $0x4008, v3  }
0x3b: {  	v4 =	vsel vm6, $0x4088, v4;
	v6 =	vsel vm6, $0x4108, v6;
	v8 =	vsel vm6, $0x4208, v8  }
0x3c: {  	v9 =	vsel vm6, $0x4288, v9;
	v10 =	vsel vm6, $0x4308, v10;
	v11 =	vsel vm6, $0x4388, v11  }
0x3d: {  	v33 =	vunpack.c.0.s8.s32 v12;
	v12 =	vunpack.c.l.s4.s8 v16;
	v16 =	vunpack.c.l.s4.s8 v17  }
0x3e: {  	v17 =	vcombine.low v30, v29;
	v32 =	vunpack.c.0.s8.s32 v13;
	v22 =	vsel vm6, $0x188, v22  }
0x3f: {  	v23 =	vsel vm6, $0x208, v23;
	v24 =	vsel vm6, $0x288, v24;
	v25 =	vsel vm6, $0x308, v25  }
0x40: {  	v26 =	vsel vm6, $0x388, v26;
	v29 =	vcombine.low v29, v30;
	v3 =	vsel vm5, $0x4089, v3  }
0x41: {  	v4 =	vsel vm5, $0x4109, v4;
	v6 =	vsel vm5, $0x4189, v6;
	v8 =	vsel vm5, $0x4289, v8  }
0x42: {  	v9 =	vsel vm5, $0x4309, v9;
	v10 =	vsel vm5, $0x4389, v10;
	v11 =	vsel vm5, $0x9, v11  }
0x43: {  	v22 =	vsel vm5, $0x209, v22;
	v23 =	vsel vm5, $0x289, v23;
	v24 =	vsel vm5, $0x309, v24  }
0x44: {  	v25 =	vsel vm5, $0x389, v25;
	v26 =	vsel vm5, $0x4009, v26;
	v3 =	vsel vm4, $0x410A, v3  }
0x45: {  	v4 =	vsel vm4, $0x418A, v4;
	v6 =	vsel vm4, $0x420A, v6;
	v8 =	vsel vm4, $0x430A, v8  }
0x46: {  	v9 =	vsel vm4, $0x438A, v9;
	v10 =	vsel vm4, $0xA, v10;
	v11 =	vsel vm4, $0x8A, v11  }
0x47: {  	v14 =	vcombine.low v33, v31;
	v35 =	vunpack.c.0.s8.s32 v12;
	v36 =	vunpack.c.0.s8.s32 v16  }
0x48: {  	v12 =	vand.u32 $0xF, v15;
	v13 =	vand.u32 $0xF, v17;
	v15 =	vcombine.low v34, v32  }
0x49: {  	v17 =	vimm.s32 $0x543210FE;
	v22 =	vsel vm4, $0x28A, v22;
	v23 =	vsel vm4, $0x30A, v23  }
0x4a: {  	v24 =	vsel vm4, $0x38A, v24;
	v25 =	vsel vm4, $0x400A, v25;
	v26 =	vsel vm4, $0x408A, v26  }
0x4b: {  	v30 =	vcombine.low v31, v33;
	v31 =	vcombine.low v32, v34;
	v29 =	vand.u32 $0xF, v29  }
0x4c: {  	v5 =	vsel vm3, $0x418B, v3;
	v3 =	vimm.f32 $1.000000000e+00;
	v4 =	vsel vm3, $0x420B, v4  }
0x4d: {  	v6 =	vsel vm3, $0x428B, v6;
	v8 =	vsel vm3, $0x438B, v8;
	v9 =	vsel vm3, $0xB, v9  }
0x4e: {  	v10 =	vsel vm3, $0x8B, v10;
	v11 =	vsel vm3, $0x10B, v11;
	v17 =	vunpack.c.l.s4.s8 v17  }
0x4f: {  	v22 =	vsel vm3, $0x30B, v22;
	v23 =	vsel vm3, $0x38B, v23;
	v24 =	vsel vm3, $0x400B, v24  }
0x50: {  	v25 =	vsel vm3, $0x408B, v25;
	v26 =	vsel vm3, $0x410B, v26;
	v5 =	vsel vm0, $0x420C, v5  }
0x51: {  	v7 =	vsel vm0, $0x428C, v4;
	v6 =	vsel vm0, $0x430C, v6;
	v8 =	vsel vm0, $0xC, v8  }
0x52: {  	v9 =	vsel vm0, $0x8C, v9;
	v10 =	vsel vm0, $0x10C, v10;
	v11 =	vsel vm0, $0x18C, v11  }
0x53: {  	v14 =	vand.u32 $0xF, v14;
	v16 =	vcombine.low v36, v35;
	v15 =	vand.u32 $0xF, v15  }
0x54: {  	v22 =	vsel vm0, $0x38C, v22;
	v23 =	vsel vm0, $0x400C, v23;
	v24 =	vsel vm0, $0x408C, v24  }
0x55: {  	v25 =	vsel vm0, $0x410C, v25;
	v26 =	vsel vm0, $0x418C, v26;
	v61 =	vcombine.low v35, v36  }
0x56: {  	v30 =	vand.u32 $0xF, v30;
	v31 =	vand.u32 $0xF, v31;
	v35 =	vand.u32 $0x7, v1  }
0x57: {  	v5 =	vsel vm1, $0x428D, v5;
	v6 =	vsel vm1, $0x438D, v6;
	v8 =	vsel vm1, $0x8D, v8  }
0x58: {  	v9 =	vsel vm1, $0x10D, v9;
	v10 =	vsel vm1, $0x18D, v10;
	v11 =	vsel vm1, $0x20D, v11  }
0x59: {  	v37 =	vunpack.c.0.s8.s32 v17;
	v17 =	vimm.s32 $0x6543210F;
	v22 =	vsel vm1, $0x400D, v22  }
0x5a: {  	v23 =	vsel vm1, $0x408D, v23;
	v24 =	vsel vm1, $0x410D, v24;
	v25 =	vsel vm1, $0x418D, v25  }
0x5b: {  	v43 =	vsel vm1, $0x420D, v26;
	v26 =	vcombine.low v41, v42;
	v4 =	vsel vm2, $0x430E, v5  }
0x5c: {  	s1 =	rddreg [dreg:$0x0];
	v5 =	vsel vm1, $0x430D, v7;
	v7 =	vimm.s32 $0x10F;
	v6 =	vsel vm2, $0xE, v6  }
0x5d: {  	s3 =	rddreg [dreg:$0x1];
	v8 =	vsel vm2, $0x10E, v8;
	v9 =	vsel vm2, $0x18E, v9;
	v10 =	vsel vm2, $0x20E, v10  }
0x5e: {  	s0 =	rddreg [dreg:$0x3];
	v11 =	vsel vm2, $0x28E, v11;
	v16 =	vand.u32 $0xF, v16;
	v17 =	vunpack.c.l.s4.s8 v17  }
0x5f: {  	s4 =	srdreg.scid;
	s2 =	simm.s32 $0x0;
	s6 =	stileid.u32;
	v22 =	vsel vm2, $0x408E, v22;
	v23 =	vsel vm2, $0x410E, v23;
	v24 =	vsel vm2, $0x418E, v24  }
0x60: {  	s14 =	simm.s32 $0x3F;
	s17 =	simm.s32 $0x4000;
	s18 =	simm.s32 $0x271000;
	v25 =	vsel vm2, $0x420E, v25;
	v27 =	vsel vm2, $0x428E, v43;
	v32 =	vand.u32 $0xF, v61  }
0x61: {  	s28 =	simm.s32 $0x2710;
	s29 =	simm.s32 $0x3;
	s4 =	sand.u32 $0x1, s4;
	v5 =	vsel vm2, $0x438E, v5;
	v7 =	vsel vm14, $0x180, v7;
	v19 =	vcombine.low v38, v37  }
0x62: {  	s30 =	simm.s32 $0x4;
	s31 =	simm.s32 $0x0;
	s5 =	sshll.u32 s4, $0x4;
	v39 =	vunpack.c.0.s8.s32 v17;
	v17 =	vsel vm10, $0x4204, v18;
	v18 =	vsel vm13, $0x4101, v20  }
0x63: {  	[smem:$0x7FF] =	sst s2;
	s4 =	ssub.s32 $0x2, s4;
	s5 =	sor.u32 s6, s5;
	v7 =	vsel vm13, $0x201, v7;
	v17 =	vsel vm9, $0x4285, v17;
	v18 =	vsel vm12, $0x4182, v18  }
0x64: {  	_ =	strace $0x80000047;
	s7 =	sshrl.u32 s4, $0x1;
	s6 =	sshll.u32 s5, $0xA;
	v7 =	vsel vm12, $0x282, v7;
	v17 =	vsel vm8, $0x4306, v17;
	v18 =	vsel vm11, $0x4203, v18  }
0x65: {  	s8 =	smul.u32 $0x4E, s5;
	s15 =	ssub.s32 s4, s7;
	p0 =	slt.u32 s5, $0x4;
	v20 =	vcombine.low v40, v39;
	v21 =	vsel vm7, $0x4387, v17;
	v18 =	vsel vm10, $0x4284, v18  }
0x66: {  	s19 =	smin.u32 s5, $0x4;
	s0 =	sadd.s32 s6, s0;
	s14 =	simm.s32 @!p0 $0x3E;
	v17 =	vand.u32 $0xF, v19;
	v19 =	vsel vm6, $0x8, v21;
	v21 =	vsel vm9, $0x4305, v18  }
0x67: {  	s15 =	smax.u32 s15, $0x1;
	s11 =	sadd.s32 s19, s8;
	s26 =	sshll.u32 s14, $0x3;
	v18 =	vand.u32 $0xF, v20;
	v20 =	vsel vm8, $0x4386, v21;
	v21 =	vimm.s32 $0x408F  }
0x68: {  	s19 =	simm.s32 $0x4710;
	s4 =	sshll.u32 s11, $0x7;
	s20 =	sadd.s32 $0x10, s11;
	v62 =	vcombine.low v37, v38;
	v7 =	vsel vm11, $0x303, v7;
	v21 =	vsel vm14, $0x4100, v21  }
0x69: {  	s21 =	sshll.u32 s11, $0x5;
	s8 =	sadd.s32 $0x20, s11;
	s12 =	sadd.s32 $0x30, s11;
	v63 =	vcombine.low v39, v40;
	v7 =	vsel vm10, $0x384, v7;
	v21 =	vsel vm13, $0x4181, v21  }
0x6a: {  	s11 =	sadd.s32 s14, s11;
	s14 =	sadd.s32 $0x1600, s0;
	s4 =	sadd.s32 s3, s4;
	v33 =	vand.u32 $0xF, v62;
	v7 =	vsel vm9, $0x4005, v7;
	v21 =	vsel vm12, $0x4202, v21  }
0x6b: {  	s22 =	sshll.u32 s20, $0x7;
	s23 =	sadd.s32 s1, s21;
	s7 =	sshll.u32 s20, $0x5;
	v34 =	vand.u32 $0xF, v63;
	v7 =	vsel vm8, $0x4086, v7;
	v21 =	vsel vm11, $0x4283, v21  }
0x6c: {  	s9 =	sshll.u32 s8, $0x7;
	s8 =	sshll.u32 s8, $0x5;
	s13 =	sshll.u32 s12, $0x7;
	v19 =	vsel vm5, $0x89, v19;
	v7 =	vsel vm7, $0x4107, v7;
	v21 =	vsel vm10, $0x4304, v21  }
0x6d: {  	s12 =	sshll.u32 s12, $0x5;
	s25 =	sshll.u32 s11, $0x7;
	s11 =	sshll.u32 s11, $0x5;
	v19 =	vsel vm4, $0x10A, v19;
	v20 =	vsel vm7, $0x7, v20;
	v21 =	vsel vm9, $0x4385, v21  }
0x6e: {  	s20 =	simm.s32 $0x80;
	s21 =	simm.s32 $0x100;
	[dreg:$0x5] =	wrdreg s4;
	v7 =	vsel vm6, $0x4188, v7;
	v19 =	vsel vm3, $0x18B, v19;
	v21 =	vsel vm8, $0x6, v21  }
0x6f: {  	[dreg:$0x6] =	wrdreg s23;
	s7 =	sand.u32 $0x1FFFFFE0, s7;
	s10 =	sand.u32 $0x1FFFFFE0, s8;
	v20 =	vsel vm6, $0x88, v20;
	v7 =	vsel vm5, $0x4209, v7;
	v21 =	vsel vm7, $0x87, v21  }
0x70: {  	s6 =	sand.u32 $0x1FFFFF80, s22;
	s9 =	sand.u32 $0x1FFFFF80, s9;
	s13 =	sand.u32 $0x1FFFFF80, s13;
	v19 =	vsel vm0, $0x20C, v19;
	v20 =	vsel vm5, $0x109, v20;
	v21 =	vsel vm6, $0x108, v21  }
0x71: {  	s12 =	sand.u32 $0x1FFFFFE0, s12;
	s16 =	sand.u32 $0x1FFFFFE0, s11;
	s22 =	simm.s32 $0x14710;
	v7 =	vsel vm4, $0x428A, v7;
	v19 =	vsel vm1, $0x28D, v19;
	v21 =	vsel vm5, $0x189, v21  }
0x72: {  	s23 =	simm.s32 $0x1;
	s24 =	sadd.s32 s3, s6;
	s7 =	sadd.s32 s1, s7;
	v20 =	vsel vm4, $0x18A, v20;
	v7 =	vsel vm3, $0x430B, v7;
	v21 =	vsel vm4, $0x20A, v21  }
0x73: {  	s8 =	sadd.s32 s3, s9;
	s9 =	sadd.s32 s1, s10;
	s10 =	sadd.s32 s3, s13;
	v19 =	vsel vm2, $0x30E, v19;
	v20 =	vsel vm3, $0x20B, v20;
	v21 =	vsel vm3, $0x28B, v21  }
0x74: {  	s13 =	sand.u32 $0x1FFFFF80, s25;
	s11 =	sadd.s32 s1, s12;
	s25 =	simm.s32 $0x14F10;
	v7 =	vsel vm0, $0x438C, v7;
	v20 =	vsel vm0, $0x28C, v20;
	v21 =	vsel vm0, $0x30C, v21  }
0x75: {  	[dreg:$0x7] =	wrdreg s24;
	s12 =	sadd.s32 s3, s13;
	s13 =	sadd.s32 s1, s16;
	v7 =	vsel vm1, $0xD, v7;
	v20 =	vsel vm1, $0x30D, v20;
	v21 =	vsel vm1, $0x38D, v21  }
0x76: {  	s16 =	ssub.s32 $0x200, s26;
	s24 =	simm.s32 $0xC710;
	s26 =	simm.s32 $0x2;
	v7 =	vsel vm2, $0x8E, v7;
	v20 =	vsel vm2, $0x38E, v20;
	v21 =	vsel vm2, $0x400E, v21  }
.LBB2_1:
0x77: {  	s0 =	rddreg [dreg:$0x2]  }
0x78: {  	[tilespmem:s2], [sflag:$0x1] =	stream.linear.gather [hbm4b:s0+s2], $0x2710, $0x38;
	[tilespmem:$0x15710] =	vst v63  }
0x79: {  	s5 =	rddreg [dreg:$0x5]  }
0x7a: {  	[tilespmem:s19], [sflag:$0x2] =	stream.strided.gather [hbm4b:s5+s17], $0x8000, s18, s17, $0x38;
	[tilespmem:$0x15710] =	vst v63  }
0x7b: {  	s6 =	rddreg [dreg:$0x6];
	s1 =	simm.s32 $0x200;
	s0 =	simm.s32 $0x0  }
0x7c: {  	[tilespmem:s22], [sflag:$0x2] =	stream.strided.gather [hbm4b:s6+s20], $0x800, s21, s20, $0x38;
	[tilespmem:$0x15710] =	vst v63  }
.LBB2_2:
0x7d: {  	p0 =	sne.s32 s1, $0x7E00;
	[tilespmem:s0+$0x2780] =	vst v0  }
0x7e: {  	[tilespmem:s0+$0x2710] =	vst v0  }
0x7f: {  	[tilespmem:s0+$0x2720] =	vst v0  }
.Ltmp0:
0x80: {  	[tilespmem:s0+$0x2730] =	vst v0;
	(pc) =	sbr.rel @p0 .LBB2_2-.Ltmp0, $4  }
0x81: {  	[tilespmem:s0+$0x2740] =	vst v0  }
0x82: {  	[tilespmem:s0+$0x2750] =	vst v0  }
0x83: {  	[tilespmem:s0+$0x2760] =	vst v0  }
0x84: {  	[tilespmem:s0+$0x2770] =	vst v0;
	s0 =	sshra.s32 s1, $0x2;
	s1 =	sadd.s32 $0x200, s1  }
0x85: {  	[tilespmem:s0+$0x2780] =	vst v0  }
0x86: {  	[tilespmem:s0+$0x2710] =	vst v0  }
0x87: {  	[tilespmem:s0+$0x2720] =	vst v0  }
0x88: {  	[tilespmem:s0+$0x2730] =	vst v0  }
0x89: {  	[tilespmem:s0+$0x2740] =	vst v0  }
0x8a: {  	[tilespmem:s0+$0x2750] =	vst v0  }
0x8b: {  	[tilespmem:s0+$0x2760] =	vst v0  }
0x8c: {  	[tilespmem:s0+$0x2770] =	vst v0  }
0x8d: {  	_ =	swait.ge [sflag:s23], $0x2710  }
0x8e: {  	[sflag:s23] =	ssyncset.done $0x0  }
0x8f: {  	s4 =	rddreg [dreg:$0x7];
	[sflag:s23] =	ssyncadd.s32 $0xFFFFD8F0  }
0x90: {  	[tilespmem:s24], [sflag:$0x3] =	stream.strided.gather [hbm4b:s4+s17], $0x8000, s18, s17, $0x38;
	[tilespmem:$0x15710] =	vst v63  }
0x91: {  	_ = 	snop  }
0x92: {  	[tilespmem:s25], [sflag:$0x3] =	stream.strided.gather [hbm4b:s7+s20], $0x800, s21, s20, $0x38;
	[tilespmem:$0x15710] =	vst v63  }
0x93: {  	_ =	swait.ge [sflag:s26], $0x8000  }
0x94: {  	[sflag:s26] =	ssyncset.done $0x0  }
0x95: {  	[sflag:s26] =	ssyncadd.s32 $0xFFFF8000  }
0x96: {  	s1 =	simm.s32 $0x0;
	s5 =	simm.s32 $0x0;
	_ =	swait.ge [sflag:s26], $0x800  }
0x97: {  	s3 =	sand.u32 $0x70, s1;
	s0 =	sand.u32 $0x3FFFFF80, s5;
	[sflag:s26] =	ssyncset.done $0x0  }
0x98: {  	s0 =	sor.u32 s3, s0;
	[sflag:s26] =	ssyncadd.s32 $0xFFFFF800  }
0x99: {  	v36 =	vld [tilespmem:s0+$0x14710];
	_ =	sdelay $0x7  }
0x9a: {  	v36 =	vld.idx.msk [tilespmem:v36+s2+$0x0], $0xffff;
	_ =	sdelay $0x3  }
0x9b: {  	s6 =	simm.s32 $0x0  }
0x9c: {  	s0 =	sand.u32 $0xFFFFFC00, s6;
	v41 =	vshll.u32 v36, $0x7  }
0x9d: {  	s0 =	sor.u32 s3, s0;
	v36 =	vor.u32 v2, v41  }
0x9e: {  	v37 =	vor.u32 s0, v6  }
0x9f: {  	v38 =	vor.u32 s0, v5  }
0xa0: {  	v39 =	vor.u32 s0, v4  }
0xa1: {  	v40 =	vor.u32 s0, v7  }
0xa2: {  	v49 =	vor.u32 s0, v8;
	[tilespmem:v36+s28+$0x0] =	vst.idx.add.f32.msk $0xffff, v3  }
0xa3: {  	v42 =	vor.u32 s0, v9;
	v37 =	vld.idx.msk [tilespmem:v37+s19+$0x0], $0xffff  }
0xa4: {  	v43 =	vor.u32 s0, v10;
	v38 =	vld.idx.msk [tilespmem:v38+s19+$0x0], $0xffff  }
0xa5: {  	v44 =	vor.u32 s0, v11;
	v39 =	vld.idx.msk [tilespmem:v39+s19+$0x0], $0xffff  }
0xa6: {  	v45 =	vor.u32 v1, v41;
	v40 =	vld.idx.msk [tilespmem:v40+s19+$0x0], $0xffff  }
0xa7: {  	v46 =	vor.u32 v12, v41;
	v36 =	vld.idx.msk [tilespmem:v49+s19+$0x0], $0xffff  }
0xa8: {  	v47 =	vor.u32 v13, v41;
	v42 =	vld.idx.msk [tilespmem:v42+s19+$0x0], $0xffff  }
0xa9: {  	v48 =	vor.u32 v14, v41;
	v43 =	vld.idx.msk [tilespmem:v43+s19+$0x0], $0xffff  }
0xaa: {  	v44 =	vld.idx.msk [tilespmem:v44+s19+$0x0], $0xffff;
	v49 =	vor.u32 v15, v41  }
0xab: {  	v50 =	vor.u32 v16, v41;
	[tilespmem:v45+s28+$0x0] =	vst.idx.add.f32.msk $0xffff, v39  }
0xac: {  	v51 =	vor.u32 v17, v41;
	[tilespmem:v46+s28+$0x0] =	vst.idx.add.f32.msk $0xffff, v38  }
0xad: {  	v52 =	vor.u32 v18, v41;
	[tilespmem:v47+s28+$0x0] =	vst.idx.add.f32.msk $0xffff, v37  }
0xae: {  	v53 =	vor.u32 s0, v21;
	[tilespmem:v48+s28+$0x0] =	vst.idx.add.f32.msk $0xffff, v40  }
0xaf: {  	v54 =	vor.u32 s0, v20;
	[tilespmem:v49+s28+$0x0] =	vst.idx.add.f32.msk $0xffff, v36  }
0xb0: {  	v55 =	vor.u32 s0, v19;
	[tilespmem:v50+s28+$0x0] =	vst.idx.add.f32.msk $0xffff, v42  }
0xb1: {  	v56 =	vor.u32 s0, v22;
	[tilespmem:v51+s28+$0x0] =	vst.idx.add.f32.msk $0xffff, v43  }
0xb2: {  	v57 =	vor.u32 s0, v23;
	[tilespmem:v52+s28+$0x0] =	vst.idx.add.f32.msk $0xffff, v44  }
0xb3: {  	v58 =	vor.u32 s0, v24;
	v46 =	vld.idx.msk [tilespmem:v53+s19+$0x0], $0xffff  }
0xb4: {  	v59 =	vor.u32 s0, v27;
	v43 =	vld.idx.msk [tilespmem:v54+s19+$0x0], $0xffff  }
0xb5: {  	v60 =	vor.u32 s0, v25;
	v42 =	vld.idx.msk [tilespmem:v55+s19+$0x0], $0xffff  }
0xb6: {  	v61 =	vor.u32 v26, v41;
	v39 =	vld.idx.msk [tilespmem:v56+s19+$0x0], $0xffff  }
0xb7: {  	v62 =	vor.u32 v28, v41;
	v37 =	vld.idx.msk [tilespmem:v57+s19+$0x0], $0xffff  }
0xb8: {  	v63 =	vor.u32 v29, v41;
	v38 =	vld.idx.msk [tilespmem:v58+s19+$0x0], $0xffff  }
0xb9: {  	v36 =	vld.idx.msk [tilespmem:v59+s19+$0x0], $0xffff  }
0xba: {  	v45 =	vor.u32 v30, v41;
	v40 =	vld.idx.msk [tilespmem:v60+s19+$0x0], $0xffff  }
0xbb: {  	v44 =	vor.u32 v31, v41;
	[tilespmem:v61+s28+$0x0] =	vst.idx.add.f32.msk $0xffff, v42  }
0xbc: {  	v42 =	vor.u32 v32, v41;
	[tilespmem:v62+s28+$0x0] =	vst.idx.add.f32.msk $0xffff, v43  }
0xbd: {  	s3 =	simm.s32 $0x1;
	v43 =	vor.u32 v33, v41;
	v41 =	vor.u32 v34, v41;
	[tilespmem:v63+s28+$0x0] =	vst.idx.add.f32.msk $0xffff, v46  }
.LBB2_4:
0xbe: {  	p0 =	sne.s32 s3, $0x7F  }
0xbf: {  	[tilespmem:v45+s28+$0x0] =	vst.idx.add.f32.msk $0xffff, v39;
	s1 =	sadd.s32 $0x10, s1;
	s0 =	smov.u32 s3;
	s3 =	sadd.s32 $0x1, s3  }
0xc0: {  	[tilespmem:v44+s28+$0x0] =	vst.idx.add.f32.msk $0xffff, v37  }
0xc1: {  	s4 =	sshll.u32 s0, $0x7;
	s0 =	sshll.u32 s0, $0x4;
	[tilespmem:v42+s28+$0x0] =	vst.idx.add.f32.msk $0xffff, v38  }
0xc2: {  	s5 =	sand.u32 $0x70, s1;
	s4 =	sand.u32 $0xFFFFFC00, s4;
	s6 =	sand.u32 $0x3FFFFF80, s0;
	[tilespmem:v43+s28+$0x0] =	vst.idx.add.f32.msk $0xffff, v40  }
0xc3: {  	s0 =	sor.u32 s5, s4;
	s4 =	sor.u32 s5, s6;
	[tilespmem:v41+s28+$0x0] =	vst.idx.add.f32.msk $0xffff, v36  }
0xc4: {  	v36 =	vld [tilespmem:s4+$0x14710];
	_ =	sdelay $0x7  }
0xc5: {  	v36 =	vld.idx.msk [tilespmem:v36+s2+$0x0], $0xffff;
	_ =	sdelay $0x5  }
0xc6: {  	v41 =	vshll.u32 v36, $0x7  }
0xc7: {  	v36 =	vor.u32 v2, v41  }
0xc8: {  	v37 =	vor.u32 s0, v6  }
0xc9: {  	v38 =	vor.u32 s0, v5  }
0xca: {  	v39 =	vor.u32 s0, v4  }
0xcb: {  	v40 =	vor.u32 s0, v7  }
0xcc: {  	[tilespmem:v36+s28+$0x0] =	vst.idx.add.f32.msk $0xffff, v3;
	v36 =	vor.u32 s0, v8  }
0xcd: {  	v42 =	vor.u32 s0, v9;
	v37 =	vld.idx.msk [tilespmem:v37+s19+$0x0], $0xffff  }
0xce: {  	v43 =	vor.u32 s0, v10;
	v38 =	vld.idx.msk [tilespmem:v38+s19+$0x0], $0xffff  }
0xcf: {  	v44 =	vor.u32 s0, v11;
	v39 =	vld.idx.msk [tilespmem:v39+s19+$0x0], $0xffff  }
0xd0: {  	v45 =	vor.u32 v1, v41;
	v40 =	vld.idx.msk [tilespmem:v40+s19+$0x0], $0xffff  }
0xd1: {  	v46 =	vor.u32 v12, v41;
	v36 =	vld.idx.msk [tilespmem:v36+s19+$0x0], $0xffff  }
0xd2: {  	v47 =	vor.u32 v13, v41;
	v42 =	vld.idx.msk [tilespmem:v42+s19+$0x0], $0xffff  }
0xd3: {  	v48 =	vor.u32 v14, v41;
	v43 =	vld.idx.msk [tilespmem:v43+s19+$0x0], $0xffff  }
0xd4: {  	v49 =	vor.u32 v15, v41;
	v44 =	vld.idx.msk [tilespmem:v44+s19+$0x0], $0xffff  }
0xd5: {  	[tilespmem:v45+s28+$0x0] =	vst.idx.add.f32.msk $0xffff, v39;
	v39 =	vor.u32 v16, v41  }
0xd6: {  	[tilespmem:v46+s28+$0x0] =	vst.idx.add.f32.msk $0xffff, v38;
	v38 =	vor.u32 v17, v41  }
0xd7: {  	[tilespmem:v47+s28+$0x0] =	vst.idx.add.f32.msk $0xffff, v37;
	v37 =	vor.u32 v18, v41  }
0xd8: {  	[tilespmem:v48+s28+$0x0] =	vst.idx.add.f32.msk $0xffff, v40;
	v40 =	vor.u32 s0, v21  }
0xd9: {  	v45 =	vor.u32 s0, v20;
	[tilespmem:v49+s28+$0x0] =	vst.idx.add.f32.msk $0xffff, v36;
	v36 =	vor.u32 s0, v19  }
0xda: {  	[tilespmem:v39+s28+$0x0] =	vst.idx.add.f32.msk $0xffff, v42  }
0xdb: {  	[tilespmem:v38+s28+$0x0] =	vst.idx.add.f32.msk $0xffff, v43;
	v38 =	vor.u32 s0, v22  }
0xdc: {  	[tilespmem:v37+s28+$0x0] =	vst.idx.add.f32.msk $0xffff, v44;
	v37 =	vor.u32 s0, v23  }
0xdd: {  	v46 =	vld.idx.msk [tilespmem:v40+s19+$0x0], $0xffff;
	v40 =	vor.u32 s0, v24  }
0xde: {  	v42 =	vor.u32 s0, v27;
	v47 =	vld.idx.msk [tilespmem:v45+s19+$0x0], $0xffff  }
0xdf: {  	v48 =	vor.u32 s0, v25;
	v49 =	vor.u32 v26, v41;
	v43 =	vld.idx.msk [tilespmem:v36+s19+$0x0], $0xffff  }
0xe0: {  	v50 =	vor.u32 v28, v41;
	v39 =	vld.idx.msk [tilespmem:v38+s19+$0x0], $0xffff  }
0xe1: {  	v51 =	vor.u32 v29, v41;
	v37 =	vld.idx.msk [tilespmem:v37+s19+$0x0], $0xffff  }
0xe2: {  	v45 =	vor.u32 v30, v41;
	v38 =	vld.idx.msk [tilespmem:v40+s19+$0x0], $0xffff  }
.Ltmp1:
0xe3: {  	v44 =	vor.u32 v31, v41;
	v36 =	vld.idx.msk [tilespmem:v42+s19+$0x0], $0xffff;
	(pc) =	sbr.rel @p0 .LBB2_4-.Ltmp1, $4  }
0xe4: {  	v42 =	vor.u32 v32, v41;
	v40 =	vld.idx.msk [tilespmem:v48+s19+$0x0], $0xffff  }
0xe5: {  	[tilespmem:v49+s28+$0x0] =	vst.idx.add.f32.msk $0xffff, v43;
	v43 =	vor.u32 v33, v41  }
0xe6: {  	v41 =	vor.u32 v34, v41;
	[tilespmem:v50+s28+$0x0] =	vst.idx.add.f32.msk $0xffff, v47  }
0xe7: {  	[tilespmem:v51+s28+$0x0] =	vst.idx.add.f32.msk $0xffff, v46  }
0xe8: {  	_ =	sdelay $0x3  }
0xe9: {  	[tilespmem:v45+s28+$0x0] =	vst.idx.add.f32.msk $0xffff, v39  }
0xea: {  	[tilespmem:v44+s28+$0x0] =	vst.idx.add.f32.msk $0xffff, v37  }
0xeb: {  	[tilespmem:v42+s28+$0x0] =	vst.idx.add.f32.msk $0xffff, v38  }
0xec: {  	[tilespmem:v43+s28+$0x0] =	vst.idx.add.f32.msk $0xffff, v40  }
0xed: {  	[tilespmem:v41+s28+$0x0] =	vst.idx.add.f32.msk $0xffff, v36  }
0xee: {  	[tilespmem:s19], [sflag:$0x2] =	stream.strided.gather [hbm4b:s8+s17], $0x8000, s18, s17, $0x38;
	[tilespmem:$0x15710] =	vst v63  }
0xef: {  	_ = 	snop  }
0xf0: {  	[tilespmem:s22], [sflag:$0x2] =	stream.strided.gather [hbm4b:s9+s20], $0x800, s21, s20, $0x38;
	[tilespmem:$0x15710] =	vst v63  }
0xf1: {  	_ =	swait.ge [sflag:s29], $0x8000  }
0xf2: {  	[sflag:s29] =	ssyncset.done $0x0  }
0xf3: {  	[sflag:s29] =	ssyncadd.s32 $0xFFFF8000  }
0xf4: {  	s1 =	simm.s32 $0x0;
	s0 =	simm.s32 $0x0;
	_ =	swait.ge [sflag:s29], $0x800  }
0xf5: {  	s3 =	sand.u32 $0x70, s1;
	s0 =	sand.u32 $0x3FFFFF80, s0;
	[sflag:s29] =	ssyncset.done $0x0  }
0xf6: {  	s0 =	sor.u32 s3, s0;
	[sflag:s29] =	ssyncadd.s32 $0xFFFFF800  }
0xf7: {  	v54 =	vld [tilespmem:s0+$0x14F10];
	_ =	sdelay $0x7  }
0xf8: {  	v36 =	vld.idx.msk [tilespmem:v54+s2+$0x0], $0xffff;
	_ =	sdelay $0x3  }
0xf9: {  	s6 =	simm.s32 $0x0  }
0xfa: {  	s0 =	sand.u32 $0xFFFFFC00, s6;
	v41 =	vshll.u32 v36, $0x7  }
0xfb: {  	s0 =	sor.u32 s3, s0;
	v36 =	vor.u32 v2, v41  }
0xfc: {  	v55 =	vor.u32 s0, v6  }
0xfd: {  	v56 =	vor.u32 s0, v5  }
0xfe: {  	v57 =	vor.u32 s0, v4  }
0xff: {  	v58 =	vor.u32 s0, v7  }
0x100: {  	v59 =	vor.u32 s0, v8;
	[tilespmem:v36+s28+$0x0] =	vst.idx.add.f32.msk $0xffff, v3  }
0x101: {  	v60 =	vor.u32 s0, v9;
	v37 =	vld.idx.msk [tilespmem:v55+s24+$0x0], $0xffff  }
0x102: {  	v61 =	vor.u32 s0, v10;
	v38 =	vld.idx.msk [tilespmem:v56+s24+$0x0], $0xffff  }
0x103: {  	v62 =	vor.u32 s0, v11;
	v39 =	vld.idx.msk [tilespmem:v57+s24+$0x0], $0xffff  }
0x104: {  	v63 =	vor.u32 v1, v41;
	v40 =	vld.idx.msk [tilespmem:v58+s24+$0x0], $0xffff  }
0x105: {  	v46 =	vor.u32 v12, v41;
	v36 =	vld.idx.msk [tilespmem:v59+s24+$0x0], $0xffff  }
0x106: {  	v47 =	vor.u32 v13, v41;
	v42 =	vld.idx.msk [tilespmem:v60+s24+$0x0], $0xffff  }
0x107: {  	v48 =	vor.u32 v14, v41;
	v43 =	vld.idx.msk [tilespmem:v61+s24+$0x0], $0xffff  }
0x108: {  	v49 =	vor.u32 v15, v41;
	v44 =	vld.idx.msk [tilespmem:v62+s24+$0x0], $0xffff  }
0x109: {  	v50 =	vor.u32 v16, v41;
	[tilespmem:v63+s28+$0x0] =	vst.idx.add.f32.msk $0xffff, v39  }
0x10a: {  	v51 =	vor.u32 v17, v41;
	[tilespmem:v46+s28+$0x0] =	vst.idx.add.f32.msk $0xffff, v38  }
0x10b: {  	v52 =	vor.u32 v18, v41;
	[tilespmem:v47+s28+$0x0] =	vst.idx.add.f32.msk $0xffff, v37  }
0x10c: {  	v53 =	vor.u32 s0, v21;
	[tilespmem:v48+s28+$0x0] =	vst.idx.add.f32.msk $0xffff, v40  }
0x10d: {  	v54 =	vor.u32 s0, v20;
	[tilespmem:v49+s28+$0x0] =	vst.idx.add.f32.msk $0xffff, v36  }
0x10e: {  	v55 =	vor.u32 s0, v19;
	[tilespmem:v50+s28+$0x0] =	vst.idx.add.f32.msk $0xffff, v42  }
0x10f: {  	v56 =	vor.u32 s0, v22;
	[tilespmem:v51+s28+$0x0] =	vst.idx.add.f32.msk $0xffff, v43  }
0x110: {  	v57 =	vor.u32 s0, v23;
	[tilespmem:v52+s28+$0x0] =	vst.idx.add.f32.msk $0xffff, v44  }
0x111: {  	v58 =	vor.u32 s0, v24;
	v46 =	vld.idx.msk [tilespmem:v53+s24+$0x0], $0xffff  }
0x112: {  	v59 =	vor.u32 s0, v27;
	v43 =	vld.idx.msk [tilespmem:v54+s24+$0x0], $0xffff  }
0x113: {  	v60 =	vor.u32 s0, v25;
	v42 =	vld.idx.msk [tilespmem:v55+s24+$0x0], $0xffff  }
0x114: {  	v61 =	vor.u32 v26, v41;
	v39 =	vld.idx.msk [tilespmem:v56+s24+$0x0], $0xffff  }
0x115: {  	v62 =	vor.u32 v28, v41;
	v37 =	vld.idx.msk [tilespmem:v57+s24+$0x0], $0xffff  }
0x116: {  	v63 =	vor.u32 v29, v41;
	v38 =	vld.idx.msk [tilespmem:v58+s24+$0x0], $0xffff  }
0x117: {  	v36 =	vld.idx.msk [tilespmem:v59+s24+$0x0], $0xffff  }
0x118: {  	v45 =	vor.u32 v30, v41;
	v40 =	vld.idx.msk [tilespmem:v60+s24+$0x0], $0xffff  }
0x119: {  	v44 =	vor.u32 v31, v41;
	[tilespmem:v61+s28+$0x0] =	vst.idx.add.f32.msk $0xffff, v42  }
0x11a: {  	v42 =	vor.u32 v32, v41;
	[tilespmem:v62+s28+$0x0] =	vst.idx.add.f32.msk $0xffff, v43  }
0x11b: {  	s3 =	simm.s32 $0x1;
	v43 =	vor.u32 v33, v41;
	v41 =	vor.u32 v34, v41;
	[tilespmem:v63+s28+$0x0] =	vst.idx.add.f32.msk $0xffff, v46  }
.LBB2_6:
0x11c: {  	p0 =	sne.s32 s3, $0x7F  }
0x11d: {  	[tilespmem:v45+s28+$0x0] =	vst.idx.add.f32.msk $0xffff, v39;
	s1 =	sadd.s32 $0x10, s1;
	s0 =	smov.u32 s3;
	s3 =	sadd.s32 $0x1, s3  }
0x11e: {  	[tilespmem:v44+s28+$0x0] =	vst.idx.add.f32.msk $0xffff, v37  }
0x11f: {  	s4 =	sshll.u32 s0, $0x7;
	s0 =	sshll.u32 s0, $0x4;
	[tilespmem:v42+s28+$0x0] =	vst.idx.add.f32.msk $0xffff, v38  }
0x120: {  	s5 =	sand.u32 $0x70, s1;
	s4 =	sand.u32 $0xFFFFFC00, s4;
	s6 =	sand.u32 $0x3FFFFF80, s0;
	[tilespmem:v43+s28+$0x0] =	vst.idx.add.f32.msk $0xffff, v40  }
0x121: {  	s0 =	sor.u32 s5, s4;
	s4 =	sor.u32 s5, s6;
	[tilespmem:v41+s28+$0x0] =	vst.idx.add.f32.msk $0xffff, v36  }
0x122: {  	v36 =	vld [tilespmem:s4+$0x14F10];
	_ =	sdelay $0x7  }
0x123: {  	v36 =	vld.idx.msk [tilespmem:v36+s2+$0x0], $0xffff;
	_ =	sdelay $0x5  }
0x124: {  	v41 =	vshll.u32 v36, $0x7  }
0x125: {  	v36 =	vor.u32 v2, v41  }
0x126: {  	v37 =	vor.u32 s0, v6  }
0x127: {  	v38 =	vor.u32 s0, v5  }
0x128: {  	v39 =	vor.u32 s0, v4  }
0x129: {  	v40 =	vor.u32 s0, v7  }
0x12a: {  	[tilespmem:v36+s28+$0x0] =	vst.idx.add.f32.msk $0xffff, v3;
	v36 =	vor.u32 s0, v8  }
0x12b: {  	v42 =	vor.u32 s0, v9;
	v37 =	vld.idx.msk [tilespmem:v37+s24+$0x0], $0xffff  }
0x12c: {  	v43 =	vor.u32 s0, v10;
	v38 =	vld.idx.msk [tilespmem:v38+s24+$0x0], $0xffff  }
0x12d: {  	v44 =	vor.u32 s0, v11;
	v39 =	vld.idx.msk [tilespmem:v39+s24+$0x0], $0xffff  }
0x12e: {  	v45 =	vor.u32 v1, v41;
	v40 =	vld.idx.msk [tilespmem:v40+s24+$0x0], $0xffff  }
0x12f: {  	v46 =	vor.u32 v12, v41;
	v36 =	vld.idx.msk [tilespmem:v36+s24+$0x0], $0xffff  }
0x130: {  	v47 =	vor.u32 v13, v41;
	v42 =	vld.idx.msk [tilespmem:v42+s24+$0x0], $0xffff  }
0x131: {  	v48 =	vor.u32 v14, v41;
	v43 =	vld.idx.msk [tilespmem:v43+s24+$0x0], $0xffff  }
0x132: {  	v49 =	vor.u32 v15, v41;
	v44 =	vld.idx.msk [tilespmem:v44+s24+$0x0], $0xffff  }
0x133: {  	[tilespmem:v45+s28+$0x0] =	vst.idx.add.f32.msk $0xffff, v39;
	v39 =	vor.u32 v16, v41  }
0x134: {  	[tilespmem:v46+s28+$0x0] =	vst.idx.add.f32.msk $0xffff, v38;
	v38 =	vor.u32 v17, v41  }
0x135: {  	[tilespmem:v47+s28+$0x0] =	vst.idx.add.f32.msk $0xffff, v37;
	v37 =	vor.u32 v18, v41  }
0x136: {  	[tilespmem:v48+s28+$0x0] =	vst.idx.add.f32.msk $0xffff, v40;
	v40 =	vor.u32 s0, v21  }
0x137: {  	v45 =	vor.u32 s0, v20;
	[tilespmem:v49+s28+$0x0] =	vst.idx.add.f32.msk $0xffff, v36;
	v36 =	vor.u32 s0, v19  }
0x138: {  	[tilespmem:v39+s28+$0x0] =	vst.idx.add.f32.msk $0xffff, v42  }
0x139: {  	[tilespmem:v38+s28+$0x0] =	vst.idx.add.f32.msk $0xffff, v43;
	v38 =	vor.u32 s0, v22  }
0x13a: {  	[tilespmem:v37+s28+$0x0] =	vst.idx.add.f32.msk $0xffff, v44;
	v37 =	vor.u32 s0, v23  }
0x13b: {  	v46 =	vld.idx.msk [tilespmem:v40+s24+$0x0], $0xffff;
	v40 =	vor.u32 s0, v24  }
0x13c: {  	v42 =	vor.u32 s0, v27;
	v47 =	vld.idx.msk [tilespmem:v45+s24+$0x0], $0xffff  }
0x13d: {  	v48 =	vor.u32 s0, v25;
	v49 =	vor.u32 v26, v41;
	v43 =	vld.idx.msk [tilespmem:v36+s24+$0x0], $0xffff  }
0x13e: {  	v50 =	vor.u32 v28, v41;
	v39 =	vld.idx.msk [tilespmem:v38+s24+$0x0], $0xffff  }
0x13f: {  	v51 =	vor.u32 v29, v41;
	v37 =	vld.idx.msk [tilespmem:v37+s24+$0x0], $0xffff  }
0x140: {  	v45 =	vor.u32 v30, v41;
	v38 =	vld.idx.msk [tilespmem:v40+s24+$0x0], $0xffff  }
.Ltmp2:
0x141: {  	v44 =	vor.u32 v31, v41;
	v36 =	vld.idx.msk [tilespmem:v42+s24+$0x0], $0xffff;
	(pc) =	sbr.rel @p0 .LBB2_6-.Ltmp2, $4  }
0x142: {  	v42 =	vor.u32 v32, v41;
	v40 =	vld.idx.msk [tilespmem:v48+s24+$0x0], $0xffff  }
0x143: {  	[tilespmem:v49+s28+$0x0] =	vst.idx.add.f32.msk $0xffff, v43;
	v43 =	vor.u32 v33, v41  }
0x144: {  	v41 =	vor.u32 v34, v41;
	[tilespmem:v50+s28+$0x0] =	vst.idx.add.f32.msk $0xffff, v47  }
0x145: {  	[tilespmem:v51+s28+$0x0] =	vst.idx.add.f32.msk $0xffff, v46  }
0x146: {  	_ =	sdelay $0x3  }
0x147: {  	[tilespmem:v45+s28+$0x0] =	vst.idx.add.f32.msk $0xffff, v39  }
0x148: {  	[tilespmem:v44+s28+$0x0] =	vst.idx.add.f32.msk $0xffff, v37  }
0x149: {  	[tilespmem:v42+s28+$0x0] =	vst.idx.add.f32.msk $0xffff, v38  }
0x14a: {  	[tilespmem:v43+s28+$0x0] =	vst.idx.add.f32.msk $0xffff, v40  }
0x14b: {  	[tilespmem:v41+s28+$0x0] =	vst.idx.add.f32.msk $0xffff, v36  }
0x14c: {  	[tilespmem:s24], [sflag:$0x3] =	stream.strided.gather [hbm4b:s10+s17], $0x8000, s18, s17, $0x38;
	[tilespmem:$0x15710] =	vst v63  }
0x14d: {  	_ = 	snop  }
0x14e: {  	[tilespmem:s25], [sflag:$0x3] =	stream.strided.gather [hbm4b:s11+s20], $0x800, s21, s20, $0x38;
	[tilespmem:$0x15710] =	vst v63  }
0x14f: {  	_ =	swait.ge [sflag:s26], $0x8000  }
0x150: {  	[sflag:s26] =	ssyncset.done $0x0  }
0x151: {  	[sflag:s26] =	ssyncadd.s32 $0xFFFF8000  }
0x152: {  	s1 =	simm.s32 $0x0;
	s0 =	simm.s32 $0x0;
	_ =	swait.ge [sflag:s26], $0x800  }
0x153: {  	s3 =	sand.u32 $0x70, s1;
	s0 =	sand.u32 $0x3FFFFF80, s0;
	[sflag:s26] =	ssyncset.done $0x0  }
0x154: {  	s0 =	sor.u32 s3, s0;
	[sflag:s26] =	ssyncadd.s32 $0xFFFFF800  }
0x155: {  	v54 =	vld [tilespmem:s0+$0x14710];
	_ =	sdelay $0x7  }
0x156: {  	v36 =	vld.idx.msk [tilespmem:v54+s2+$0x0], $0xffff;
	_ =	sdelay $0x3  }
0x157: {  	s6 =	simm.s32 $0x0  }
0x158: {  	s0 =	sand.u32 $0xFFFFFC00, s6;
	v41 =	vshll.u32 v36, $0x7  }
0x159: {  	s0 =	sor.u32 s3, s0;
	v36 =	vor.u32 v2, v41  }
0x15a: {  	v55 =	vor.u32 s0, v6  }
0x15b: {  	v56 =	vor.u32 s0, v5  }
0x15c: {  	v57 =	vor.u32 s0, v4  }
0x15d: {  	v58 =	vor.u32 s0, v7  }
0x15e: {  	v59 =	vor.u32 s0, v8;
	[tilespmem:v36+s28+$0x0] =	vst.idx.add.f32.msk $0xffff, v3  }
0x15f: {  	v60 =	vor.u32 s0, v9;
	v37 =	vld.idx.msk [tilespmem:v55+s19+$0x0], $0xffff  }
0x160: {  	v61 =	vor.u32 s0, v10;
	v38 =	vld.idx.msk [tilespmem:v56+s19+$0x0], $0xffff  }
0x161: {  	v62 =	vor.u32 s0, v11;
	v39 =	vld.idx.msk [tilespmem:v57+s19+$0x0], $0xffff  }
0x162: {  	v63 =	vor.u32 v1, v41;
	v40 =	vld.idx.msk [tilespmem:v58+s19+$0x0], $0xffff  }
0x163: {  	v46 =	vor.u32 v12, v41;
	v36 =	vld.idx.msk [tilespmem:v59+s19+$0x0], $0xffff  }
0x164: {  	v47 =	vor.u32 v13, v41;
	v42 =	vld.idx.msk [tilespmem:v60+s19+$0x0], $0xffff  }
0x165: {  	v48 =	vor.u32 v14, v41;
	v43 =	vld.idx.msk [tilespmem:v61+s19+$0x0], $0xffff  }
0x166: {  	v49 =	vor.u32 v15, v41;
	v44 =	vld.idx.msk [tilespmem:v62+s19+$0x0], $0xffff  }
0x167: {  	v50 =	vor.u32 v16, v41;
	[tilespmem:v63+s28+$0x0] =	vst.idx.add.f32.msk $0xffff, v39  }
0x168: {  	v51 =	vor.u32 v17, v41;
	[tilespmem:v46+s28+$0x0] =	vst.idx.add.f32.msk $0xffff, v38  }
0x169: {  	v52 =	vor.u32 v18, v41;
	[tilespmem:v47+s28+$0x0] =	vst.idx.add.f32.msk $0xffff, v37  }
0x16a: {  	v53 =	vor.u32 s0, v21;
	[tilespmem:v48+s28+$0x0] =	vst.idx.add.f32.msk $0xffff, v40  }
0x16b: {  	v54 =	vor.u32 s0, v20;
	[tilespmem:v49+s28+$0x0] =	vst.idx.add.f32.msk $0xffff, v36  }
0x16c: {  	v55 =	vor.u32 s0, v19;
	[tilespmem:v50+s28+$0x0] =	vst.idx.add.f32.msk $0xffff, v42  }
0x16d: {  	v56 =	vor.u32 s0, v22;
	[tilespmem:v51+s28+$0x0] =	vst.idx.add.f32.msk $0xffff, v43  }
0x16e: {  	v57 =	vor.u32 s0, v23;
	[tilespmem:v52+s28+$0x0] =	vst.idx.add.f32.msk $0xffff, v44  }
0x16f: {  	v58 =	vor.u32 s0, v24;
	v46 =	vld.idx.msk [tilespmem:v53+s19+$0x0], $0xffff  }
0x170: {  	v59 =	vor.u32 s0, v27;
	v43 =	vld.idx.msk [tilespmem:v54+s19+$0x0], $0xffff  }
0x171: {  	v60 =	vor.u32 s0, v25;
	v42 =	vld.idx.msk [tilespmem:v55+s19+$0x0], $0xffff  }
0x172: {  	v61 =	vor.u32 v26, v41;
	v39 =	vld.idx.msk [tilespmem:v56+s19+$0x0], $0xffff  }
0x173: {  	v62 =	vor.u32 v28, v41;
	v37 =	vld.idx.msk [tilespmem:v57+s19+$0x0], $0xffff  }
0x174: {  	v63 =	vor.u32 v29, v41;
	v38 =	vld.idx.msk [tilespmem:v58+s19+$0x0], $0xffff  }
0x175: {  	v36 =	vld.idx.msk [tilespmem:v59+s19+$0x0], $0xffff  }
0x176: {  	v45 =	vor.u32 v30, v41;
	v40 =	vld.idx.msk [tilespmem:v60+s19+$0x0], $0xffff  }
0x177: {  	v44 =	vor.u32 v31, v41;
	[tilespmem:v61+s28+$0x0] =	vst.idx.add.f32.msk $0xffff, v42  }
0x178: {  	v42 =	vor.u32 v32, v41;
	[tilespmem:v62+s28+$0x0] =	vst.idx.add.f32.msk $0xffff, v43  }
0x179: {  	s3 =	simm.s32 $0x1;
	v43 =	vor.u32 v33, v41;
	v41 =	vor.u32 v34, v41;
	[tilespmem:v63+s28+$0x0] =	vst.idx.add.f32.msk $0xffff, v46  }
.LBB2_8:
0x17a: {  	p0 =	sne.s32 s3, $0x7F  }
0x17b: {  	[tilespmem:v45+s28+$0x0] =	vst.idx.add.f32.msk $0xffff, v39;
	s1 =	sadd.s32 $0x10, s1;
	s0 =	smov.u32 s3;
	s3 =	sadd.s32 $0x1, s3  }
0x17c: {  	[tilespmem:v44+s28+$0x0] =	vst.idx.add.f32.msk $0xffff, v37  }
0x17d: {  	s4 =	sshll.u32 s0, $0x7;
	s0 =	sshll.u32 s0, $0x4;
	[tilespmem:v42+s28+$0x0] =	vst.idx.add.f32.msk $0xffff, v38  }
0x17e: {  	s5 =	sand.u32 $0x70, s1;
	s4 =	sand.u32 $0xFFFFFC00, s4;
	s6 =	sand.u32 $0x3FFFFF80, s0;
	[tilespmem:v43+s28+$0x0] =	vst.idx.add.f32.msk $0xffff, v40  }
0x17f: {  	s0 =	sor.u32 s5, s4;
	s4 =	sor.u32 s5, s6;
	[tilespmem:v41+s28+$0x0] =	vst.idx.add.f32.msk $0xffff, v36  }
0x180: {  	v36 =	vld [tilespmem:s4+$0x14710];
	_ =	sdelay $0x7  }
0x181: {  	v36 =	vld.idx.msk [tilespmem:v36+s2+$0x0], $0xffff;
	_ =	sdelay $0x5  }
0x182: {  	v41 =	vshll.u32 v36, $0x7  }
0x183: {  	v36 =	vor.u32 v2, v41  }
0x184: {  	v37 =	vor.u32 s0, v6  }
0x185: {  	v38 =	vor.u32 s0, v5  }
0x186: {  	v39 =	vor.u32 s0, v4  }
0x187: {  	v40 =	vor.u32 s0, v7  }
0x188: {  	[tilespmem:v36+s28+$0x0] =	vst.idx.add.f32.msk $0xffff, v3;
	v36 =	vor.u32 s0, v8  }
0x189: {  	v42 =	vor.u32 s0, v9;
	v37 =	vld.idx.msk [tilespmem:v37+s19+$0x0], $0xffff  }
0x18a: {  	v43 =	vor.u32 s0, v10;
	v38 =	vld.idx.msk [tilespmem:v38+s19+$0x0], $0xffff  }
0x18b: {  	v44 =	vor.u32 s0, v11;
	v39 =	vld.idx.msk [tilespmem:v39+s19+$0x0], $0xffff  }
0x18c: {  	v45 =	vor.u32 v1, v41;
	v40 =	vld.idx.msk [tilespmem:v40+s19+$0x0], $0xffff  }
0x18d: {  	v46 =	vor.u32 v12, v41;
	v36 =	vld.idx.msk [tilespmem:v36+s19+$0x0], $0xffff  }
0x18e: {  	v47 =	vor.u32 v13, v41;
	v42 =	vld.idx.msk [tilespmem:v42+s19+$0x0], $0xffff  }
0x18f: {  	v48 =	vor.u32 v14, v41;
	v43 =	vld.idx.msk [tilespmem:v43+s19+$0x0], $0xffff  }
0x190: {  	v49 =	vor.u32 v15, v41;
	v44 =	vld.idx.msk [tilespmem:v44+s19+$0x0], $0xffff  }
0x191: {  	[tilespmem:v45+s28+$0x0] =	vst.idx.add.f32.msk $0xffff, v39;
	v39 =	vor.u32 v16, v41  }
0x192: {  	[tilespmem:v46+s28+$0x0] =	vst.idx.add.f32.msk $0xffff, v38;
	v38 =	vor.u32 v17, v41  }
0x193: {  	[tilespmem:v47+s28+$0x0] =	vst.idx.add.f32.msk $0xffff, v37;
	v37 =	vor.u32 v18, v41  }
0x194: {  	[tilespmem:v48+s28+$0x0] =	vst.idx.add.f32.msk $0xffff, v40;
	v40 =	vor.u32 s0, v21  }
0x195: {  	v45 =	vor.u32 s0, v20;
	[tilespmem:v49+s28+$0x0] =	vst.idx.add.f32.msk $0xffff, v36;
	v36 =	vor.u32 s0, v19  }
0x196: {  	[tilespmem:v39+s28+$0x0] =	vst.idx.add.f32.msk $0xffff, v42  }
0x197: {  	[tilespmem:v38+s28+$0x0] =	vst.idx.add.f32.msk $0xffff, v43;
	v38 =	vor.u32 s0, v22  }
0x198: {  	[tilespmem:v37+s28+$0x0] =	vst.idx.add.f32.msk $0xffff, v44;
	v37 =	vor.u32 s0, v23  }
0x199: {  	v46 =	vld.idx.msk [tilespmem:v40+s19+$0x0], $0xffff;
	v40 =	vor.u32 s0, v24  }
0x19a: {  	v42 =	vor.u32 s0, v27;
	v47 =	vld.idx.msk [tilespmem:v45+s19+$0x0], $0xffff  }
0x19b: {  	v48 =	vor.u32 s0, v25;
	v49 =	vor.u32 v26, v41;
	v43 =	vld.idx.msk [tilespmem:v36+s19+$0x0], $0xffff  }
0x19c: {  	v50 =	vor.u32 v28, v41;
	v39 =	vld.idx.msk [tilespmem:v38+s19+$0x0], $0xffff  }
0x19d: {  	v51 =	vor.u32 v29, v41;
	v37 =	vld.idx.msk [tilespmem:v37+s19+$0x0], $0xffff  }
0x19e: {  	v45 =	vor.u32 v30, v41;
	v38 =	vld.idx.msk [tilespmem:v40+s19+$0x0], $0xffff  }
.Ltmp3:
0x19f: {  	v44 =	vor.u32 v31, v41;
	v36 =	vld.idx.msk [tilespmem:v42+s19+$0x0], $0xffff;
	(pc) =	sbr.rel @p0 .LBB2_8-.Ltmp3, $4  }
0x1a0: {  	v42 =	vor.u32 v32, v41;
	v40 =	vld.idx.msk [tilespmem:v48+s19+$0x0], $0xffff  }
0x1a1: {  	[tilespmem:v49+s28+$0x0] =	vst.idx.add.f32.msk $0xffff, v43;
	v43 =	vor.u32 v33, v41  }
0x1a2: {  	v41 =	vor.u32 v34, v41;
	[tilespmem:v50+s28+$0x0] =	vst.idx.add.f32.msk $0xffff, v47  }
0x1a3: {  	[tilespmem:v51+s28+$0x0] =	vst.idx.add.f32.msk $0xffff, v46  }
0x1a4: {  	_ =	sdelay $0x3  }
0x1a5: {  	[tilespmem:v45+s28+$0x0] =	vst.idx.add.f32.msk $0xffff, v39  }
0x1a6: {  	[tilespmem:v44+s28+$0x0] =	vst.idx.add.f32.msk $0xffff, v37  }
0x1a7: {  	[tilespmem:v42+s28+$0x0] =	vst.idx.add.f32.msk $0xffff, v38  }
0x1a8: {  	[tilespmem:v43+s28+$0x0] =	vst.idx.add.f32.msk $0xffff, v40  }
0x1a9: {  	[tilespmem:v41+s28+$0x0] =	vst.idx.add.f32.msk $0xffff, v36  }
0x1aa: {  	[tilespmem:s19], [sflag:$0x2] =	stream.strided.gather [hbm4b:s12+s17], $0x8000, s18, s17, $0x38;
	[tilespmem:$0x15710] =	vst v63  }
0x1ab: {  	_ = 	snop  }
0x1ac: {  	[tilespmem:s22], [sflag:$0x2] =	stream.strided.gather [hbm4b:s13+s20], $0x800, s21, s20, $0x38;
	[tilespmem:$0x15710] =	vst v63  }
0x1ad: {  	_ =	swait.ge [sflag:s29], $0x8000  }
0x1ae: {  	[sflag:s29] =	ssyncset.done $0x0  }
0x1af: {  	[sflag:s29] =	ssyncadd.s32 $0xFFFF8000  }
0x1b0: {  	s1 =	simm.s32 $0x0;
	s0 =	simm.s32 $0x0;
	_ =	swait.ge [sflag:s29], $0x800  }
0x1b1: {  	s3 =	sand.u32 $0x70, s1;
	s0 =	sand.u32 $0x3FFFFF80, s0;
	[sflag:s29] =	ssyncset.done $0x0  }
0x1b2: {  	s0 =	sor.u32 s3, s0;
	[sflag:s29] =	ssyncadd.s32 $0xFFFFF800  }
0x1b3: {  	v54 =	vld [tilespmem:s0+$0x14F10];
	_ =	sdelay $0x7  }
0x1b4: {  	v36 =	vld.idx.msk [tilespmem:v54+s2+$0x0], $0xffff;
	_ =	sdelay $0x3  }
0x1b5: {  	s6 =	simm.s32 $0x0  }
0x1b6: {  	s0 =	sand.u32 $0xFFFFFC00, s6;
	v41 =	vshll.u32 v36, $0x7  }
0x1b7: {  	s0 =	sor.u32 s3, s0;
	v36 =	vor.u32 v2, v41  }
0x1b8: {  	v55 =	vor.u32 s0, v6  }
0x1b9: {  	v56 =	vor.u32 s0, v5  }
0x1ba: {  	v57 =	vor.u32 s0, v4  }
0x1bb: {  	v58 =	vor.u32 s0, v7  }
0x1bc: {  	v59 =	vor.u32 s0, v8;
	[tilespmem:v36+s28+$0x0] =	vst.idx.add.f32.msk $0xffff, v3  }
0x1bd: {  	v60 =	vor.u32 s0, v9;
	v37 =	vld.idx.msk [tilespmem:v55+s24+$0x0], $0xffff  }
0x1be: {  	v61 =	vor.u32 s0, v10;
	v38 =	vld.idx.msk [tilespmem:v56+s24+$0x0], $0xffff  }
0x1bf: {  	v62 =	vor.u32 s0, v11;
	v39 =	vld.idx.msk [tilespmem:v57+s24+$0x0], $0xffff  }
0x1c0: {  	v63 =	vor.u32 v1, v41;
	v40 =	vld.idx.msk [tilespmem:v58+s24+$0x0], $0xffff  }
0x1c1: {  	v46 =	vor.u32 v12, v41;
	v36 =	vld.idx.msk [tilespmem:v59+s24+$0x0], $0xffff  }
0x1c2: {  	v47 =	vor.u32 v13, v41;
	v42 =	vld.idx.msk [tilespmem:v60+s24+$0x0], $0xffff  }
0x1c3: {  	v48 =	vor.u32 v14, v41;
	v43 =	vld.idx.msk [tilespmem:v61+s24+$0x0], $0xffff  }
0x1c4: {  	v49 =	vor.u32 v15, v41;
	v44 =	vld.idx.msk [tilespmem:v62+s24+$0x0], $0xffff  }
0x1c5: {  	v50 =	vor.u32 v16, v41;
	[tilespmem:v63+s28+$0x0] =	vst.idx.add.f32.msk $0xffff, v39  }
0x1c6: {  	v51 =	vor.u32 v17, v41;
	[tilespmem:v46+s28+$0x0] =	vst.idx.add.f32.msk $0xffff, v38  }
0x1c7: {  	v52 =	vor.u32 v18, v41;
	[tilespmem:v47+s28+$0x0] =	vst.idx.add.f32.msk $0xffff, v37  }
0x1c8: {  	v53 =	vor.u32 s0, v21;
	[tilespmem:v48+s28+$0x0] =	vst.idx.add.f32.msk $0xffff, v40  }
0x1c9: {  	v54 =	vor.u32 s0, v20;
	[tilespmem:v49+s28+$0x0] =	vst.idx.add.f32.msk $0xffff, v36  }
0x1ca: {  	v55 =	vor.u32 s0, v19;
	[tilespmem:v50+s28+$0x0] =	vst.idx.add.f32.msk $0xffff, v42  }
0x1cb: {  	v56 =	vor.u32 s0, v22;
	[tilespmem:v51+s28+$0x0] =	vst.idx.add.f32.msk $0xffff, v43  }
0x1cc: {  	v57 =	vor.u32 s0, v23;
	[tilespmem:v52+s28+$0x0] =	vst.idx.add.f32.msk $0xffff, v44  }
0x1cd: {  	v58 =	vor.u32 s0, v24;
	v46 =	vld.idx.msk [tilespmem:v53+s24+$0x0], $0xffff  }
0x1ce: {  	v59 =	vor.u32 s0, v27;
	v43 =	vld.idx.msk [tilespmem:v54+s24+$0x0], $0xffff  }
0x1cf: {  	v60 =	vor.u32 s0, v25;
	v42 =	vld.idx.msk [tilespmem:v55+s24+$0x0], $0xffff  }
0x1d0: {  	v61 =	vor.u32 v26, v41;
	v39 =	vld.idx.msk [tilespmem:v56+s24+$0x0], $0xffff  }
0x1d1: {  	v62 =	vor.u32 v28, v41;
	v37 =	vld.idx.msk [tilespmem:v57+s24+$0x0], $0xffff  }
0x1d2: {  	v63 =	vor.u32 v29, v41;
	v38 =	vld.idx.msk [tilespmem:v58+s24+$0x0], $0xffff  }
0x1d3: {  	v36 =	vld.idx.msk [tilespmem:v59+s24+$0x0], $0xffff  }
0x1d4: {  	v45 =	vor.u32 v30, v41;
	v40 =	vld.idx.msk [tilespmem:v60+s24+$0x0], $0xffff  }
0x1d5: {  	v44 =	vor.u32 v31, v41;
	[tilespmem:v61+s28+$0x0] =	vst.idx.add.f32.msk $0xffff, v42  }
0x1d6: {  	v42 =	vor.u32 v32, v41;
	[tilespmem:v62+s28+$0x0] =	vst.idx.add.f32.msk $0xffff, v43  }
0x1d7: {  	s3 =	simm.s32 $0x1;
	v43 =	vor.u32 v33, v41;
	v41 =	vor.u32 v34, v41;
	[tilespmem:v63+s28+$0x0] =	vst.idx.add.f32.msk $0xffff, v46  }
.LBB2_10:
0x1d8: {  	p0 =	sne.s32 s3, $0x7F  }
0x1d9: {  	[tilespmem:v45+s28+$0x0] =	vst.idx.add.f32.msk $0xffff, v39;
	s1 =	sadd.s32 $0x10, s1;
	s0 =	smov.u32 s3;
	s3 =	sadd.s32 $0x1, s3  }
0x1da: {  	[tilespmem:v44+s28+$0x0] =	vst.idx.add.f32.msk $0xffff, v37  }
0x1db: {  	s4 =	sshll.u32 s0, $0x7;
	s0 =	sshll.u32 s0, $0x4;
	[tilespmem:v42+s28+$0x0] =	vst.idx.add.f32.msk $0xffff, v38  }
0x1dc: {  	s5 =	sand.u32 $0x70, s1;
	s4 =	sand.u32 $0xFFFFFC00, s4;
	s6 =	sand.u32 $0x3FFFFF80, s0;
	[tilespmem:v43+s28+$0x0] =	vst.idx.add.f32.msk $0xffff, v40  }
0x1dd: {  	s0 =	sor.u32 s5, s4;
	s4 =	sor.u32 s5, s6;
	[tilespmem:v41+s28+$0x0] =	vst.idx.add.f32.msk $0xffff, v36  }
0x1de: {  	v36 =	vld [tilespmem:s4+$0x14F10];
	_ =	sdelay $0x7  }
0x1df: {  	v36 =	vld.idx.msk [tilespmem:v36+s2+$0x0], $0xffff;
	_ =	sdelay $0x5  }
0x1e0: {  	v41 =	vshll.u32 v36, $0x7  }
0x1e1: {  	v36 =	vor.u32 v2, v41  }
0x1e2: {  	v37 =	vor.u32 s0, v6  }
0x1e3: {  	v38 =	vor.u32 s0, v5  }
0x1e4: {  	v39 =	vor.u32 s0, v4  }
0x1e5: {  	v40 =	vor.u32 s0, v7  }
0x1e6: {  	[tilespmem:v36+s28+$0x0] =	vst.idx.add.f32.msk $0xffff, v3;
	v36 =	vor.u32 s0, v8  }
0x1e7: {  	v42 =	vor.u32 s0, v9;
	v37 =	vld.idx.msk [tilespmem:v37+s24+$0x0], $0xffff  }
0x1e8: {  	v43 =	vor.u32 s0, v10;
	v38 =	vld.idx.msk [tilespmem:v38+s24+$0x0], $0xffff  }
0x1e9: {  	v44 =	vor.u32 s0, v11;
	v39 =	vld.idx.msk [tilespmem:v39+s24+$0x0], $0xffff  }
0x1ea: {  	v45 =	vor.u32 v1, v41;
	v40 =	vld.idx.msk [tilespmem:v40+s24+$0x0], $0xffff  }
0x1eb: {  	v46 =	vor.u32 v12, v41;
	v36 =	vld.idx.msk [tilespmem:v36+s24+$0x0], $0xffff  }
0x1ec: {  	v47 =	vor.u32 v13, v41;
	v42 =	vld.idx.msk [tilespmem:v42+s24+$0x0], $0xffff  }
0x1ed: {  	v48 =	vor.u32 v14, v41;
	v43 =	vld.idx.msk [tilespmem:v43+s24+$0x0], $0xffff  }
0x1ee: {  	v49 =	vor.u32 v15, v41;
	v44 =	vld.idx.msk [tilespmem:v44+s24+$0x0], $0xffff  }
0x1ef: {  	[tilespmem:v45+s28+$0x0] =	vst.idx.add.f32.msk $0xffff, v39;
	v39 =	vor.u32 v16, v41  }
0x1f0: {  	[tilespmem:v46+s28+$0x0] =	vst.idx.add.f32.msk $0xffff, v38;
	v38 =	vor.u32 v17, v41  }
0x1f1: {  	[tilespmem:v47+s28+$0x0] =	vst.idx.add.f32.msk $0xffff, v37;
	v37 =	vor.u32 v18, v41  }
0x1f2: {  	[tilespmem:v48+s28+$0x0] =	vst.idx.add.f32.msk $0xffff, v40;
	v40 =	vor.u32 s0, v21  }
0x1f3: {  	v45 =	vor.u32 s0, v20;
	[tilespmem:v49+s28+$0x0] =	vst.idx.add.f32.msk $0xffff, v36;
	v36 =	vor.u32 s0, v19  }
0x1f4: {  	[tilespmem:v39+s28+$0x0] =	vst.idx.add.f32.msk $0xffff, v42  }
0x1f5: {  	[tilespmem:v38+s28+$0x0] =	vst.idx.add.f32.msk $0xffff, v43;
	v38 =	vor.u32 s0, v22  }
0x1f6: {  	[tilespmem:v37+s28+$0x0] =	vst.idx.add.f32.msk $0xffff, v44;
	v37 =	vor.u32 s0, v23  }
0x1f7: {  	v46 =	vld.idx.msk [tilespmem:v40+s24+$0x0], $0xffff;
	v40 =	vor.u32 s0, v24  }
0x1f8: {  	v42 =	vor.u32 s0, v27;
	v47 =	vld.idx.msk [tilespmem:v45+s24+$0x0], $0xffff  }
0x1f9: {  	v48 =	vor.u32 s0, v25;
	v49 =	vor.u32 v26, v41;
	v43 =	vld.idx.msk [tilespmem:v36+s24+$0x0], $0xffff  }
0x1fa: {  	v50 =	vor.u32 v28, v41;
	v39 =	vld.idx.msk [tilespmem:v38+s24+$0x0], $0xffff  }
0x1fb: {  	v51 =	vor.u32 v29, v41;
	v37 =	vld.idx.msk [tilespmem:v37+s24+$0x0], $0xffff  }
0x1fc: {  	v45 =	vor.u32 v30, v41;
	v38 =	vld.idx.msk [tilespmem:v40+s24+$0x0], $0xffff  }
.Ltmp4:
0x1fd: {  	v44 =	vor.u32 v31, v41;
	v36 =	vld.idx.msk [tilespmem:v42+s24+$0x0], $0xffff;
	(pc) =	sbr.rel @p0 .LBB2_10-.Ltmp4, $4  }
0x1fe: {  	v42 =	vor.u32 v32, v41;
	v40 =	vld.idx.msk [tilespmem:v48+s24+$0x0], $0xffff  }
0x1ff: {  	[tilespmem:v49+s28+$0x0] =	vst.idx.add.f32.msk $0xffff, v43;
	v43 =	vor.u32 v33, v41  }
0x200: {  	v41 =	vor.u32 v34, v41;
	[tilespmem:v50+s28+$0x0] =	vst.idx.add.f32.msk $0xffff, v47  }
0x201: {  	[tilespmem:v51+s28+$0x0] =	vst.idx.add.f32.msk $0xffff, v46  }
0x202: {  	_ =	sdelay $0x3  }
0x203: {  	[tilespmem:v45+s28+$0x0] =	vst.idx.add.f32.msk $0xffff, v39  }
0x204: {  	[tilespmem:v44+s28+$0x0] =	vst.idx.add.f32.msk $0xffff, v37  }
0x205: {  	[tilespmem:v42+s28+$0x0] =	vst.idx.add.f32.msk $0xffff, v38  }
0x206: {  	[tilespmem:v43+s28+$0x0] =	vst.idx.add.f32.msk $0xffff, v40  }
0x207: {  	[tilespmem:v41+s28+$0x0] =	vst.idx.add.f32.msk $0xffff, v36  }
0x208: {  	_ =	swait.ge [sflag:s26], $0x8000  }
0x209: {  	[sflag:s26] =	ssyncset.done $0x0  }
0x20a: {  	s0 =	sshra.s32 s16, $0x3;
	[sflag:s26] =	ssyncadd.s32 $0xFFFF8000  }
0x20b: {  	s1 =	simm.s32 $0x0;
	s3 =	sshll.u32 s0, $0x9;
	_ =	swait.ge [sflag:s26], $0x800  }
0x20c: {  	s4 =	sand.u32 $0x70, s1;
	s3 =	sshra.s32 s3, $0x2;
	[sflag:s26] =	ssyncset.done $0x0  }
0x20d: {  	s3 =	sor.u32 s4, s3;
	[sflag:s26] =	ssyncadd.s32 $0xFFFFF800  }
0x20e: {  	v60 =	vld [tilespmem:s3+$0x14710];
	_ =	sdelay $0x7  }
0x20f: {  	v36 =	vld.idx.msk [tilespmem:v60+s2+$0x0], $0xffff;
	_ =	sdelay $0x2  }
0x210: {  	s0 =	sshll.u32 s0, $0xA  }
0x211: {  	s0 =	sor.u32 s4, s0  }
0x212: {  	v61 =	vadd.s32 s0, v6;
	v41 =	vshll.u32 v36, $0x7  }
0x213: {  	v62 =	vadd.s32 s0, v5;
	v37 =	vand.u32 $0xFFFFFFF8, v61;
	v63 =	vor.u32 v2, v41  }
0x214: {  	v47 =	vadd.s32 s0, v4;
	v37 =	vor.u32 v35, v37;
	v36 =	vand.u32 $0xFFFFFFF8, v62  }
0x215: {  	v48 =	vadd.s32 s0, v7;
	v39 =	vand.u32 $0xFFFFFFF8, v47;
	v36 =	vor.u32 v35, v36  }
0x216: {  	v49 =	vadd.s32 s0, v8;
	v40 =	vand.u32 $0xFFFFFFF8, v48;
	v39 =	vor.u32 v35, v39  }
0x217: {  	v50 =	vadd.s32 s0, v9;
	v42 =	vand.u32 $0xFFFFFFF8, v49;
	v40 =	vor.u32 v35, v40  }
0x218: {  	v51 =	vadd.s32 s0, v10;
	v43 =	vand.u32 $0xFFFFFFF8, v50;
	v52 =	vor.u32 v35, v42;
	[tilespmem:v63+s28+$0x0] =	vst.idx.add.f32.msk $0xffff, v3  }
0x219: {  	v53 =	vadd.s32 s0, v11;
	v44 =	vand.u32 $0xFFFFFFF8, v51;
	v43 =	vor.u32 v35, v43;
	v37 =	vld.idx.msk [tilespmem:v37+s19+$0x0], $0xffff  }
0x21a: {  	v42 =	vand.u32 $0xFFFFFFF8, v53;
	v44 =	vor.u32 v35, v44;
	v36 =	vld.idx.msk [tilespmem:v36+s19+$0x0], $0xffff  }
0x21b: {  	v42 =	vor.u32 v35, v42;
	v39 =	vld.idx.msk [tilespmem:v39+s19+$0x0], $0xffff  }
0x21c: {  	v54 =	vor.u32 v1, v41;
	v40 =	vld.idx.msk [tilespmem:v40+s19+$0x0], $0xffff  }
0x21d: {  	v46 =	vor.u32 v12, v41;
	v38 =	vld.idx.msk [tilespmem:v52+s19+$0x0], $0xffff  }
0x21e: {  	v47 =	vor.u32 v13, v41;
	v43 =	vld.idx.msk [tilespmem:v43+s19+$0x0], $0xffff  }
0x21f: {  	v48 =	vor.u32 v14, v41;
	v44 =	vld.idx.msk [tilespmem:v44+s19+$0x0], $0xffff  }
0x220: {  	v49 =	vor.u32 v15, v41;
	v42 =	vld.idx.msk [tilespmem:v42+s19+$0x0], $0xffff  }
0x221: {  	v55 =	vor.u32 v16, v41;
	[tilespmem:v54+s28+$0x0] =	vst.idx.add.f32.msk $0xffff, v39  }
0x222: {  	v56 =	vadd.s32 s0, v21;
	v57 =	vor.u32 v17, v41;
	[tilespmem:v46+s28+$0x0] =	vst.idx.add.f32.msk $0xffff, v36  }
0x223: {  	v58 =	vadd.s32 s0, v20;
	v45 =	vand.u32 $0xFFFFFFF8, v56;
	v59 =	vor.u32 v18, v41;
	[tilespmem:v47+s28+$0x0] =	vst.idx.add.f32.msk $0xffff, v37  }
0x224: {  	v61 =	vor.u32 v35, v45;
	v60 =	vadd.s32 s0, v19;
	v46 =	vand.u32 $0xFFFFFFF8, v58;
	[tilespmem:v48+s28+$0x0] =	vst.idx.add.f32.msk $0xffff, v40  }
0x225: {  	v62 =	vadd.s32 s0, v22;
	v47 =	vand.u32 $0xFFFFFFF8, v60;
	v63 =	vor.u32 v35, v46;
	[tilespmem:v49+s28+$0x0] =	vst.idx.add.f32.msk $0xffff, v38  }
0x226: {  	v45 =	vand.u32 $0xFFFFFFF8, v62;
	v54 =	vadd.s32 s0, v25;
	v47 =	vor.u32 v35, v47;
	[tilespmem:v55+s28+$0x0] =	vst.idx.add.f32.msk $0xffff, v43  }
0x227: {  	v51 =	vor.u32 v35, v45;
	v39 =	vand.u32 $0xFFFFFFF8, v54;
	v48 =	vadd.s32 s0, v23;
	[tilespmem:v57+s28+$0x0] =	vst.idx.add.f32.msk $0xffff, v44  }
0x228: {  	v50 =	vadd.s32 s0, v24;
	v60 =	vor.u32 v35, v39;
	v49 =	vand.u32 $0xFFFFFFF8, v48;
	[tilespmem:v59+s28+$0x0] =	vst.idx.add.f32.msk $0xffff, v42  }
0x229: {  	v52 =	vadd.s32 s0, v27;
	v43 =	vand.u32 $0xFFFFFFF8, v50;
	v53 =	vor.u32 v35, v49;
	v56 =	vld.idx.msk [tilespmem:v61+s19+$0x0], $0xffff  }
0x22a: {  	v55 =	vand.u32 $0xFFFFFFF8, v52;
	v57 =	vor.u32 v35, v43;
	v58 =	vld.idx.msk [tilespmem:v63+s19+$0x0], $0xffff  }
0x22b: {  	v42 =	vor.u32 v35, v55;
	v59 =	vld.idx.msk [tilespmem:v47+s19+$0x0], $0xffff  }
0x22c: {  	v61 =	vor.u32 v26, v41;
	v39 =	vld.idx.msk [tilespmem:v51+s19+$0x0], $0xffff  }
0x22d: {  	v62 =	vor.u32 v28, v41;
	v40 =	vld.idx.msk [tilespmem:v60+s19+$0x0], $0xffff  }
0x22e: {  	p0 =	sne.s32 s16, $0x7F;
	v63 =	vor.u32 v29, v41;
	v37 =	vld.idx.msk [tilespmem:v53+s19+$0x0], $0xffff  }
.Ltmp5:
0x22f: {  	v38 =	vld.idx.msk [tilespmem:v57+s19+$0x0], $0xffff;
	(pc) =	sbr.rel @!p0 .LBB2_13-.Ltmp5, $4  }
0x230: {  	v45 =	vor.u32 v30, v41;
	v36 =	vld.idx.msk [tilespmem:v42+s19+$0x0], $0xffff  }
0x231: {  	v42 =	vor.u32 v31, v41;
	[tilespmem:v61+s28+$0x0] =	vst.idx.add.f32.msk $0xffff, v59  }
0x232: {  	v43 =	vor.u32 v32, v41;
	[tilespmem:v62+s28+$0x0] =	vst.idx.add.f32.msk $0xffff, v58  }
0x233: {  	s3 =	sadd.s32 $0x1, s16;
	v44 =	vor.u32 v33, v41;
	v41 =	vor.u32 v34, v41;
	[tilespmem:v63+s28+$0x0] =	vst.idx.add.f32.msk $0xffff, v56  }
.LBB2_12:
0x234: {  	p0 =	sne.s32 s3, $0x7F  }
0x235: {  	[tilespmem:v45+s28+$0x0] =	vst.idx.add.f32.msk $0xffff, v39;
	s1 =	sadd.s32 $0x10, s1;
	s0 =	smov.u32 s3;
	s3 =	sadd.s32 $0x1, s3  }
0x236: {  	s0 =	sshra.s32 s0, $0x3;
	[tilespmem:v42+s28+$0x0] =	vst.idx.add.f32.msk $0xffff, v37  }
0x237: {  	s4 =	sshll.u32 s0, $0x9;
	[tilespmem:v43+s28+$0x0] =	vst.idx.add.f32.msk $0xffff, v38  }
0x238: {  	s5 =	sand.u32 $0x70, s1;
	s0 =	sshll.u32 s0, $0xA;
	s4 =	sshra.s32 s4, $0x2;
	[tilespmem:v44+s28+$0x0] =	vst.idx.add.f32.msk $0xffff, v40  }
0x239: {  	s0 =	sor.u32 s5, s0;
	s4 =	sor.u32 s5, s4;
	[tilespmem:v41+s28+$0x0] =	vst.idx.add.f32.msk $0xffff, v36  }
0x23a: {  	v37 =	vadd.s32 s0, v4;
	v38 =	vadd.s32 s0, v5;
	v39 =	vadd.s32 s0, v6;
	v36 =	vld [tilespmem:s4+$0x14710]  }
0x23b: {  	v37 =	vand.u32 $0xFFFFFFF8, v37;
	v38 =	vand.u32 $0xFFFFFFF8, v38;
	v39 =	vand.u32 $0xFFFFFFF8, v39  }
0x23c: {  	v40 =	vadd.s32 s0, v7;
	v41 =	vadd.s32 s0, v8;
	v42 =	vadd.s32 s0, v9  }
0x23d: {  	v40 =	vand.u32 $0xFFFFFFF8, v40;
	v41 =	vand.u32 $0xFFFFFFF8, v41;
	v42 =	vand.u32 $0xFFFFFFF8, v42  }
0x23e: {  	v43 =	vadd.s32 s0, v10;
	v44 =	vadd.s32 s0, v11;
	v45 =	vadd.s32 s0, v21  }
0x23f: {  	v43 =	vand.u32 $0xFFFFFFF8, v43;
	v44 =	vand.u32 $0xFFFFFFF8, v44;
	v45 =	vand.u32 $0xFFFFFFF8, v45  }
0x240: {  	v46 =	vadd.s32 s0, v19;
	v47 =	vadd.s32 s0, v20;
	v48 =	vadd.s32 s0, v22  }
0x241: {  	v49 =	vadd.s32 s0, v23;
	v47 =	vand.u32 $0xFFFFFFF8, v47;
	v48 =	vand.u32 $0xFFFFFFF8, v48  }
0x242: {  	v50 =	vadd.s32 s0, v24;
	v51 =	vadd.s32 s0, v27;
	v49 =	vand.u32 $0xFFFFFFF8, v49;
	v36 =	vld.idx.msk [tilespmem:v36+s2+$0x0], $0xffff  }
0x243: {  	v52 =	vadd.s32 s0, v25;
	v50 =	vand.u32 $0xFFFFFFF8, v50;
	v51 =	vand.u32 $0xFFFFFFF8, v51  }
0x244: {  	v52 =	vand.u32 $0xFFFFFFF8, v52;
	_ =	sdelay $0x3  }
0x245: {  	v53 =	vshll.u32 v36, $0x7  }
0x246: {  	v36 =	vor.u32 v2, v53  }
0x247: {  	v39 =	vor.u32 v35, v39  }
0x248: {  	v38 =	vor.u32 v35, v38  }
0x249: {  	v37 =	vor.u32 v35, v37  }
0x24a: {  	v40 =	vor.u32 v35, v40  }
0x24b: {  	[tilespmem:v36+s28+$0x0] =	vst.idx.add.f32.msk $0xffff, v3;
	v36 =	vor.u32 v35, v41  }
0x24c: {  	v41 =	vor.u32 v35, v42;
	v39 =	vld.idx.msk [tilespmem:v39+s19+$0x0], $0xffff  }
0x24d: {  	v42 =	vor.u32 v35, v43;
	v38 =	vld.idx.msk [tilespmem:v38+s19+$0x0], $0xffff  }
0x24e: {  	v43 =	vor.u32 v35, v44;
	v37 =	vld.idx.msk [tilespmem:v37+s19+$0x0], $0xffff  }
0x24f: {  	v44 =	vor.u32 v1, v53;
	v40 =	vld.idx.msk [tilespmem:v40+s19+$0x0], $0xffff  }
0x250: {  	v54 =	vor.u32 v12, v53;
	v36 =	vld.idx.msk [tilespmem:v36+s19+$0x0], $0xffff  }
0x251: {  	v55 =	vor.u32 v13, v53;
	v41 =	vld.idx.msk [tilespmem:v41+s19+$0x0], $0xffff  }
0x252: {  	v56 =	vor.u32 v14, v53;
	v42 =	vld.idx.msk [tilespmem:v42+s19+$0x0], $0xffff  }
0x253: {  	v57 =	vor.u32 v15, v53;
	v43 =	vld.idx.msk [tilespmem:v43+s19+$0x0], $0xffff  }
0x254: {  	[tilespmem:v44+s28+$0x0] =	vst.idx.add.f32.msk $0xffff, v37;
	v37 =	vor.u32 v16, v53  }
0x255: {  	[tilespmem:v54+s28+$0x0] =	vst.idx.add.f32.msk $0xffff, v38;
	v38 =	vor.u32 v17, v53  }
0x256: {  	[tilespmem:v55+s28+$0x0] =	vst.idx.add.f32.msk $0xffff, v39;
	v39 =	vor.u32 v18, v53  }
0x257: {  	v44 =	vor.u32 v35, v45;
	[tilespmem:v56+s28+$0x0] =	vst.idx.add.f32.msk $0xffff, v40;
	v40 =	vand.u32 $0xFFFFFFF8, v46  }
0x258: {  	[tilespmem:v57+s28+$0x0] =	vst.idx.add.f32.msk $0xffff, v36;
	v36 =	vor.u32 v35, v40;
	v40 =	vor.u32 v35, v47  }
0x259: {  	[tilespmem:v37+s28+$0x0] =	vst.idx.add.f32.msk $0xffff, v41  }
0x25a: {  	v37 =	vor.u32 v35, v48;
	[tilespmem:v38+s28+$0x0] =	vst.idx.add.f32.msk $0xffff, v42  }
0x25b: {  	v38 =	vor.u32 v35, v49;
	[tilespmem:v39+s28+$0x0] =	vst.idx.add.f32.msk $0xffff, v43  }
0x25c: {  	v41 =	vor.u32 v35, v50;
	v46 =	vld.idx.msk [tilespmem:v44+s19+$0x0], $0xffff  }
0x25d: {  	v47 =	vld.idx.msk [tilespmem:v40+s19+$0x0], $0xffff;
	v40 =	vor.u32 v35, v51  }
0x25e: {  	v48 =	vor.u32 v26, v53;
	v43 =	vor.u32 v35, v52;
	v44 =	vld.idx.msk [tilespmem:v36+s19+$0x0], $0xffff  }
0x25f: {  	v49 =	vor.u32 v28, v53;
	v39 =	vld.idx.msk [tilespmem:v37+s19+$0x0], $0xffff  }
0x260: {  	v50 =	vor.u32 v29, v53;
	v37 =	vld.idx.msk [tilespmem:v38+s19+$0x0], $0xffff  }
0x261: {  	v45 =	vor.u32 v30, v53;
	v38 =	vld.idx.msk [tilespmem:v41+s19+$0x0], $0xffff  }
.Ltmp6:
0x262: {  	v42 =	vor.u32 v31, v53;
	v36 =	vld.idx.msk [tilespmem:v40+s19+$0x0], $0xffff;
	(pc) =	sbr.rel @p0 .LBB2_12-.Ltmp6, $4  }
0x263: {  	v40 =	vld.idx.msk [tilespmem:v43+s19+$0x0], $0xffff;
	v43 =	vor.u32 v32, v53  }
0x264: {  	[tilespmem:v48+s28+$0x0] =	vst.idx.add.f32.msk $0xffff, v44;
	v44 =	vor.u32 v33, v53  }
0x265: {  	v41 =	vor.u32 v34, v53;
	[tilespmem:v49+s28+$0x0] =	vst.idx.add.f32.msk $0xffff, v47  }
0x266: {  	[tilespmem:v50+s28+$0x0] =	vst.idx.add.f32.msk $0xffff, v46  }
.LBB2_13:
0x267: {  	_ =	sdelay $0x3  }
0x268: {  	[tilespmem:v45+s28+$0x0] =	vst.idx.add.f32.msk $0xffff, v39  }
0x269: {  	[tilespmem:v42+s28+$0x0] =	vst.idx.add.f32.msk $0xffff, v37  }
0x26a: {  	s31 =	sadd.s32 $0x1, s31;
	[tilespmem:v43+s28+$0x0] =	vst.idx.add.f32.msk $0xffff, v38  }
0x26b: {  	p0 =	sne.s32 s31, s15;
	[tilespmem:v44+s28+$0x0] =	vst.idx.add.f32.msk $0xffff, v40  }
.Ltmp7:
0x26c: {  	[tilespmem:v41+s28+$0x0] =	vst.idx.add.f32.msk $0xffff, v36;
	(pc) =	sbr.rel @p0 .LBB2_1-.Ltmp7, $4  }
0x26d: {  	[hbm4b:s14+s2] =	stream.linear.scatter [tilespmem:s28], [sflag:$0x4], $0x2000, $0x38;
	[tilespmem:$0x15710] =	vst v63  }
0x26e: {  	_ =	swait.ge [sflag:s30], $0x2000  }
0x26f: {  	[sflag:s30] =	ssyncset.done $0x0  }
0x270: {  	[sflag:s30] =	ssyncadd.s32 $0xFFFFE000  }
0x271: {  	_ =	sfence.sel $0x180000  }
0x272: {  	[bflag:$0x0] =	sbarrier.arrive $0xFFFF  }
0x273: {  	_ =	strace $0x90000047  }
0x274: {  	s0 =	stileid.u32;
	[bflag:$0x2] =	sbarrier.arrive $0xFFFF  }
0x275: {  	p0 =	sne.s32 s0, $0x0;
	s0 =	rddreg [dreg:$0x4]  }
0x276: {  	s0 =	sadd.s32 @!p0 $0x100000, s0  }
0x277: {  	[sflag:s0] =	ssyncadd.tile.s32 @!p0 $0x1;
	_ =	shalt  }
.Lfunc_end2:
_tile_overlayer_lowered:
.L_overlay_start_2:
0x278: {  	(tag) =	ssettag $0x2  }
0x279: {  	s0 =	rddreg [dreg:$0x0];
	s2 =	stileid.u32  }
0x27a: {  	s1 =	rddreg [dreg:$0x1];
	p0 =	sne.s32 s2, $0x0  }
0x27b: {  	s3 =	rddreg [dreg:$0x2];
	[bflag:$0x3] =	sbarrier.arrive $0xFFFF;
	s2 =	simm.s32 @!p0 $0x1C04  }
0x27c: {  	[timem:s3], [sflag:s2] =	dma.local @!p0 [hbm:s0], s1  }
0x27d: {  	s0 =	simm.s32 @!p0 $0x4  }
0x27e: {  	_ =	swait.ge @!p0 [sflag:s0], s1  }
0x27f: {  	s1 =	ssub.s32 @!p0 $0x0, s1;
	[sflag:s0] =	ssyncset.done @!p0 $0x0  }
0x280: {  	[sflag:s0] =	ssyncadd.s32 @!p0 s1  }
0x281: {  	[bflag:$0x3] =	sbarrier.arrive $0xFFFF  }
0x282: {  	_ =	shalt  }

</sc_bundles>
